<compile_context>
chip_gen: v7x
topology: tpu7x:2x2x1
jax: 0.10.2.dev20260603
libtpu: 0.0.44.dev20260713+nightly
codegen_flags: <defaults>
</compile_context>

<pallas_src>
import functools

import jax
import jax.numpy as jnp
from jax import lax
from jax.experimental import pallas as pl
from jax.experimental.pallas import tpu as pltpu
from jax.experimental.pallas import tpu_sc as plsc

NC = 2
NS = 16
NW = NC * NS
NBUF = 4
LOOK = 2


def _sc_kernel(N, E, K, V, D, C, EPT):
    per_w = N // 2 // NW
    n_chunks = per_w // C
    assert per_w % C == 0 and n_chunks % NBUF == 0 and n_chunks >= 2 * NBUF
    E_pad = ((E + EPT - 1) // EPT) * EPT
    half = EPT // 2
    mesh = plsc.VectorSubcoreMesh(
        core_axis_name="c", subcore_axis_name="s",
        num_cores=NC, num_subcores=NS)

    @functools.partial(
        pl.kernel,
        mesh=mesh,
        out_type=[
            jax.ShapeDtypeStruct((N // 2, 2 * D), jnp.float32),
            jax.ShapeDtypeStruct((E_pad, D), jnp.float32),
        ],
        scratch_types=[
            pltpu.VMEM((half * K,), jnp.int32),
            pltpu.VMEM((half * K, D), jnp.float32),
            pltpu.VMEM((per_w,), jnp.int32),
            pltpu.VMEM((per_w,), jnp.int32),
            pltpu.VMEM((NBUF, C, D), jnp.float32),
            pltpu.VMEM((NBUF, C, D), jnp.float32),
            pltpu.VMEM((EPT, D), jnp.float32),
            pltpu.SemaphoreType.DMA,
            pltpu.SemaphoreType.DMA((NBUF,)),
            pltpu.SemaphoreType.DMA((NBUF,)),
        ],
        compiler_params=pltpu.CompilerParams(use_tc_tiling_on_sc=False),
    )
    def k(ev_hbm, od_hbm, e2s_hbm, table_hbm, out_hbm, emb_hbm, eidx_v,
          s1rows, idx_ev, idx_od, rows_ev, rows_od, emb_v, isem, gsem,
          wsem):
        c = lax.axis_index("c")
        s = lax.axis_index("s")
        wid = s * NC + c
        woff = wid * per_w

        ev_copy = pltpu.async_copy(ev_hbm.at[pl.ds(woff, per_w)], idx_ev,
                                   isem)
        od_copy = pltpu.async_copy(od_hbm.at[pl.ds(woff, per_w)], idx_od,
                                   isem)

        base = jnp.minimum(s * EPT, E - EPT)
        for h in range(2):
            hbase = base + h * half
            pltpu.sync_copy(e2s_hbm.at[pl.ds(hbase * K, half * K)], eidx_v)
            pltpu.async_copy(table_hbm.at[eidx_v], s1rows, gsem.at[0]).wait()

            def env_body(e, _):
                for d in range(D // 16):
                    sl = pl.ds(d * 16, 16)
                    acc = s1rows[e * K, sl]
                    for j in range(1, K):
                        acc = acc + s1rows[e * K + j, sl]
                    emb_v[h * half + e, sl] = acc
                return 0

            lax.fori_loop(0, half, env_body, 0)
        pltpu.sync_copy(emb_v, emb_hbm.at[pl.ds(base, EPT)])
        plsc.subcore_barrier()
        ev_copy.wait()
        od_copy.wait()

        def start_gather(i, b):
            d1 = pltpu.async_copy(
                emb_hbm.at[idx_ev.at[pl.ds(i * C, C)]],
                rows_ev.at[b], gsem.at[b])
            d2 = pltpu.async_copy(
                emb_hbm.at[idx_od.at[pl.ds(i * C, C)]],
                rows_od.at[b], gsem.at[b])
            return d1, d2

        def wait_gather(i, b):
            pltpu.make_async_copy(
                emb_hbm.at[idx_ev.at[pl.ds(i * C, C)]],
                rows_ev.at[b], gsem.at[b]).wait()
            pltpu.make_async_copy(
                emb_hbm.at[idx_od.at[pl.ds(i * C, C)]],
                rows_od.at[b], gsem.at[b]).wait()

        def _wslices(i):
            blk = out_hbm.at[pl.ds(woff + i * C, C)]
            return blk.at[:, pl.ds(0, D)], blk.at[:, pl.ds(D, D)]

        def start_write(i, b):
            dst_ev, dst_od = _wslices(i)
            pltpu.async_copy(rows_ev.at[b], dst_ev, wsem.at[b])
            pltpu.async_copy(rows_od.at[b], dst_od, wsem.at[b])

        def wait_write(i, b):
            dst_ev, dst_od = _wslices(i)
            pltpu.make_async_copy(rows_ev.at[b], dst_ev, wsem.at[b]).wait()
            pltpu.make_async_copy(rows_od.at[b], dst_od, wsem.at[b]).wait()

        for b in range(LOOK):
            start_gather(b, b)
        for b in range(NBUF):
            i = b
            wait_gather(i, b)
            start_write(i, b)
            if b + LOOK < NBUF:
                start_gather(i + LOOK, b + LOOK)
            else:
                wait_write(i - LOOK, (b + LOOK) % NBUF)
                start_gather(i + LOOK, (b + LOOK) % NBUF)

        def group(g, _):
            for b in range(NBUF):
                i = g * NBUF + b
                wait_gather(i, b)
                start_write(i, b)
                j = i + LOOK
                bj = (b + LOOK) % NBUF
                wait_write(j - NBUF, bj)

                @pl.when(j < n_chunks)
                def _():
                    start_gather(j, bj)

            return 0

        lax.fori_loop(1, n_chunks // NBUF, group, 0)

        for t in range(LOOK):
            i = n_chunks - LOOK + t
            wait_write(i, i % NBUF)

    return k


def _tc_transpose(B, L, D, BB):
    L2 = L // 2

    def body(in_ref, out_ref):
        x3 = in_ref[...].reshape(BB, L2, 2 * D)
        for l in range(L):
            slab = x3[:, l % L2, (l // L2) * D:(l // L2 + 1) * D]
            out_ref[l] = jnp.transpose(slab)

    return pl.pallas_call(
        body,
        grid=(B // BB,),
        in_specs=[pl.BlockSpec((BB * L2, 2 * D), lambda i: (i, 0))],
        out_specs=pl.BlockSpec((L, D, BB), lambda i: (0, 0, i)),
        out_shape=jax.ShapeDtypeStruct((L, D, B), jnp.float32),
    )


def kernel(env_ids, env2sketchs, sketch_table):
    B, L = env_ids.shape
    E, K = env2sketchs.shape
    V, D = sketch_table.shape
    N = B * L
    ids32 = env_ids.astype(jnp.int32)
    ids_ev = ids32[:, :L // 2].reshape(-1)
    ids_od = ids32[:, L // 2:].reshape(-1)
    e2s = env2sketchs.reshape(-1).astype(jnp.int32)
    table = sketch_table.astype(jnp.float32)
    sc = _sc_kernel(N, E, K, V, D, C=160, EPT=64)
    pairs, _ = sc(ids_ev, ids_od, e2s, table)
    out_t = _tc_transpose(B, L, D, BB=256)(pairs)
    return jnp.transpose(out_t, (2, 0, 1))

# --- scband reference (transcript-rebuilt; emitter-appended) ---
"""Pipeline reference for scband-sketch-embedding-49125835931940 (READ-ONLY COPY).

The authoritative reference and input builder live on the scoring server;
editing this copy changes nothing except your own understanding.
"""

import jax, jax.numpy as jnp
import numpy as np


def setup_inputs(seed: int = 0) -> dict:
    key = jax.random.key(seed)
    k1, k2, k3 = jax.random.split(key, 3)
    # env ids to look up (batch of histories)
    env_ids = jax.random.randint(k1, (16384, 50), 0, 1000, dtype=jnp.int64)
    # hard-coded ENV_EMB table: each env maps to 8 sketch ids
    env2sketchs = jax.random.randint(k2, (1000, 8), 0, 100000, dtype=jnp.int64)
    # learned sketch embedding table: num_embeddings = env2sketchs.max()+1 ~ 100000, emb_size = 64
    sketch_table = jax.random.normal(k3, (100000, 64), dtype=jnp.float32)
    return {"env_ids": env_ids, "env2sketchs": env2sketchs, "sketch_table": sketch_table}


def reference(env_ids, env2sketchs, sketch_table):
    # sketchs = F.embedding(env_ids, env2sketchs)  -> gather rows of the int mapping table
    sketchs = jnp.take(env2sketchs, env_ids, axis=0)          # [B, L, 8]
    # sketchs_emb = self.sketch_embedding(sketchs)
    sketchs_emb = jnp.take(sketch_table, sketchs, axis=0)     # [B, L, 8, 64]
    # sum over the sketch dimension
    return sketchs_emb.sum(-2)                                 # [B, L, 64]

if __name__ == "__main__":
    import jax
    _d = setup_inputs()
    print(jax.jit(kernel)(*tuple(_d.values())))

</pallas_src>

<mosaic_0001>
#map = affine_map<(d0, d1) -> (0)>
#map1 = affine_map<(d0, d1) -> (0, 0)>
module attributes {stable_mosaic.version = 14 : i64} {
  func.func @k(%arg0: i32, %arg1: i32, %arg2: memref<409600xi32, #tpu.memory_space<hbm>>, %arg3: memref<409600xi32, #tpu.memory_space<hbm>>, %arg4: memref<8000xi32, #tpu.memory_space<hbm>>, %arg5: memref<100000x64xf32, #tpu.memory_space<hbm>>, %arg6: memref<409600x128xf32, #tpu.memory_space<hbm>>, %arg7: memref<1024x64xf32, #tpu.memory_space<hbm>>, %arg8: memref<256xi32, #tpu.memory_space<vmem>>, %arg9: memref<256x64xf32, #tpu.memory_space<vmem>>, %arg10: memref<12800xi32, #tpu.memory_space<vmem>>, %arg11: memref<12800xi32, #tpu.memory_space<vmem>>, %arg12: memref<4x160x64xf32, #tpu.memory_space<vmem>>, %arg13: memref<4x160x64xf32, #tpu.memory_space<vmem>>, %arg14: memref<64x64xf32, #tpu.memory_space<vmem>>, %arg15: memref<!tpu.dma_semaphore, #tpu.memory_space<semaphore_mem>>, %arg16: memref<4x!tpu.dma_semaphore, #tpu.memory_space<semaphore_mem>>, %arg17: memref<4x!tpu.dma_semaphore, #tpu.memory_space<semaphore_mem>>) attributes {dimension_semantics = [#tpu.dimension_semantics<core_parallel>, #tpu.dimension_semantics<subcore_parallel>], iteration_bounds = array<i64: 2, 16>, scalar_prefetch = 0 : i64, scratch_operands = 10 : i64, tpu.core_type = #tpu.core_type<sc_vector_subcore>, window_params = [{transform_indices = #map}, {transform_indices = #map}, {transform_indices = #map}, {transform_indices = #map1}, {transform_indices = #map1}, {transform_indices = #map1}]} {
    %mul3A = arith.constant 2 : i32
    %mul3A_0 = arith.muli %arg1, %mul3A : i32
    %add3A = arith.addi %mul3A_0, %arg0 : i32
    %mul3A_1 = arith.constant 12800 : i32
    %mul3A_2 = arith.muli %add3A, %mul3A_1 : i32
    %dma_start3A = tpu.memref_slice %arg2[%mul3A_2] : memref<409600xi32, #tpu.memory_space<hbm>> -> memref<12800xi32, #tpu.memory_space<hbm>>
    %dma_start3A_3 = tpu.memref_slice %arg2[%mul3A_2] : memref<409600xi32, #tpu.memory_space<hbm>> -> memref<12800xi32, #tpu.memory_space<hbm>>
    tpu.enqueue_dma source(%dma_start3A_3 : memref<12800xi32, #tpu.memory_space<hbm>>) target(%arg10 : memref<12800xi32, #tpu.memory_space<vmem>>) target_semaphore(%arg15 : memref<!tpu.dma_semaphore, #tpu.memory_space<semaphore_mem>>)
    %dma_start3A_4 = tpu.memref_slice %arg3[%mul3A_2] : memref<409600xi32, #tpu.memory_space<hbm>> -> memref<12800xi32, #tpu.memory_space<hbm>>
    %dma_start3A_5 = tpu.memref_slice %arg3[%mul3A_2] : memref<409600xi32, #tpu.memory_space<hbm>> -> memref<12800xi32, #tpu.memory_space<hbm>>
    tpu.enqueue_dma source(%dma_start3A_5 : memref<12800xi32, #tpu.memory_space<hbm>>) target(%arg11 : memref<12800xi32, #tpu.memory_space<vmem>>) target_semaphore(%arg15 : memref<!tpu.dma_semaphore, #tpu.memory_space<semaphore_mem>>)
    %mul3A_6 = arith.constant 64 : i32
    %mul3A_7 = arith.muli %arg1, %mul3A_6 : i32
    %min3A = arith.constant 936 : i32
    %min3A_8 = arith.minsi %mul3A_7, %min3A : i32
    %add3A_9 = arith.constant 0 : i32
    %add3A_10 = arith.addi %min3A_8, %add3A_9 : i32
    %mul3A_11 = arith.constant 8 : i32
    %mul3A_12 = arith.muli %add3A_10, %mul3A_11 : i32
    "tpu.region"() ({
      %run_scoped3A = tpu.sem_alloc : memref<!tpu.dma_semaphore, #tpu.memory_space<semaphore_mem>>
      %dma_start3A_692 = tpu.memref_slice %arg4[%mul3A_12] : memref<8000xi32, #tpu.memory_space<hbm>> -> memref<256xi32, #tpu.memory_space<hbm>>
      %dma_start3A_693 = tpu.memref_slice %arg4[%mul3A_12] : memref<8000xi32, #tpu.memory_space<hbm>> -> memref<256xi32, #tpu.memory_space<hbm>>
      tpu.enqueue_dma source(%dma_start3A_693 : memref<256xi32, #tpu.memory_space<hbm>>) target(%arg8 : memref<256xi32, #tpu.memory_space<vmem>>) target_semaphore(%run_scoped3A : memref<!tpu.dma_semaphore, #tpu.memory_space<semaphore_mem>>)
      %dma_wait3A_694 = tpu.memref_slice %arg4[%mul3A_12] : memref<8000xi32, #tpu.memory_space<hbm>> -> memref<256xi32, #tpu.memory_space<hbm>>
      %dma_wait3A_695 = tpu.memref_slice %arg4[%mul3A_12] : memref<8000xi32, #tpu.memory_space<hbm>> -> memref<256xi32, #tpu.memory_space<hbm>>
      tpu.wait_dma2 semaphore(%run_scoped3A : memref<!tpu.dma_semaphore, #tpu.memory_space<semaphore_mem>>) src(%dma_wait3A_695 : memref<256xi32, #tpu.memory_space<hbm>>) dst(%arg8 : memref<256xi32, #tpu.memory_space<vmem>>)
      tpu.yield
    }) : () -> ()
    %dma_start3A_13 = arith.constant 0 : i32
    %dma_start3A_14 = arith.constant 0 : i32
    %dma_start3A_15 = arith.constant 0 : i32
    %dma_start3A_16 = tpu.memref_slice %arg5[%dma_start3A_14, %dma_start3A_15] : memref<100000x64xf32, #tpu.memory_space<hbm>> -> memref<100000x64xf32, #tpu.memory_space<hbm>>
    %dma_start3A_17 = tpu.memref_slice %arg16[%dma_start3A_13] : memref<4x!tpu.dma_semaphore, #tpu.memory_space<semaphore_mem>> -> memref<1x!tpu.dma_semaphore, #tpu.memory_space<semaphore_mem>>
    %dma_start3A_18 = tpu.memref_squeeze %dma_start3A_17 : memref<1x!tpu.dma_semaphore, #tpu.memory_space<semaphore_mem>> -> memref<!tpu.dma_semaphore, #tpu.memory_space<semaphore_mem>>
    tpu.enqueue_indirect_dma source(%dma_start3A_16 : memref<100000x64xf32, #tpu.memory_space<hbm>>) target(%arg9 : memref<256x64xf32, #tpu.memory_space<vmem>>) offsets(%arg8 : memref<256xi32, #tpu.memory_space<vmem>>) semaphore(%dma_start3A_18 : memref<!tpu.dma_semaphore, #tpu.memory_space<semaphore_mem>>)
    %dma_wait3A = arith.constant 0 : i32
    %dma_wait3A_19 = arith.constant 0 : i32
    %dma_wait3A_20 = arith.constant 0 : i32
    %dma_wait3A_21 = tpu.memref_slice %arg5[%dma_wait3A_19, %dma_wait3A_20] : memref<100000x64xf32, #tpu.memory_space<hbm>> -> memref<100000x64xf32, #tpu.memory_space<hbm>>
    %dma_wait3A_22 = tpu.memref_slice %arg16[%dma_wait3A] : memref<4x!tpu.dma_semaphore, #tpu.memory_space<semaphore_mem>> -> memref<1x!tpu.dma_semaphore, #tpu.memory_space<semaphore_mem>>
    %dma_wait3A_23 = tpu.memref_squeeze %dma_wait3A_22 : memref<1x!tpu.dma_semaphore, #tpu.memory_space<semaphore_mem>> -> memref<!tpu.dma_semaphore, #tpu.memory_space<semaphore_mem>>
    tpu.wait_indirect_dma semaphore(%dma_wait3A_23 : memref<!tpu.dma_semaphore, #tpu.memory_space<semaphore_mem>>) src(%dma_wait3A_21 : memref<100000x64xf32, #tpu.memory_space<hbm>>) dst(%arg9 : memref<256x64xf32, #tpu.memory_space<vmem>>)
    %scan3A = arith.constant 0 : i32
    %scan3A_24 = arith.constant 0 : i32
    %scan3A_25 = arith.constant 32 : i32
    %scan3A_26 = arith.addi %scan3A_24, %scan3A_25 : i32
    %scan3A_27 = arith.constant 1 : i32
    %scan3A_28 = scf.for %scan3A_692 = %scan3A_24 to %scan3A_26 step %scan3A_27 iter_args(%scan3A_693 = %scan3A) -> (i32)  : i32 {
      %mul3A_694 = arith.constant 8 : i32
      %mul3A_695 = arith.muli %scan3A_692, %mul3A_694 : i32
      %get3A = arith.index_cast %mul3A_695 : i32 to index
      %get3A_696 = arith.constant 0 : index
      %get3A_697 = tpu.vector_load %arg9[%get3A, %get3A_696] {strides = array<i32>} : memref<256x64xf32, #tpu.memory_space<vmem>>, vector<1x16xf32>,
      %get3A_698 = vector.shape_cast %get3A_697 : vector<1x16xf32> to vector<16xf32>
      %mul3A_699 = arith.constant 8 : i32
      %mul3A_700 = arith.muli %scan3A_692, %mul3A_699 : i32
      %add3A_701 = arith.constant 1 : i32
      %add3A_702 = arith.addi %mul3A_700, %add3A_701 : i32
      %get3A_703 = arith.index_cast %add3A_702 : i32 to index
      %get3A_704 = arith.constant 0 : index
      %get3A_705 = tpu.vector_load %arg9[%get3A_703, %get3A_704] {strides = array<i32>} : memref<256x64xf32, #tpu.memory_space<vmem>>, vector<1x16xf32>,
      %get3A_706 = vector.shape_cast %get3A_705 : vector<1x16xf32> to vector<16xf32>
      %add3A_707 = arith.addf %get3A_698, %get3A_706 : vector<16xf32>
      %mul3A_708 = arith.constant 8 : i32
      %mul3A_709 = arith.muli %scan3A_692, %mul3A_708 : i32
      %add3A_710 = arith.constant 2 : i32
      %add3A_711 = arith.addi %mul3A_709, %add3A_710 : i32
      %get3A_712 = arith.index_cast %add3A_711 : i32 to index
      %get3A_713 = arith.constant 0 : index
      %get3A_714 = tpu.vector_load %arg9[%get3A_712, %get3A_713] {strides = array<i32>} : memref<256x64xf32, #tpu.memory_space<vmem>>, vector<1x16xf32>,
      %get3A_715 = vector.shape_cast %get3A_714 : vector<1x16xf32> to vector<16xf32>
      %add3A_716 = arith.addf %add3A_707, %get3A_715 : vector<16xf32>
      %mul3A_717 = arith.constant 8 : i32
      %mul3A_718 = arith.muli %scan3A_692, %mul3A_717 : i32
      %add3A_719 = arith.constant 3 : i32
      %add3A_720 = arith.addi %mul3A_718, %add3A_719 : i32
      %get3A_721 = arith.index_cast %add3A_720 : i32 to index
      %get3A_722 = arith.constant 0 : index
      %get3A_723 = tpu.vector_load %arg9[%get3A_721, %get3A_722] {strides = array<i32>} : memref<256x64xf32, #tpu.memory_space<vmem>>, vector<1x16xf32>,
      %get3A_724 = vector.shape_cast %get3A_723 : vector<1x16xf32> to vector<16xf32>
      %add3A_725 = arith.addf %add3A_716, %get3A_724 : vector<16xf32>
      %mul3A_726 = arith.constant 8 : i32
      %mul3A_727 = arith.muli %scan3A_692, %mul3A_726 : i32
      %add3A_728 = arith.constant 4 : i32
      %add3A_729 = arith.addi %mul3A_727, %add3A_728 : i32
      %get3A_730 = arith.index_cast %add3A_729 : i32 to index
      %get3A_731 = arith.constant 0 : index
      %get3A_732 = tpu.vector_load %arg9[%get3A_730, %get3A_731] {strides = array<i32>} : memref<256x64xf32, #tpu.memory_space<vmem>>, vector<1x16xf32>,
      %get3A_733 = vector.shape_cast %get3A_732 : vector<1x16xf32> to vector<16xf32>
      %add3A_734 = arith.addf %add3A_725, %get3A_733 : vector<16xf32>
      %mul3A_735 = arith.constant 8 : i32
      %mul3A_736 = arith.muli %scan3A_692, %mul3A_735 : i32
      %add3A_737 = arith.constant 5 : i32
      %add3A_738 = arith.addi %mul3A_736, %add3A_737 : i32
      %get3A_739 = arith.index_cast %add3A_738 : i32 to index
      %get3A_740 = arith.constant 0 : index
      %get3A_741 = tpu.vector_load %arg9[%get3A_739, %get3A_740] {strides = array<i32>} : memref<256x64xf32, #tpu.memory_space<vmem>>, vector<1x16xf32>,
      %get3A_742 = vector.shape_cast %get3A_741 : vector<1x16xf32> to vector<16xf32>
      %add3A_743 = arith.addf %add3A_734, %get3A_742 : vector<16xf32>
      %mul3A_744 = arith.constant 8 : i32
      %mul3A_745 = arith.muli %scan3A_692, %mul3A_744 : i32
      %add3A_746 = arith.constant 6 : i32
      %add3A_747 = arith.addi %mul3A_745, %add3A_746 : i32
      %get3A_748 = arith.index_cast %add3A_747 : i32 to index
      %get3A_749 = arith.constant 0 : index
      %get3A_750 = tpu.vector_load %arg9[%get3A_748, %get3A_749] {strides = array<i32>} : memref<256x64xf32, #tpu.memory_space<vmem>>, vector<1x16xf32>,
      %get3A_751 = vector.shape_cast %get3A_750 : vector<1x16xf32> to vector<16xf32>
      %add3A_752 = arith.addf %add3A_743, %get3A_751 : vector<16xf32>
      %mul3A_753 = arith.constant 8 : i32
      %mul3A_754 = arith.muli %scan3A_692, %mul3A_753 : i32
      %add3A_755 = arith.constant 7 : i32
      %add3A_756 = arith.addi %mul3A_754, %add3A_755 : i32
      %get3A_757 = arith.index_cast %add3A_756 : i32 to index
      %get3A_758 = arith.constant 0 : index
      %get3A_759 = tpu.vector_load %arg9[%get3A_757, %get3A_758] {strides = array<i32>} : memref<256x64xf32, #tpu.memory_space<vmem>>, vector<1x16xf32>,
      %get3A_760 = vector.shape_cast %get3A_759 : vector<1x16xf32> to vector<16xf32>
      %add3A_761 = arith.addf %add3A_752, %get3A_760 : vector<16xf32>
      %add3A_762 = arith.constant 0 : i32
      %add3A_763 = arith.addi %add3A_762, %scan3A_692 : i32
      %swap3A = arith.index_cast %add3A_763 : i32 to index
      %swap3A_764 = arith.constant 0 : index
      %swap3A_765 = tpu.vector_load %arg14[%swap3A, %swap3A_764] {strides = array<i32>} : memref<64x64xf32, #tpu.memory_space<vmem>>, vector<1x16xf32>,
      %swap3A_766 = vector.shape_cast %swap3A_765 : vector<1x16xf32> to vector<16xf32>
      %swap3A_767 = vector.shape_cast %add3A_761 : vector<16xf32> to vector<1x16xf32>
      tpu.vector_store %arg14[%swap3A, %swap3A_764], %swap3A_767 {strides = array<i32>} : memref<64x64xf32, #tpu.memory_space<vmem>>, vector<1x16xf32>,
      %mul3A_768 = arith.constant 8 : i32
      %mul3A_769 = arith.muli %scan3A_692, %mul3A_768 : i32
      %get3A_770 = arith.index_cast %mul3A_769 : i32 to index
      %get3A_771 = arith.constant 16 : index
      %get3A_772 = tpu.vector_load %arg9[%get3A_770, %get3A_771] {strides = array<i32>} : memref<256x64xf32, #tpu.memory_space<vmem>>, vector<1x16xf32>,
      %get3A_773 = vector.shape_cast %get3A_772 : vector<1x16xf32> to vector<16xf32>
      %mul3A_774 = arith.constant 8 : i32
      %mul3A_775 = arith.muli %scan3A_692, %mul3A_774 : i32
      %add3A_776 = arith.constant 1 : i32
      %add3A_777 = arith.addi %mul3A_775, %add3A_776 : i32
      %get3A_778 = arith.index_cast %add3A_777 : i32 to index
      %get3A_779 = arith.constant 16 : index
      %get3A_780 = tpu.vector_load %arg9[%get3A_778, %get3A_779] {strides = array<i32>} : memref<256x64xf32, #tpu.memory_space<vmem>>, vector<1x16xf32>,
      %get3A_781 = vector.shape_cast %get3A_780 : vector<1x16xf32> to vector<16xf32>
      %add3A_782 = arith.addf %get3A_773, %get3A_781 : vector<16xf32>
      %mul3A_783 = arith.constant 8 : i32
      %mul3A_784 = arith.muli %scan3A_692, %mul3A_783 : i32
      %add3A_785 = arith.constant 2 : i32
      %add3A_786 = arith.addi %mul3A_784, %add3A_785 : i32
      %get3A_787 = arith.index_cast %add3A_786 : i32 to index
      %get3A_788 = arith.constant 16 : index
      %get3A_789 = tpu.vector_load %arg9[%get3A_787, %get3A_788] {strides = array<i32>} : memref<256x64xf32, #tpu.memory_space<vmem>>, vector<1x16xf32>,
      %get3A_790 = vector.shape_cast %get3A_789 : vector<1x16xf32> to vector<16xf32>
      %add3A_791 = arith.addf %add3A_782, %get3A_790 : vector<16xf32>
      %mul3A_792 = arith.constant 8 : i32
      %mul3A_793 = arith.muli %scan3A_692, %mul3A_792 : i32
      %add3A_794 = arith.constant 3 : i32
      %add3A_795 = arith.addi %mul3A_793, %add3A_794 : i32
      %get3A_796 = arith.index_cast %add3A_795 : i32 to index
      %get3A_797 = arith.constant 16 : index
      %get3A_798 = tpu.vector_load %arg9[%get3A_796, %get3A_797] {strides = array<i32>} : memref<256x64xf32, #tpu.memory_space<vmem>>, vector<1x16xf32>,
      %get3A_799 = vector.shape_cast %get3A_798 : vector<1x16xf32> to vector<16xf32>
      %add3A_800 = arith.addf %add3A_791, %get3A_799 : vector<16xf32>
      %mul3A_801 = arith.constant 8 : i32
      %mul3A_802 = arith.muli %scan3A_692, %mul3A_801 : i32
      %add3A_803 = arith.constant 4 : i32
      %add3A_804 = arith.addi %mul3A_802, %add3A_803 : i32
      %get3A_805 = arith.index_cast %add3A_804 : i32 to index
      %get3A_806 = arith.constant 16 : index
      %get3A_807 = tpu.vector_load %arg9[%get3A_805, %get3A_806] {strides = array<i32>} : memref<256x64xf32, #tpu.memory_space<vmem>>, vector<1x16xf32>,
      %get3A_808 = vector.shape_cast %get3A_807 : vector<1x16xf32> to vector<16xf32>
      %add3A_809 = arith.addf %add3A_800, %get3A_808 : vector<16xf32>
      %mul3A_810 = arith.constant 8 : i32
      %mul3A_811 = arith.muli %scan3A_692, %mul3A_810 : i32
      %add3A_812 = arith.constant 5 : i32
      %add3A_813 = arith.addi %mul3A_811, %add3A_812 : i32
      %get3A_814 = arith.index_cast %add3A_813 : i32 to index
      %get3A_815 = arith.constant 16 : index
      %get3A_816 = tpu.vector_load %arg9[%get3A_814, %get3A_815] {strides = array<i32>} : memref<256x64xf32, #tpu.memory_space<vmem>>, vector<1x16xf32>,
      %get3A_817 = vector.shape_cast %get3A_816 : vector<1x16xf32> to vector<16xf32>
      %add3A_818 = arith.addf %add3A_809, %get3A_817 : vector<16xf32>
      %mul3A_819 = arith.constant 8 : i32
      %mul3A_820 = arith.muli %scan3A_692, %mul3A_819 : i32
      %add3A_821 = arith.constant 6 : i32
      %add3A_822 = arith.addi %mul3A_820, %add3A_821 : i32
      %get3A_823 = arith.index_cast %add3A_822 : i32 to index
      %get3A_824 = arith.constant 16 : index
      %get3A_825 = tpu.vector_load %arg9[%get3A_823, %get3A_824] {strides = array<i32>} : memref<256x64xf32, #tpu.memory_space<vmem>>, vector<1x16xf32>,
      %get3A_826 = vector.shape_cast %get3A_825 : vector<1x16xf32> to vector<16xf32>
      %add3A_827 = arith.addf %add3A_818, %get3A_826 : vector<16xf32>
      %mul3A_828 = arith.constant 8 : i32
      %mul3A_829 = arith.muli %scan3A_692, %mul3A_828 : i32
      %add3A_830 = arith.constant 7 : i32
      %add3A_831 = arith.addi %mul3A_829, %add3A_830 : i32
      %get3A_832 = arith.index_cast %add3A_831 : i32 to index
      %get3A_833 = arith.constant 16 : index
      %get3A_834 = tpu.vector_load %arg9[%get3A_832, %get3A_833] {strides = array<i32>} : memref<256x64xf32, #tpu.memory_space<vmem>>, vector<1x16xf32>,
      %get3A_835 = vector.shape_cast %get3A_834 : vector<1x16xf32> to vector<16xf32>
      %add3A_836 = arith.addf %add3A_827, %get3A_835 : vector<16xf32>
      %add3A_837 = arith.constant 0 : i32
      %add3A_838 = arith.addi %add3A_837, %scan3A_692 : i32
      %swap3A_839 = arith.index_cast %add3A_838 : i32 to index
      %swap3A_840 = arith.constant 16 : index
      %swap3A_841 = tpu.vector_load %arg14[%swap3A_839, %swap3A_840] {strides = array<i32>} : memref<64x64xf32, #tpu.memory_space<vmem>>, vector<1x16xf32>,
      %swap3A_842 = vector.shape_cast %swap3A_841 : vector<1x16xf32> to vector<16xf32>
      %swap3A_843 = vector.shape_cast %add3A_836 : vector<16xf32> to vector<1x16xf32>
      tpu.vector_store %arg14[%swap3A_839, %swap3A_840], %swap3A_843 {strides = array<i32>} : memref<64x64xf32, #tpu.memory_space<vmem>>, vector<1x16xf32>,
      %mul3A_844 = arith.constant 8 : i32
      %mul3A_845 = arith.muli %scan3A_692, %mul3A_844 : i32
      %get3A_846 = arith.index_cast %mul3A_845 : i32 to index
      %get3A_847 = arith.constant 32 : index
      %get3A_848 = tpu.vector_load %arg9[%get3A_846, %get3A_847] {strides = array<i32>} : memref<256x64xf32, #tpu.memory_space<vmem>>, vector<1x16xf32>,
      %get3A_849 = vector.shape_cast %get3A_848 : vector<1x16xf32> to vector<16xf32>
      %mul3A_850 = arith.constant 8 : i32
      %mul3A_851 = arith.muli %scan3A_692, %mul3A_850 : i32
      %add3A_852 = arith.constant 1 : i32
      %add3A_853 = arith.addi %mul3A_851, %add3A_852 : i32
      %get3A_854 = arith.index_cast %add3A_853 : i32 to index
      %get3A_855 = arith.constant 32 : index
      %get3A_856 = tpu.vector_load %arg9[%get3A_854, %get3A_855] {strides = array<i32>} : memref<256x64xf32, #tpu.memory_space<vmem>>, vector<1x16xf32>,
      %get3A_857 = vector.shape_cast %get3A_856 : vector<1x16xf32> to vector<16xf32>
      %add3A_858 = arith.addf %get3A_849, %get3A_857 : vector<16xf32>
      %mul3A_859 = arith.constant 8 : i32
      %mul3A_860 = arith.muli %scan3A_692, %mul3A_859 : i32
      %add3A_861 = arith.constant 2 : i32
      %add3A_862 = arith.addi %mul3A_860, %add3A_861 : i32
      %get3A_863 = arith.index_cast %add3A_862 : i32 to index
      %get3A_864 = arith.constant 32 : index
      %get3A_865 = tpu.vector_load %arg9[%get3A_863, %get3A_864] {strides = array<i32>} : memref<256x64xf32, #tpu.memory_space<vmem>>, vector<1x16xf32>,
      %get3A_866 = vector.shape_cast %get3A_865 : vector<1x16xf32> to vector<16xf32>
      %add3A_867 = arith.addf %add3A_858, %get3A_866 : vector<16xf32>
      %mul3A_868 = arith.constant 8 : i32
      %mul3A_869 = arith.muli %scan3A_692, %mul3A_868 : i32
      %add3A_870 = arith.constant 3 : i32
      %add3A_871 = arith.addi %mul3A_869, %add3A_870 : i32
      %get3A_872 = arith.index_cast %add3A_871 : i32 to index
      %get3A_873 = arith.constant 32 : index
      %get3A_874 = tpu.vector_load %arg9[%get3A_872, %get3A_873] {strides = array<i32>} : memref<256x64xf32, #tpu.memory_space<vmem>>, vector<1x16xf32>,
      %get3A_875 = vector.shape_cast %get3A_874 : vector<1x16xf32> to vector<16xf32>
      %add3A_876 = arith.addf %add3A_867, %get3A_875 : vector<16xf32>
      %mul3A_877 = arith.constant 8 : i32
      %mul3A_878 = arith.muli %scan3A_692, %mul3A_877 : i32
      %add3A_879 = arith.constant 4 : i32
      %add3A_880 = arith.addi %mul3A_878, %add3A_879 : i32
      %get3A_881 = arith.index_cast %add3A_880 : i32 to index
      %get3A_882 = arith.constant 32 : index
      %get3A_883 = tpu.vector_load %arg9[%get3A_881, %get3A_882] {strides = array<i32>} : memref<256x64xf32, #tpu.memory_space<vmem>>, vector<1x16xf32>,
      %get3A_884 = vector.shape_cast %get3A_883 : vector<1x16xf32> to vector<16xf32>
      %add3A_885 = arith.addf %add3A_876, %get3A_884 : vector<16xf32>
      %mul3A_886 = arith.constant 8 : i32
      %mul3A_887 = arith.muli %scan3A_692, %mul3A_886 : i32
      %add3A_888 = arith.constant 5 : i32
      %add3A_889 = arith.addi %mul3A_887, %add3A_888 : i32
      %get3A_890 = arith.index_cast %add3A_889 : i32 to index
      %get3A_891 = arith.constant 32 : index
      %get3A_892 = tpu.vector_load %arg9[%get3A_890, %get3A_891] {strides = array<i32>} : memref<256x64xf32, #tpu.memory_space<vmem>>, vector<1x16xf32>,
      %get3A_893 = vector.shape_cast %get3A_892 : vector<1x16xf32> to vector<16xf32>
      %add3A_894 = arith.addf %add3A_885, %get3A_893 : vector<16xf32>
      %mul3A_895 = arith.constant 8 : i32
      %mul3A_896 = arith.muli %scan3A_692, %mul3A_895 : i32
      %add3A_897 = arith.constant 6 : i32
      %add3A_898 = arith.addi %mul3A_896, %add3A_897 : i32
      %get3A_899 = arith.index_cast %add3A_898 : i32 to index
      %get3A_900 = arith.constant 32 : index
      %get3A_901 = tpu.vector_load %arg9[%get3A_899, %get3A_900] {strides = array<i32>} : memref<256x64xf32, #tpu.memory_space<vmem>>, vector<1x16xf32>,
      %get3A_902 = vector.shape_cast %get3A_901 : vector<1x16xf32> to vector<16xf32>
      %add3A_903 = arith.addf %add3A_894, %get3A_902 : vector<16xf32>
      %mul3A_904 = arith.constant 8 : i32
      %mul3A_905 = arith.muli %scan3A_692, %mul3A_904 : i32
      %add3A_906 = arith.constant 7 : i32
      %add3A_907 = arith.addi %mul3A_905, %add3A_906 : i32
      %get3A_908 = arith.index_cast %add3A_907 : i32 to index
      %get3A_909 = arith.constant 32 : index
      %get3A_910 = tpu.vector_load %arg9[%get3A_908, %get3A_909] {strides = array<i32>} : memref<256x64xf32, #tpu.memory_space<vmem>>, vector<1x16xf32>,
      %get3A_911 = vector.shape_cast %get3A_910 : vector<1x16xf32> to vector<16xf32>
      %add3A_912 = arith.addf %add3A_903, %get3A_911 : vector<16xf32>
      %add3A_913 = arith.constant 0 : i32
      %add3A_914 = arith.addi %add3A_913, %scan3A_692 : i32
      %swap3A_915 = arith.index_cast %add3A_914 : i32 to index
      %swap3A_916 = arith.constant 32 : index
      %swap3A_917 = tpu.vector_load %arg14[%swap3A_915, %swap3A_916] {strides = array<i32>} : memref<64x64xf32, #tpu.memory_space<vmem>>, vector<1x16xf32>,
      %swap3A_918 = vector.shape_cast %swap3A_917 : vector<1x16xf32> to vector<16xf32>
      %swap3A_919 = vector.shape_cast %add3A_912 : vector<16xf32> to vector<1x16xf32>
      tpu.vector_store %arg14[%swap3A_915, %swap3A_916], %swap3A_919 {strides = array<i32>} : memref<64x64xf32, #tpu.memory_space<vmem>>, vector<1x16xf32>,
      %mul3A_920 = arith.constant 8 : i32
      %mul3A_921 = arith.muli %scan3A_692, %mul3A_920 : i32
      %get3A_922 = arith.index_cast %mul3A_921 : i32 to index
      %get3A_923 = arith.constant 48 : index
      %get3A_924 = tpu.vector_load %arg9[%get3A_922, %get3A_923] {strides = array<i32>} : memref<256x64xf32, #tpu.memory_space<vmem>>, vector<1x16xf32>,
      %get3A_925 = vector.shape_cast %get3A_924 : vector<1x16xf32> to vector<16xf32>
      %mul3A_926 = arith.constant 8 : i32
      %mul3A_927 = arith.muli %scan3A_692, %mul3A_926 : i32
      %add3A_928 = arith.constant 1 : i32
      %add3A_929 = arith.addi %mul3A_927, %add3A_928 : i32
      %get3A_930 = arith.index_cast %add3A_929 : i32 to index
      %get3A_931 = arith.constant 48 : index
      %get3A_932 = tpu.vector_load %arg9[%get3A_930, %get3A_931] {strides = array<i32>} : memref<256x64xf32, #tpu.memory_space<vmem>>, vector<1x16xf32>,
      %get3A_933 = vector.shape_cast %get3A_932 : vector<1x16xf32> to vector<16xf32>
      %add3A_934 = arith.addf %get3A_925, %get3A_933 : vector<16xf32>
      %mul3A_935 = arith.constant 8 : i32
      %mul3A_936 = arith.muli %scan3A_692, %mul3A_935 : i32
      %add3A_937 = arith.constant 2 : i32
      %add3A_938 = arith.addi %mul3A_936, %add3A_937 : i32
      %get3A_939 = arith.index_cast %add3A_938 : i32 to index
      %get3A_940 = arith.constant 48 : index
      %get3A_941 = tpu.vector_load %arg9[%get3A_939, %get3A_940] {strides = array<i32>} : memref<256x64xf32, #tpu.memory_space<vmem>>, vector<1x16xf32>,
      %get3A_942 = vector.shape_cast %get3A_941 : vector<1x16xf32> to vector<16xf32>
      %add3A_943 = arith.addf %add3A_934, %get3A_942 : vector<16xf32>
      %mul3A_944 = arith.constant 8 : i32
      %mul3A_945 = arith.muli %scan3A_692, %mul3A_944 : i32
      %add3A_946 = arith.constant 3 : i32
      %add3A_947 = arith.addi %mul3A_945, %add3A_946 : i32
      %get3A_948 = arith.index_cast %add3A_947 : i32 to index
      %get3A_949 = arith.constant 48 : index
      %get3A_950 = tpu.vector_load %arg9[%get3A_948, %get3A_949] {strides = array<i32>} : memref<256x64xf32, #tpu.memory_space<vmem>>, vector<1x16xf32>,
      %get3A_951 = vector.shape_cast %get3A_950 : vector<1x16xf32> to vector<16xf32>
      %add3A_952 = arith.addf %add3A_943, %get3A_951 : vector<16xf32>
      %mul3A_953 = arith.constant 8 : i32
      %mul3A_954 = arith.muli %scan3A_692, %mul3A_953 : i32
      %add3A_955 = arith.constant 4 : i32
      %add3A_956 = arith.addi %mul3A_954, %add3A_955 : i32
      %get3A_957 = arith.index_cast %add3A_956 : i32 to index
      %get3A_958 = arith.constant 48 : index
      %get3A_959 = tpu.vector_load %arg9[%get3A_957, %get3A_958] {strides = array<i32>} : memref<256x64xf32, #tpu.memory_space<vmem>>, vector<1x16xf32>,
      %get3A_960 = vector.shape_cast %get3A_959 : vector<1x16xf32> to vector<16xf32>
      %add3A_961 = arith.addf %add3A_952, %get3A_960 : vector<16xf32>
      %mul3A_962 = arith.constant 8 : i32
      %mul3A_963 = arith.muli %scan3A_692, %mul3A_962 : i32
      %add3A_964 = arith.constant 5 : i32
      %add3A_965 = arith.addi %mul3A_963, %add3A_964 : i32
      %get3A_966 = arith.index_cast %add3A_965 : i32 to index
      %get3A_967 = arith.constant 48 : index
      %get3A_968 = tpu.vector_load %arg9[%get3A_966, %get3A_967] {strides = array<i32>} : memref<256x64xf32, #tpu.memory_space<vmem>>, vector<1x16xf32>,
      %get3A_969 = vector.shape_cast %get3A_968 : vector<1x16xf32> to vector<16xf32>
      %add3A_970 = arith.addf %add3A_961, %get3A_969 : vector<16xf32>
      %mul3A_971 = arith.constant 8 : i32
      %mul3A_972 = arith.muli %scan3A_692, %mul3A_971 : i32
      %add3A_973 = arith.constant 6 : i32
      %add3A_974 = arith.addi %mul3A_972, %add3A_973 : i32
      %get3A_975 = arith.index_cast %add3A_974 : i32 to index
      %get3A_976 = arith.constant 48 : index
      %get3A_977 = tpu.vector_load %arg9[%get3A_975, %get3A_976] {strides = array<i32>} : memref<256x64xf32, #tpu.memory_space<vmem>>, vector<1x16xf32>,
      %get3A_978 = vector.shape_cast %get3A_977 : vector<1x16xf32> to vector<16xf32>
      %add3A_979 = arith.addf %add3A_970, %get3A_978 : vector<16xf32>
      %mul3A_980 = arith.constant 8 : i32
      %mul3A_981 = arith.muli %scan3A_692, %mul3A_980 : i32
      %add3A_982 = arith.constant 7 : i32
      %add3A_983 = arith.addi %mul3A_981, %add3A_982 : i32
      %get3A_984 = arith.index_cast %add3A_983 : i32 to index
      %get3A_985 = arith.constant 48 : index
      %get3A_986 = tpu.vector_load %arg9[%get3A_984, %get3A_985] {strides = array<i32>} : memref<256x64xf32, #tpu.memory_space<vmem>>, vector<1x16xf32>,
      %get3A_987 = vector.shape_cast %get3A_986 : vector<1x16xf32> to vector<16xf32>
      %add3A_988 = arith.addf %add3A_979, %get3A_987 : vector<16xf32>
      %add3A_989 = arith.constant 0 : i32
      %add3A_990 = arith.addi %add3A_989, %scan3A_692 : i32
      %swap3A_991 = arith.index_cast %add3A_990 : i32 to index
      %swap3A_992 = arith.constant 48 : index
      %swap3A_993 = tpu.vector_load %arg14[%swap3A_991, %swap3A_992] {strides = array<i32>} : memref<64x64xf32, #tpu.memory_space<vmem>>, vector<1x16xf32>,
      %swap3A_994 = vector.shape_cast %swap3A_993 : vector<1x16xf32> to vector<16xf32>
      %swap3A_995 = vector.shape_cast %add3A_988 : vector<16xf32> to vector<1x16xf32>
      tpu.vector_store %arg14[%swap3A_991, %swap3A_992], %swap3A_995 {strides = array<i32>} : memref<64x64xf32, #tpu.memory_space<vmem>>, vector<1x16xf32>,
      %scan3A_996 = arith.constant 0 : i32
      scf.yield %scan3A_996 : i32
    }
    %scan3A_29 = arith.constant 32 : i32
    %add3A_30 = arith.constant 32 : i32
    %add3A_31 = arith.addi %min3A_8, %add3A_30 : i32
    %mul3A_32 = arith.constant 8 : i32
    %mul3A_33 = arith.muli %add3A_31, %mul3A_32 : i32
    "tpu.region"() ({
      %run_scoped3A = tpu.sem_alloc : memref<!tpu.dma_semaphore, #tpu.memory_space<semaphore_mem>>
      %dma_start3A_692 = tpu.memref_slice %arg4[%mul3A_33] : memref<8000xi32, #tpu.memory_space<hbm>> -> memref<256xi32, #tpu.memory_space<hbm>>
      %dma_start3A_693 = tpu.memref_slice %arg4[%mul3A_33] : memref<8000xi32, #tpu.memory_space<hbm>> -> memref<256xi32, #tpu.memory_space<hbm>>
      tpu.enqueue_dma source(%dma_start3A_693 : memref<256xi32, #tpu.memory_space<hbm>>) target(%arg8 : memref<256xi32, #tpu.memory_space<vmem>>) target_semaphore(%run_scoped3A : memref<!tpu.dma_semaphore, #tpu.memory_space<semaphore_mem>>)
      %dma_wait3A_694 = tpu.memref_slice %arg4[%mul3A_33] : memref<8000xi32, #tpu.memory_space<hbm>> -> memref<256xi32, #tpu.memory_space<hbm>>
      %dma_wait3A_695 = tpu.memref_slice %arg4[%mul3A_33] : memref<8000xi32, #tpu.memory_space<hbm>> -> memref<256xi32, #tpu.memory_space<hbm>>
      tpu.wait_dma2 semaphore(%run_scoped3A : memref<!tpu.dma_semaphore, #tpu.memory_space<semaphore_mem>>) src(%dma_wait3A_695 : memref<256xi32, #tpu.memory_space<hbm>>) dst(%arg8 : memref<256xi32, #tpu.memory_space<vmem>>)
      tpu.yield
    }) : () -> ()
    %dma_start3A_34 = arith.constant 0 : i32
    %dma_start3A_35 = arith.constant 0 : i32
    %dma_start3A_36 = arith.constant 0 : i32
    %dma_start3A_37 = tpu.memref_slice %arg5[%dma_start3A_35, %dma_start3A_36] : memref<100000x64xf32, #tpu.memory_space<hbm>> -> memref<100000x64xf32, #tpu.memory_space<hbm>>
    %dma_start3A_38 = tpu.memref_slice %arg16[%dma_start3A_34] : memref<4x!tpu.dma_semaphore, #tpu.memory_space<semaphore_mem>> -> memref<1x!tpu.dma_semaphore, #tpu.memory_space<semaphore_mem>>
    %dma_start3A_39 = tpu.memref_squeeze %dma_start3A_38 : memref<1x!tpu.dma_semaphore, #tpu.memory_space<semaphore_mem>> -> memref<!tpu.dma_semaphore, #tpu.memory_space<semaphore_mem>>
    tpu.enqueue_indirect_dma source(%dma_start3A_37 : memref<100000x64xf32, #tpu.memory_space<hbm>>) target(%arg9 : memref<256x64xf32, #tpu.memory_space<vmem>>) offsets(%arg8 : memref<256xi32, #tpu.memory_space<vmem>>) semaphore(%dma_start3A_39 : memref<!tpu.dma_semaphore, #tpu.memory_space<semaphore_mem>>)
    %dma_wait3A_40 = arith.constant 0 : i32
    %dma_wait3A_41 = arith.constant 0 : i32
    %dma_wait3A_42 = arith.constant 0 : i32
    %dma_wait3A_43 = tpu.memref_slice %arg5[%dma_wait3A_41, %dma_wait3A_42] : memref<100000x64xf32, #tpu.memory_space<hbm>> -> memref<100000x64xf32, #tpu.memory_space<hbm>>
    %dma_wait3A_44 = tpu.memref_slice %arg16[%dma_wait3A_40] : memref<4x!tpu.dma_semaphore, #tpu.memory_space<semaphore_mem>> -> memref<1x!tpu.dma_semaphore, #tpu.memory_space<semaphore_mem>>
    %dma_wait3A_45 = tpu.memref_squeeze %dma_wait3A_44 : memref<1x!tpu.dma_semaphore, #tpu.memory_space<semaphore_mem>> -> memref<!tpu.dma_semaphore, #tpu.memory_space<semaphore_mem>>
    tpu.wait_indirect_dma semaphore(%dma_wait3A_45 : memref<!tpu.dma_semaphore, #tpu.memory_space<semaphore_mem>>) src(%dma_wait3A_43 : memref<100000x64xf32, #tpu.memory_space<hbm>>) dst(%arg9 : memref<256x64xf32, #tpu.memory_space<vmem>>)
    %scan3A_46 = arith.constant 0 : i32
    %scan3A_47 = arith.constant 0 : i32
    %scan3A_48 = arith.constant 32 : i32
    %scan3A_49 = arith.addi %scan3A_47, %scan3A_48 : i32
    %scan3A_50 = arith.constant 1 : i32
    %scan3A_51 = scf.for %scan3A_692 = %scan3A_47 to %scan3A_49 step %scan3A_50 iter_args(%scan3A_693 = %scan3A_46) -> (i32)  : i32 {
      %mul3A_694 = arith.constant 8 : i32
      %mul3A_695 = arith.muli %scan3A_692, %mul3A_694 : i32
      %get3A = arith.index_cast %mul3A_695 : i32 to index
      %get3A_696 = arith.constant 0 : index
      %get3A_697 = tpu.vector_load %arg9[%get3A, %get3A_696] {strides = array<i32>} : memref<256x64xf32, #tpu.memory_space<vmem>>, vector<1x16xf32>,
      %get3A_698 = vector.shape_cast %get3A_697 : vector<1x16xf32> to vector<16xf32>
      %mul3A_699 = arith.constant 8 : i32
      %mul3A_700 = arith.muli %scan3A_692, %mul3A_699 : i32
      %add3A_701 = arith.constant 1 : i32
      %add3A_702 = arith.addi %mul3A_700, %add3A_701 : i32
      %get3A_703 = arith.index_cast %add3A_702 : i32 to index
      %get3A_704 = arith.constant 0 : index
      %get3A_705 = tpu.vector_load %arg9[%get3A_703, %get3A_704] {strides = array<i32>} : memref<256x64xf32, #tpu.memory_space<vmem>>, vector<1x16xf32>,
      %get3A_706 = vector.shape_cast %get3A_705 : vector<1x16xf32> to vector<16xf32>
      %add3A_707 = arith.addf %get3A_698, %get3A_706 : vector<16xf32>
      %mul3A_708 = arith.constant 8 : i32
      %mul3A_709 = arith.muli %scan3A_692, %mul3A_708 : i32
      %add3A_710 = arith.constant 2 : i32
      %add3A_711 = arith.addi %mul3A_709, %add3A_710 : i32
      %get3A_712 = arith.index_cast %add3A_711 : i32 to index
      %get3A_713 = arith.constant 0 : index
      %get3A_714 = tpu.vector_load %arg9[%get3A_712, %get3A_713] {strides = array<i32>} : memref<256x64xf32, #tpu.memory_space<vmem>>, vector<1x16xf32>,
      %get3A_715 = vector.shape_cast %get3A_714 : vector<1x16xf32> to vector<16xf32>
      %add3A_716 = arith.addf %add3A_707, %get3A_715 : vector<16xf32>
      %mul3A_717 = arith.constant 8 : i32
      %mul3A_718 = arith.muli %scan3A_692, %mul3A_717 : i32
      %add3A_719 = arith.constant 3 : i32
      %add3A_720 = arith.addi %mul3A_718, %add3A_719 : i32
      %get3A_721 = arith.index_cast %add3A_720 : i32 to index
      %get3A_722 = arith.constant 0 : index
      %get3A_723 = tpu.vector_load %arg9[%get3A_721, %get3A_722] {strides = array<i32>} : memref<256x64xf32, #tpu.memory_space<vmem>>, vector<1x16xf32>,
      %get3A_724 = vector.shape_cast %get3A_723 : vector<1x16xf32> to vector<16xf32>
      %add3A_725 = arith.addf %add3A_716, %get3A_724 : vector<16xf32>
      %mul3A_726 = arith.constant 8 : i32
      %mul3A_727 = arith.muli %scan3A_692, %mul3A_726 : i32
      %add3A_728 = arith.constant 4 : i32
      %add3A_729 = arith.addi %mul3A_727, %add3A_728 : i32
      %get3A_730 = arith.index_cast %add3A_729 : i32 to index
      %get3A_731 = arith.constant 0 : index
      %get3A_732 = tpu.vector_load %arg9[%get3A_730, %get3A_731] {strides = array<i32>} : memref<256x64xf32, #tpu.memory_space<vmem>>, vector<1x16xf32>,
      %get3A_733 = vector.shape_cast %get3A_732 : vector<1x16xf32> to vector<16xf32>
      %add3A_734 = arith.addf %add3A_725, %get3A_733 : vector<16xf32>
      %mul3A_735 = arith.constant 8 : i32
      %mul3A_736 = arith.muli %scan3A_692, %mul3A_735 : i32
      %add3A_737 = arith.constant 5 : i32
      %add3A_738 = arith.addi %mul3A_736, %add3A_737 : i32
      %get3A_739 = arith.index_cast %add3A_738 : i32 to index
      %get3A_740 = arith.constant 0 : index
      %get3A_741 = tpu.vector_load %arg9[%get3A_739, %get3A_740] {strides = array<i32>} : memref<256x64xf32, #tpu.memory_space<vmem>>, vector<1x16xf32>,
      %get3A_742 = vector.shape_cast %get3A_741 : vector<1x16xf32> to vector<16xf32>
      %add3A_743 = arith.addf %add3A_734, %get3A_742 : vector<16xf32>
      %mul3A_744 = arith.constant 8 : i32
      %mul3A_745 = arith.muli %scan3A_692, %mul3A_744 : i32
      %add3A_746 = arith.constant 6 : i32
      %add3A_747 = arith.addi %mul3A_745, %add3A_746 : i32
      %get3A_748 = arith.index_cast %add3A_747 : i32 to index
      %get3A_749 = arith.constant 0 : index
      %get3A_750 = tpu.vector_load %arg9[%get3A_748, %get3A_749] {strides = array<i32>} : memref<256x64xf32, #tpu.memory_space<vmem>>, vector<1x16xf32>,
      %get3A_751 = vector.shape_cast %get3A_750 : vector<1x16xf32> to vector<16xf32>
      %add3A_752 = arith.addf %add3A_743, %get3A_751 : vector<16xf32>
      %mul3A_753 = arith.constant 8 : i32
      %mul3A_754 = arith.muli %scan3A_692, %mul3A_753 : i32
      %add3A_755 = arith.constant 7 : i32
      %add3A_756 = arith.addi %mul3A_754, %add3A_755 : i32
      %get3A_757 = arith.index_cast %add3A_756 : i32 to index
      %get3A_758 = arith.constant 0 : index
      %get3A_759 = tpu.vector_load %arg9[%get3A_757, %get3A_758] {strides = array<i32>} : memref<256x64xf32, #tpu.memory_space<vmem>>, vector<1x16xf32>,
      %get3A_760 = vector.shape_cast %get3A_759 : vector<1x16xf32> to vector<16xf32>
      %add3A_761 = arith.addf %add3A_752, %get3A_760 : vector<16xf32>
      %add3A_762 = arith.constant 32 : i32
      %add3A_763 = arith.addi %add3A_762, %scan3A_692 : i32
      %swap3A = arith.index_cast %add3A_763 : i32 to index
      %swap3A_764 = arith.constant 0 : index
      %swap3A_765 = tpu.vector_load %arg14[%swap3A, %swap3A_764] {strides = array<i32>} : memref<64x64xf32, #tpu.memory_space<vmem>>, vector<1x16xf32>,
      %swap3A_766 = vector.shape_cast %swap3A_765 : vector<1x16xf32> to vector<16xf32>
      %swap3A_767 = vector.shape_cast %add3A_761 : vector<16xf32> to vector<1x16xf32>
      tpu.vector_store %arg14[%swap3A, %swap3A_764], %swap3A_767 {strides = array<i32>} : memref<64x64xf32, #tpu.memory_space<vmem>>, vector<1x16xf32>,
      %mul3A_768 = arith.constant 8 : i32
      %mul3A_769 = arith.muli %scan3A_692, %mul3A_768 : i32
      %get3A_770 = arith.index_cast %mul3A_769 : i32 to index
      %get3A_771 = arith.constant 16 : index
      %get3A_772 = tpu.vector_load %arg9[%get3A_770, %get3A_771] {strides = array<i32>} : memref<256x64xf32, #tpu.memory_space<vmem>>, vector<1x16xf32>,
      %get3A_773 = vector.shape_cast %get3A_772 : vector<1x16xf32> to vector<16xf32>
      %mul3A_774 = arith.constant 8 : i32
      %mul3A_775 = arith.muli %scan3A_692, %mul3A_774 : i32
      %add3A_776 = arith.constant 1 : i32
      %add3A_777 = arith.addi %mul3A_775, %add3A_776 : i32
      %get3A_778 = arith.index_cast %add3A_777 : i32 to index
      %get3A_779 = arith.constant 16 : index
      %get3A_780 = tpu.vector_load %arg9[%get3A_778, %get3A_779] {strides = array<i32>} : memref<256x64xf32, #tpu.memory_space<vmem>>, vector<1x16xf32>,
      %get3A_781 = vector.shape_cast %get3A_780 : vector<1x16xf32> to vector<16xf32>
      %add3A_782 = arith.addf %get3A_773, %get3A_781 : vector<16xf32>
      %mul3A_783 = arith.constant 8 : i32
      %mul3A_784 = arith.muli %scan3A_692, %mul3A_783 : i32
      %add3A_785 = arith.constant 2 : i32
      %add3A_786 = arith.addi %mul3A_784, %add3A_785 : i32
      %get3A_787 = arith.index_cast %add3A_786 : i32 to index
      %get3A_788 = arith.constant 16 : index
      %get3A_789 = tpu.vector_load %arg9[%get3A_787, %get3A_788] {strides = array<i32>} : memref<256x64xf32, #tpu.memory_space<vmem>>, vector<1x16xf32>,
      %get3A_790 = vector.shape_cast %get3A_789 : vector<1x16xf32> to vector<16xf32>
      %add3A_791 = arith.addf %add3A_782, %get3A_790 : vector<16xf32>
      %mul3A_792 = arith.constant 8 : i32
      %mul3A_793 = arith.muli %scan3A_692, %mul3A_792 : i32
      %add3A_794 = arith.constant 3 : i32
      %add3A_795 = arith.addi %mul3A_793, %add3A_794 : i32
      %get3A_796 = arith.index_cast %add3A_795 : i32 to index
      %get3A_797 = arith.constant 16 : index
      %get3A_798 = tpu.vector_load %arg9[%get3A_796, %get3A_797] {strides = array<i32>} : memref<256x64xf32, #tpu.memory_space<vmem>>, vector<1x16xf32>,
      %get3A_799 = vector.shape_cast %get3A_798 : vector<1x16xf32> to vector<16xf32>
      %add3A_800 = arith.addf %add3A_791, %get3A_799 : vector<16xf32>
      %mul3A_801 = arith.constant 8 : i32
      %mul3A_802 = arith.muli %scan3A_692, %mul3A_801 : i32
      %add3A_803 = arith.constant 4 : i32
      %add3A_804 = arith.addi %mul3A_802, %add3A_803 : i32
      %get3A_805 = arith.index_cast %add3A_804 : i32 to index
      %get3A_806 = arith.constant 16 : index
      %get3A_807 = tpu.vector_load %arg9[%get3A_805, %get3A_806] {strides = array<i32>} : memref<256x64xf32, #tpu.memory_space<vmem>>, vector<1x16xf32>,
      %get3A_808 = vector.shape_cast %get3A_807 : vector<1x16xf32> to vector<16xf32>
      %add3A_809 = arith.addf %add3A_800, %get3A_808 : vector<16xf32>
      %mul3A_810 = arith.constant 8 : i32
      %mul3A_811 = arith.muli %scan3A_692, %mul3A_810 : i32
      %add3A_812 = arith.constant 5 : i32
      %add3A_813 = arith.addi %mul3A_811, %add3A_812 : i32
      %get3A_814 = arith.index_cast %add3A_813 : i32 to index
      %get3A_815 = arith.constant 16 : index
      %get3A_816 = tpu.vector_load %arg9[%get3A_814, %get3A_815] {strides = array<i32>} : memref<256x64xf32, #tpu.memory_space<vmem>>, vector<1x16xf32>,
      %get3A_817 = vector.shape_cast %get3A_816 : vector<1x16xf32> to vector<16xf32>
      %add3A_818 = arith.addf %add3A_809, %get3A_817 : vector<16xf32>
      %mul3A_819 = arith.constant 8 : i32
      %mul3A_820 = arith.muli %scan3A_692, %mul3A_819 : i32
      %add3A_821 = arith.constant 6 : i32
      %add3A_822 = arith.addi %mul3A_820, %add3A_821 : i32
      %get3A_823 = arith.index_cast %add3A_822 : i32 to index
      %get3A_824 = arith.constant 16 : index
      %get3A_825 = tpu.vector_load %arg9[%get3A_823, %get3A_824] {strides = array<i32>} : memref<256x64xf32, #tpu.memory_space<vmem>>, vector<1x16xf32>,
      %get3A_826 = vector.shape_cast %get3A_825 : vector<1x16xf32> to vector<16xf32>
      %add3A_827 = arith.addf %add3A_818, %get3A_826 : vector<16xf32>
      %mul3A_828 = arith.constant 8 : i32
      %mul3A_829 = arith.muli %scan3A_692, %mul3A_828 : i32
      %add3A_830 = arith.constant 7 : i32
      %add3A_831 = arith.addi %mul3A_829, %add3A_830 : i32
      %get3A_832 = arith.index_cast %add3A_831 : i32 to index
      %get3A_833 = arith.constant 16 : index
      %get3A_834 = tpu.vector_load %arg9[%get3A_832, %get3A_833] {strides = array<i32>} : memref<256x64xf32, #tpu.memory_space<vmem>>, vector<1x16xf32>,
      %get3A_835 = vector.shape_cast %get3A_834 : vector<1x16xf32> to vector<16xf32>
      %add3A_836 = arith.addf %add3A_827, %get3A_835 : vector<16xf32>
      %add3A_837 = arith.constant 32 : i32
      %add3A_838 = arith.addi %add3A_837, %scan3A_692 : i32
      %swap3A_839 = arith.index_cast %add3A_838 : i32 to index
      %swap3A_840 = arith.constant 16 : index
      %swap3A_841 = tpu.vector_load %arg14[%swap3A_839, %swap3A_840] {strides = array<i32>} : memref<64x64xf32, #tpu.memory_space<vmem>>, vector<1x16xf32>,
      %swap3A_842 = vector.shape_cast %swap3A_841 : vector<1x16xf32> to vector<16xf32>
      %swap3A_843 = vector.shape_cast %add3A_836 : vector<16xf32> to vector<1x16xf32>
      tpu.vector_store %arg14[%swap3A_839, %swap3A_840], %swap3A_843 {strides = array<i32>} : memref<64x64xf32, #tpu.memory_space<vmem>>, vector<1x16xf32>,
      %mul3A_844 = arith.constant 8 : i32
      %mul3A_845 = arith.muli %scan3A_692, %mul3A_844 : i32
      %get3A_846 = arith.index_cast %mul3A_845 : i32 to index
      %get3A_847 = arith.constant 32 : index
      %get3A_848 = tpu.vector_load %arg9[%get3A_846, %get3A_847] {strides = array<i32>} : memref<256x64xf32, #tpu.memory_space<vmem>>, vector<1x16xf32>,
      %get3A_849 = vector.shape_cast %get3A_848 : vector<1x16xf32> to vector<16xf32>
      %mul3A_850 = arith.constant 8 : i32
      %mul3A_851 = arith.muli %scan3A_692, %mul3A_850 : i32
      %add3A_852 = arith.constant 1 : i32
      %add3A_853 = arith.addi %mul3A_851, %add3A_852 : i32
      %get3A_854 = arith.index_cast %add3A_853 : i32 to index
      %get3A_855 = arith.constant 32 : index
      %get3A_856 = tpu.vector_load %arg9[%get3A_854, %get3A_855] {strides = array<i32>} : memref<256x64xf32, #tpu.memory_space<vmem>>, vector<1x16xf32>,
      %get3A_857 = vector.shape_cast %get3A_856 : vector<1x16xf32> to vector<16xf32>
      %add3A_858 = arith.addf %get3A_849, %get3A_857 : vector<16xf32>
      %mul3A_859 = arith.constant 8 : i32
      %mul3A_860 = arith.muli %scan3A_692, %mul3A_859 : i32
      %add3A_861 = arith.constant 2 : i32
      %add3A_862 = arith.addi %mul3A_860, %add3A_861 : i32
      %get3A_863 = arith.index_cast %add3A_862 : i32 to index
      %get3A_864 = arith.constant 32 : index
      %get3A_865 = tpu.vector_load %arg9[%get3A_863, %get3A_864] {strides = array<i32>} : memref<256x64xf32, #tpu.memory_space<vmem>>, vector<1x16xf32>,
      %get3A_866 = vector.shape_cast %get3A_865 : vector<1x16xf32> to vector<16xf32>
      %add3A_867 = arith.addf %add3A_858, %get3A_866 : vector<16xf32>
      %mul3A_868 = arith.constant 8 : i32
      %mul3A_869 = arith.muli %scan3A_692, %mul3A_868 : i32
      %add3A_870 = arith.constant 3 : i32
      %add3A_871 = arith.addi %mul3A_869, %add3A_870 : i32
      %get3A_872 = arith.index_cast %add3A_871 : i32 to index
      %get3A_873 = arith.constant 32 : index
      %get3A_874 = tpu.vector_load %arg9[%get3A_872, %get3A_873] {strides = array<i32>} : memref<256x64xf32, #tpu.memory_space<vmem>>, vector<1x16xf32>,
      %get3A_875 = vector.shape_cast %get3A_874 : vector<1x16xf32> to vector<16xf32>
      %add3A_876 = arith.addf %add3A_867, %get3A_875 : vector<16xf32>
      %mul3A_877 = arith.constant 8 : i32
      %mul3A_878 = arith.muli %scan3A_692, %mul3A_877 : i32
      %add3A_879 = arith.constant 4 : i32
      %add3A_880 = arith.addi %mul3A_878, %add3A_879 : i32
      %get3A_881 = arith.index_cast %add3A_880 : i32 to index
      %get3A_882 = arith.constant 32 : index
      %get3A_883 = tpu.vector_load %arg9[%get3A_881, %get3A_882] {strides = array<i32>} : memref<256x64xf32, #tpu.memory_space<vmem>>, vector<1x16xf32>,
      %get3A_884 = vector.shape_cast %get3A_883 : vector<1x16xf32> to vector<16xf32>
      %add3A_885 = arith.addf %add3A_876, %get3A_884 : vector<16xf32>
      %mul3A_886 = arith.constant 8 : i32
      %mul3A_887 = arith.muli %scan3A_692, %mul3A_886 : i32
      %add3A_888 = arith.constant 5 : i32
      %add3A_889 = arith.addi %mul3A_887, %add3A_888 : i32
      %get3A_890 = arith.index_cast %add3A_889 : i32 to index
      %get3A_891 = arith.constant 32 : index
      %get3A_892 = tpu.vector_load %arg9[%get3A_890, %get3A_891] {strides = array<i32>} : memref<256x64xf32, #tpu.memory_space<vmem>>, vector<1x16xf32>,
      %get3A_893 = vector.shape_cast %get3A_892 : vector<1x16xf32> to vector<16xf32>
      %add3A_894 = arith.addf %add3A_885, %get3A_893 : vector<16xf32>
      %mul3A_895 = arith.constant 8 : i32
      %mul3A_896 = arith.muli %scan3A_692, %mul3A_895 : i32
      %add3A_897 = arith.constant 6 : i32
      %add3A_898 = arith.addi %mul3A_896, %add3A_897 : i32
      %get3A_899 = arith.index_cast %add3A_898 : i32 to index
      %get3A_900 = arith.constant 32 : index
      %get3A_901 = tpu.vector_load %arg9[%get3A_899, %get3A_900] {strides = array<i32>} : memref<256x64xf32, #tpu.memory_space<vmem>>, vector<1x16xf32>,
      %get3A_902 = vector.shape_cast %get3A_901 : vector<1x16xf32> to vector<16xf32>
      %add3A_903 = arith.addf %add3A_894, %get3A_902 : vector<16xf32>
      %mul3A_904 = arith.constant 8 : i32
      %mul3A_905 = arith.muli %scan3A_692, %mul3A_904 : i32
      %add3A_906 = arith.constant 7 : i32
      %add3A_907 = arith.addi %mul3A_905, %add3A_906 : i32
      %get3A_908 = arith.index_cast %add3A_907 : i32 to index
      %get3A_909 = arith.constant 32 : index
      %get3A_910 = tpu.vector_load %arg9[%get3A_908, %get3A_909] {strides = array<i32>} : memref<256x64xf32, #tpu.memory_space<vmem>>, vector<1x16xf32>,
      %get3A_911 = vector.shape_cast %get3A_910 : vector<1x16xf32> to vector<16xf32>
      %add3A_912 = arith.addf %add3A_903, %get3A_911 : vector<16xf32>
      %add3A_913 = arith.constant 32 : i32
      %add3A_914 = arith.addi %add3A_913, %scan3A_692 : i32
      %swap3A_915 = arith.index_cast %add3A_914 : i32 to index
      %swap3A_916 = arith.constant 32 : index
      %swap3A_917 = tpu.vector_load %arg14[%swap3A_915, %swap3A_916] {strides = array<i32>} : memref<64x64xf32, #tpu.memory_space<vmem>>, vector<1x16xf32>,
      %swap3A_918 = vector.shape_cast %swap3A_917 : vector<1x16xf32> to vector<16xf32>
      %swap3A_919 = vector.shape_cast %add3A_912 : vector<16xf32> to vector<1x16xf32>
      tpu.vector_store %arg14[%swap3A_915, %swap3A_916], %swap3A_919 {strides = array<i32>} : memref<64x64xf32, #tpu.memory_space<vmem>>, vector<1x16xf32>,
      %mul3A_920 = arith.constant 8 : i32
      %mul3A_921 = arith.muli %scan3A_692, %mul3A_920 : i32
      %get3A_922 = arith.index_cast %mul3A_921 : i32 to index
      %get3A_923 = arith.constant 48 : index
      %get3A_924 = tpu.vector_load %arg9[%get3A_922, %get3A_923] {strides = array<i32>} : memref<256x64xf32, #tpu.memory_space<vmem>>, vector<1x16xf32>,
      %get3A_925 = vector.shape_cast %get3A_924 : vector<1x16xf32> to vector<16xf32>
      %mul3A_926 = arith.constant 8 : i32
      %mul3A_927 = arith.muli %scan3A_692, %mul3A_926 : i32
      %add3A_928 = arith.constant 1 : i32
      %add3A_929 = arith.addi %mul3A_927, %add3A_928 : i32
      %get3A_930 = arith.index_cast %add3A_929 : i32 to index
      %get3A_931 = arith.constant 48 : index
      %get3A_932 = tpu.vector_load %arg9[%get3A_930, %get3A_931] {strides = array<i32>} : memref<256x64xf32, #tpu.memory_space<vmem>>, vector<1x16xf32>,
      %get3A_933 = vector.shape_cast %get3A_932 : vector<1x16xf32> to vector<16xf32>
      %add3A_934 = arith.addf %get3A_925, %get3A_933 : vector<16xf32>
      %mul3A_935 = arith.constant 8 : i32
      %mul3A_936 = arith.muli %scan3A_692, %mul3A_935 : i32
      %add3A_937 = arith.constant 2 : i32
      %add3A_938 = arith.addi %mul3A_936, %add3A_937 : i32
      %get3A_939 = arith.index_cast %add3A_938 : i32 to index
      %get3A_940 = arith.constant 48 : index
      %get3A_941 = tpu.vector_load %arg9[%get3A_939, %get3A_940] {strides = array<i32>} : memref<256x64xf32, #tpu.memory_space<vmem>>, vector<1x16xf32>,
      %get3A_942 = vector.shape_cast %get3A_941 : vector<1x16xf32> to vector<16xf32>
      %add3A_943 = arith.addf %add3A_934, %get3A_942 : vector<16xf32>
      %mul3A_944 = arith.constant 8 : i32
      %mul3A_945 = arith.muli %scan3A_692, %mul3A_944 : i32
      %add3A_946 = arith.constant 3 : i32
      %add3A_947 = arith.addi %mul3A_945, %add3A_946 : i32
      %get3A_948 = arith.index_cast %add3A_947 : i32 to index
      %get3A_949 = arith.constant 48 : index
      %get3A_950 = tpu.vector_load %arg9[%get3A_948, %get3A_949] {strides = array<i32>} : memref<256x64xf32, #tpu.memory_space<vmem>>, vector<1x16xf32>,
      %get3A_951 = vector.shape_cast %get3A_950 : vector<1x16xf32> to vector<16xf32>
      %add3A_952 = arith.addf %add3A_943, %get3A_951 : vector<16xf32>
      %mul3A_953 = arith.constant 8 : i32
      %mul3A_954 = arith.muli %scan3A_692, %mul3A_953 : i32
      %add3A_955 = arith.constant 4 : i32
      %add3A_956 = arith.addi %mul3A_954, %add3A_955 : i32
      %get3A_957 = arith.index_cast %add3A_956 : i32 to index
      %get3A_958 = arith.constant 48 : index
      %get3A_959 = tpu.vector_load %arg9[%get3A_957, %get3A_958] {strides = array<i32>} : memref<256x64xf32, #tpu.memory_space<vmem>>, vector<1x16xf32>,
      %get3A_960 = vector.shape_cast %get3A_959 : vector<1x16xf32> to vector<16xf32>
      %add3A_961 = arith.addf %add3A_952, %get3A_960 : vector<16xf32>
      %mul3A_962 = arith.constant 8 : i32
      %mul3A_963 = arith.muli %scan3A_692, %mul3A_962 : i32
      %add3A_964 = arith.constant 5 : i32
      %add3A_965 = arith.addi %mul3A_963, %add3A_964 : i32
      %get3A_966 = arith.index_cast %add3A_965 : i32 to index
      %get3A_967 = arith.constant 48 : index
      %get3A_968 = tpu.vector_load %arg9[%get3A_966, %get3A_967] {strides = array<i32>} : memref<256x64xf32, #tpu.memory_space<vmem>>, vector<1x16xf32>,
      %get3A_969 = vector.shape_cast %get3A_968 : vector<1x16xf32> to vector<16xf32>
      %add3A_970 = arith.addf %add3A_961, %get3A_969 : vector<16xf32>
      %mul3A_971 = arith.constant 8 : i32
      %mul3A_972 = arith.muli %scan3A_692, %mul3A_971 : i32
      %add3A_973 = arith.constant 6 : i32
      %add3A_974 = arith.addi %mul3A_972, %add3A_973 : i32
      %get3A_975 = arith.index_cast %add3A_974 : i32 to index
      %get3A_976 = arith.constant 48 : index
      %get3A_977 = tpu.vector_load %arg9[%get3A_975, %get3A_976] {strides = array<i32>} : memref<256x64xf32, #tpu.memory_space<vmem>>, vector<1x16xf32>,
      %get3A_978 = vector.shape_cast %get3A_977 : vector<1x16xf32> to vector<16xf32>
      %add3A_979 = arith.addf %add3A_970, %get3A_978 : vector<16xf32>
      %mul3A_980 = arith.constant 8 : i32
      %mul3A_981 = arith.muli %scan3A_692, %mul3A_980 : i32
      %add3A_982 = arith.constant 7 : i32
      %add3A_983 = arith.addi %mul3A_981, %add3A_982 : i32
      %get3A_984 = arith.index_cast %add3A_983 : i32 to index
      %get3A_985 = arith.constant 48 : index
      %get3A_986 = tpu.vector_load %arg9[%get3A_984, %get3A_985] {strides = array<i32>} : memref<256x64xf32, #tpu.memory_space<vmem>>, vector<1x16xf32>,
      %get3A_987 = vector.shape_cast %get3A_986 : vector<1x16xf32> to vector<16xf32>
      %add3A_988 = arith.addf %add3A_979, %get3A_987 : vector<16xf32>
      %add3A_989 = arith.constant 32 : i32
      %add3A_990 = arith.addi %add3A_989, %scan3A_692 : i32
      %swap3A_991 = arith.index_cast %add3A_990 : i32 to index
      %swap3A_992 = arith.constant 48 : index
      %swap3A_993 = tpu.vector_load %arg14[%swap3A_991, %swap3A_992] {strides = array<i32>} : memref<64x64xf32, #tpu.memory_space<vmem>>, vector<1x16xf32>,
      %swap3A_994 = vector.shape_cast %swap3A_993 : vector<1x16xf32> to vector<16xf32>
      %swap3A_995 = vector.shape_cast %add3A_988 : vector<16xf32> to vector<1x16xf32>
      tpu.vector_store %arg14[%swap3A_991, %swap3A_992], %swap3A_995 {strides = array<i32>} : memref<64x64xf32, #tpu.memory_space<vmem>>, vector<1x16xf32>,
      %scan3A_996 = arith.constant 0 : i32
      scf.yield %scan3A_996 : i32
    }
    %scan3A_52 = arith.constant 32 : i32
    "tpu.region"() ({
      %run_scoped3A = tpu.sem_alloc : memref<!tpu.dma_semaphore, #tpu.memory_space<semaphore_mem>>
      %dma_start3A_692 = arith.constant 0 : i32
      %dma_start3A_693 = tpu.memref_slice %arg7[%min3A_8, %dma_start3A_692] : memref<1024x64xf32, #tpu.memory_space<hbm>> -> memref<64x64xf32, #tpu.memory_space<hbm>>
      %dma_start3A_694 = arith.constant 0 : i32
      %dma_start3A_695 = tpu.memref_slice %arg7[%min3A_8, %dma_start3A_694] : memref<1024x64xf32, #tpu.memory_space<hbm>> -> memref<64x64xf32, #tpu.memory_space<hbm>>
      tpu.enqueue_dma source(%arg14 : memref<64x64xf32, #tpu.memory_space<vmem>>) target(%dma_start3A_695 : memref<64x64xf32, #tpu.memory_space<hbm>>) target_semaphore(%run_scoped3A : memref<!tpu.dma_semaphore, #tpu.memory_space<semaphore_mem>>)
      %dma_wait3A_696 = arith.constant 0 : i32
      %dma_wait3A_697 = tpu.memref_slice %arg7[%min3A_8, %dma_wait3A_696] : memref<1024x64xf32, #tpu.memory_space<hbm>> -> memref<64x64xf32, #tpu.memory_space<hbm>>
      %dma_wait3A_698 = arith.constant 0 : i32
      %dma_wait3A_699 = tpu.memref_slice %arg7[%min3A_8, %dma_wait3A_698] : memref<1024x64xf32, #tpu.memory_space<hbm>> -> memref<64x64xf32, #tpu.memory_space<hbm>>
      tpu.wait_dma2 semaphore(%run_scoped3A : memref<!tpu.dma_semaphore, #tpu.memory_space<semaphore_mem>>) src(%arg14 : memref<64x64xf32, #tpu.memory_space<vmem>>) dst(%dma_wait3A_699 : memref<64x64xf32, #tpu.memory_space<hbm>>)
      tpu.yield
    }) : () -> ()
    %barrier3A = arith.constant 0 : index
    tpu.barrier barrier_id(%barrier3A)
    %dma_wait3A_53 = tpu.memref_slice %arg2[%mul3A_2] : memref<409600xi32, #tpu.memory_space<hbm>> -> memref<12800xi32, #tpu.memory_space<hbm>>
    %dma_wait3A_54 = tpu.memref_slice %arg2[%mul3A_2] : memref<409600xi32, #tpu.memory_space<hbm>> -> memref<12800xi32, #tpu.memory_space<hbm>>
    tpu.wait_dma2 semaphore(%arg15 : memref<!tpu.dma_semaphore, #tpu.memory_space<semaphore_mem>>) src(%dma_wait3A_54 : memref<12800xi32, #tpu.memory_space<hbm>>) dst(%arg10 : memref<12800xi32, #tpu.memory_space<vmem>>)
    %dma_wait3A_55 = tpu.memref_slice %arg3[%mul3A_2] : memref<409600xi32, #tpu.memory_space<hbm>> -> memref<12800xi32, #tpu.memory_space<hbm>>
    %dma_wait3A_56 = tpu.memref_slice %arg3[%mul3A_2] : memref<409600xi32, #tpu.memory_space<hbm>> -> memref<12800xi32, #tpu.memory_space<hbm>>
    tpu.wait_dma2 semaphore(%arg15 : memref<!tpu.dma_semaphore, #tpu.memory_space<semaphore_mem>>) src(%dma_wait3A_56 : memref<12800xi32, #tpu.memory_space<hbm>>) dst(%arg11 : memref<12800xi32, #tpu.memory_space<vmem>>)
    %dma_start3A_57 = arith.constant 0 : i32
    %dma_start3A_58 = arith.constant 0 : i32
    %dma_start3A_59 = arith.constant 0 : i32
    %dma_start3A_60 = arith.constant 0 : i32
    %dma_start3A_61 = tpu.memref_slice %arg12[%dma_start3A_57, %dma_start3A_59, %dma_start3A_60] : memref<4x160x64xf32, #tpu.memory_space<vmem>> -> memref<1x160x64xf32, #tpu.memory_space<vmem>>
    %dma_start3A_62 = tpu.memref_squeeze %dma_start3A_61 : memref<1x160x64xf32, #tpu.memory_space<vmem>> -> memref<160x64xf32, #tpu.memory_space<vmem>>
    %dma_start3A_63 = arith.constant 0 : i32
    %dma_start3A_64 = tpu.memref_slice %arg10[%dma_start3A_63] : memref<12800xi32, #tpu.memory_space<vmem>> -> memref<160xi32, #tpu.memory_space<vmem>>
    %dma_start3A_65 = arith.constant 0 : i32
    %dma_start3A_66 = arith.constant 0 : i32
    %dma_start3A_67 = tpu.memref_slice %arg7[%dma_start3A_65, %dma_start3A_66] : memref<1024x64xf32, #tpu.memory_space<hbm>> -> memref<1024x64xf32, #tpu.memory_space<hbm>>
    %dma_start3A_68 = tpu.memref_slice %arg16[%dma_start3A_58] : memref<4x!tpu.dma_semaphore, #tpu.memory_space<semaphore_mem>> -> memref<1x!tpu.dma_semaphore, #tpu.memory_space<semaphore_mem>>
    %dma_start3A_69 = tpu.memref_squeeze %dma_start3A_68 : memref<1x!tpu.dma_semaphore, #tpu.memory_space<semaphore_mem>> -> memref<!tpu.dma_semaphore, #tpu.memory_space<semaphore_mem>>
    tpu.enqueue_indirect_dma source(%dma_start3A_67 : memref<1024x64xf32, #tpu.memory_space<hbm>>) target(%dma_start3A_62 : memref<160x64xf32, #tpu.memory_space<vmem>>) offsets(%dma_start3A_64 : memref<160xi32, #tpu.memory_space<vmem>>) semaphore(%dma_start3A_69 : memref<!tpu.dma_semaphore, #tpu.memory_space<semaphore_mem>>)
    %dma_start3A_70 = arith.constant 0 : i32
    %dma_start3A_71 = arith.constant 0 : i32
    %dma_start3A_72 = arith.constant 0 : i32
    %dma_start3A_73 = arith.constant 0 : i32
    %dma_start3A_74 = tpu.memref_slice %arg13[%dma_start3A_70, %dma_start3A_72, %dma_start3A_73] : memref<4x160x64xf32, #tpu.memory_space<vmem>> -> memref<1x160x64xf32, #tpu.memory_space<vmem>>
    %dma_start3A_75 = tpu.memref_squeeze %dma_start3A_74 : memref<1x160x64xf32, #tpu.memory_space<vmem>> -> memref<160x64xf32, #tpu.memory_space<vmem>>
    %dma_start3A_76 = arith.constant 0 : i32
    %dma_start3A_77 = tpu.memref_slice %arg11[%dma_start3A_76] : memref<12800xi32, #tpu.memory_space<vmem>> -> memref<160xi32, #tpu.memory_space<vmem>>
    %dma_start3A_78 = arith.constant 0 : i32
    %dma_start3A_79 = arith.constant 0 : i32
    %dma_start3A_80 = tpu.memref_slice %arg7[%dma_start3A_78, %dma_start3A_79] : memref<1024x64xf32, #tpu.memory_space<hbm>> -> memref<1024x64xf32, #tpu.memory_space<hbm>>
    %dma_start3A_81 = tpu.memref_slice %arg16[%dma_start3A_71] : memref<4x!tpu.dma_semaphore, #tpu.memory_space<semaphore_mem>> -> memref<1x!tpu.dma_semaphore, #tpu.memory_space<semaphore_mem>>
    %dma_start3A_82 = tpu.memref_squeeze %dma_start3A_81 : memref<1x!tpu.dma_semaphore, #tpu.memory_space<semaphore_mem>> -> memref<!tpu.dma_semaphore, #tpu.memory_space<semaphore_mem>>
    tpu.enqueue_indirect_dma source(%dma_start3A_80 : memref<1024x64xf32, #tpu.memory_space<hbm>>) target(%dma_start3A_75 : memref<160x64xf32, #tpu.memory_space<vmem>>) offsets(%dma_start3A_77 : memref<160xi32, #tpu.memory_space<vmem>>) semaphore(%dma_start3A_82 : memref<!tpu.dma_semaphore, #tpu.memory_space<semaphore_mem>>)
    %dma_start3A_83 = arith.constant 1 : i32
    %dma_start3A_84 = arith.constant 1 : i32
    %dma_start3A_85 = arith.constant 0 : i32
    %dma_start3A_86 = arith.constant 0 : i32
    %dma_start3A_87 = tpu.memref_slice %arg12[%dma_start3A_83, %dma_start3A_85, %dma_start3A_86] : memref<4x160x64xf32, #tpu.memory_space<vmem>> -> memref<1x160x64xf32, #tpu.memory_space<vmem>>
    %dma_start3A_88 = tpu.memref_squeeze %dma_start3A_87 : memref<1x160x64xf32, #tpu.memory_space<vmem>> -> memref<160x64xf32, #tpu.memory_space<vmem>>
    %dma_start3A_89 = arith.constant 160 : i32
    %dma_start3A_90 = tpu.memref_slice %arg10[%dma_start3A_89] : memref<12800xi32, #tpu.memory_space<vmem>> -> memref<160xi32, #tpu.memory_space<vmem>>
    %dma_start3A_91 = arith.constant 0 : i32
    %dma_start3A_92 = arith.constant 0 : i32
    %dma_start3A_93 = tpu.memref_slice %arg7[%dma_start3A_91, %dma_start3A_92] : memref<1024x64xf32, #tpu.memory_space<hbm>> -> memref<1024x64xf32, #tpu.memory_space<hbm>>
    %dma_start3A_94 = tpu.memref_slice %arg16[%dma_start3A_84] : memref<4x!tpu.dma_semaphore, #tpu.memory_space<semaphore_mem>> -> memref<1x!tpu.dma_semaphore, #tpu.memory_space<semaphore_mem>>
    %dma_start3A_95 = tpu.memref_squeeze %dma_start3A_94 : memref<1x!tpu.dma_semaphore, #tpu.memory_space<semaphore_mem>> -> memref<!tpu.dma_semaphore, #tpu.memory_space<semaphore_mem>>
    tpu.enqueue_indirect_dma source(%dma_start3A_93 : memref<1024x64xf32, #tpu.memory_space<hbm>>) target(%dma_start3A_88 : memref<160x64xf32, #tpu.memory_space<vmem>>) offsets(%dma_start3A_90 : memref<160xi32, #tpu.memory_space<vmem>>) semaphore(%dma_start3A_95 : memref<!tpu.dma_semaphore, #tpu.memory_space<semaphore_mem>>)
    %dma_start3A_96 = arith.constant 1 : i32
    %dma_start3A_97 = arith.constant 1 : i32
    %dma_start3A_98 = arith.constant 0 : i32
    %dma_start3A_99 = arith.constant 0 : i32
    %dma_start3A_100 = tpu.memref_slice %arg13[%dma_start3A_96, %dma_start3A_98, %dma_start3A_99] : memref<4x160x64xf32, #tpu.memory_space<vmem>> -> memref<1x160x64xf32, #tpu.memory_space<vmem>>
    %dma_start3A_101 = tpu.memref_squeeze %dma_start3A_100 : memref<1x160x64xf32, #tpu.memory_space<vmem>> -> memref<160x64xf32, #tpu.memory_space<vmem>>
    %dma_start3A_102 = arith.constant 160 : i32
    %dma_start3A_103 = tpu.memref_slice %arg11[%dma_start3A_102] : memref<12800xi32, #tpu.memory_space<vmem>> -> memref<160xi32, #tpu.memory_space<vmem>>
    %dma_start3A_104 = arith.constant 0 : i32
    %dma_start3A_105 = arith.constant 0 : i32
    %dma_start3A_106 = tpu.memref_slice %arg7[%dma_start3A_104, %dma_start3A_105] : memref<1024x64xf32, #tpu.memory_space<hbm>> -> memref<1024x64xf32, #tpu.memory_space<hbm>>
    %dma_start3A_107 = tpu.memref_slice %arg16[%dma_start3A_97] : memref<4x!tpu.dma_semaphore, #tpu.memory_space<semaphore_mem>> -> memref<1x!tpu.dma_semaphore, #tpu.memory_space<semaphore_mem>>
    %dma_start3A_108 = tpu.memref_squeeze %dma_start3A_107 : memref<1x!tpu.dma_semaphore, #tpu.memory_space<semaphore_mem>> -> memref<!tpu.dma_semaphore, #tpu.memory_space<semaphore_mem>>
    tpu.enqueue_indirect_dma source(%dma_start3A_106 : memref<1024x64xf32, #tpu.memory_space<hbm>>) target(%dma_start3A_101 : memref<160x64xf32, #tpu.memory_space<vmem>>) offsets(%dma_start3A_103 : memref<160xi32, #tpu.memory_space<vmem>>) semaphore(%dma_start3A_108 : memref<!tpu.dma_semaphore, #tpu.memory_space<semaphore_mem>>)
    %dma_wait3A_109 = arith.constant 0 : i32
    %dma_wait3A_110 = arith.constant 0 : i32
    %dma_wait3A_111 = arith.constant 0 : i32
    %dma_wait3A_112 = arith.constant 0 : i32
    %dma_wait3A_113 = tpu.memref_slice %arg12[%dma_wait3A_109, %dma_wait3A_111, %dma_wait3A_112] : memref<4x160x64xf32, #tpu.memory_space<vmem>> -> memref<1x160x64xf32, #tpu.memory_space<vmem>>
    %dma_wait3A_114 = tpu.memref_squeeze %dma_wait3A_113 : memref<1x160x64xf32, #tpu.memory_space<vmem>> -> memref<160x64xf32, #tpu.memory_space<vmem>>
    %dma_wait3A_115 = arith.constant 0 : i32
    %dma_wait3A_116 = tpu.memref_slice %arg10[%dma_wait3A_115] : memref<12800xi32, #tpu.memory_space<vmem>> -> memref<160xi32, #tpu.memory_space<vmem>>
    %dma_wait3A_117 = arith.constant 0 : i32
    %dma_wait3A_118 = arith.constant 0 : i32
    %dma_wait3A_119 = tpu.memref_slice %arg7[%dma_wait3A_117, %dma_wait3A_118] : memref<1024x64xf32, #tpu.memory_space<hbm>> -> memref<1024x64xf32, #tpu.memory_space<hbm>>
    %dma_wait3A_120 = tpu.memref_slice %arg16[%dma_wait3A_110] : memref<4x!tpu.dma_semaphore, #tpu.memory_space<semaphore_mem>> -> memref<1x!tpu.dma_semaphore, #tpu.memory_space<semaphore_mem>>
    %dma_wait3A_121 = tpu.memref_squeeze %dma_wait3A_120 : memref<1x!tpu.dma_semaphore, #tpu.memory_space<semaphore_mem>> -> memref<!tpu.dma_semaphore, #tpu.memory_space<semaphore_mem>>
    tpu.wait_indirect_dma semaphore(%dma_wait3A_121 : memref<!tpu.dma_semaphore, #tpu.memory_space<semaphore_mem>>) src(%dma_wait3A_119 : memref<1024x64xf32, #tpu.memory_space<hbm>>) dst(%dma_wait3A_114 : memref<160x64xf32, #tpu.memory_space<vmem>>)
    %dma_wait3A_122 = arith.constant 0 : i32
    %dma_wait3A_123 = arith.constant 0 : i32
    %dma_wait3A_124 = arith.constant 0 : i32
    %dma_wait3A_125 = arith.constant 0 : i32
    %dma_wait3A_126 = tpu.memref_slice %arg13[%dma_wait3A_122, %dma_wait3A_124, %dma_wait3A_125] : memref<4x160x64xf32, #tpu.memory_space<vmem>> -> memref<1x160x64xf32, #tpu.memory_space<vmem>>
    %dma_wait3A_127 = tpu.memref_squeeze %dma_wait3A_126 : memref<1x160x64xf32, #tpu.memory_space<vmem>> -> memref<160x64xf32, #tpu.memory_space<vmem>>
    %dma_wait3A_128 = arith.constant 0 : i32
    %dma_wait3A_129 = tpu.memref_slice %arg11[%dma_wait3A_128] : memref<12800xi32, #tpu.memory_space<vmem>> -> memref<160xi32, #tpu.memory_space<vmem>>
    %dma_wait3A_130 = arith.constant 0 : i32
    %dma_wait3A_131 = arith.constant 0 : i32
    %dma_wait3A_132 = tpu.memref_slice %arg7[%dma_wait3A_130, %dma_wait3A_131] : memref<1024x64xf32, #tpu.memory_space<hbm>> -> memref<1024x64xf32, #tpu.memory_space<hbm>>
    %dma_wait3A_133 = tpu.memref_slice %arg16[%dma_wait3A_123] : memref<4x!tpu.dma_semaphore, #tpu.memory_space<semaphore_mem>> -> memref<1x!tpu.dma_semaphore, #tpu.memory_space<semaphore_mem>>
    %dma_wait3A_134 = tpu.memref_squeeze %dma_wait3A_133 : memref<1x!tpu.dma_semaphore, #tpu.memory_space<semaphore_mem>> -> memref<!tpu.dma_semaphore, #tpu.memory_space<semaphore_mem>>
    tpu.wait_indirect_dma semaphore(%dma_wait3A_134 : memref<!tpu.dma_semaphore, #tpu.memory_space<semaphore_mem>>) src(%dma_wait3A_132 : memref<1024x64xf32, #tpu.memory_space<hbm>>) dst(%dma_wait3A_127 : memref<160x64xf32, #tpu.memory_space<vmem>>)
    %add3A_135 = arith.constant 0 : i32
    %add3A_136 = arith.addi %mul3A_2, %add3A_135 : i32
    %dma_start3A_137 = arith.constant 0 : i32
    %dma_start3A_138 = arith.constant 0 : i32
    %dma_start3A_139 = arith.constant 0 : i32
    %dma_start3A_140 = arith.constant 0 : i32
    %dma_start3A_141 = tpu.memref_slice %arg12[%dma_start3A_137, %dma_start3A_139, %dma_start3A_140] : memref<4x160x64xf32, #tpu.memory_space<vmem>> -> memref<1x160x64xf32, #tpu.memory_space<vmem>>
    %dma_start3A_142 = tpu.memref_squeeze %dma_start3A_141 : memref<1x160x64xf32, #tpu.memory_space<vmem>> -> memref<160x64xf32, #tpu.memory_space<vmem>>
    %dma_start3A_143 = arith.constant 0 : i32
    %dma_start3A_144 = tpu.memref_slice %arg6[%add3A_136, %dma_start3A_143] : memref<409600x128xf32, #tpu.memory_space<hbm>> -> memref<160x128xf32, #tpu.memory_space<hbm>>
    %dma_start3A_145 = arith.constant 0 : i32
    %dma_start3A_146 = arith.constant 0 : i32
    %dma_start3A_147 = tpu.memref_slice %dma_start3A_144[%dma_start3A_145, %dma_start3A_146] : memref<160x128xf32, #tpu.memory_space<hbm>> -> memref<160x64xf32, #tpu.memory_space<hbm>>
    %dma_start3A_148 = tpu.memref_slice %arg17[%dma_start3A_138] : memref<4x!tpu.dma_semaphore, #tpu.memory_space<semaphore_mem>> -> memref<1x!tpu.dma_semaphore, #tpu.memory_space<semaphore_mem>>
    %dma_start3A_149 = tpu.memref_squeeze %dma_start3A_148 : memref<1x!tpu.dma_semaphore, #tpu.memory_space<semaphore_mem>> -> memref<!tpu.dma_semaphore, #tpu.memory_space<semaphore_mem>>
    %dma_start3A_150 = arith.constant 0 : i32
    %dma_start3A_151 = tpu.memref_slice %arg6[%add3A_136, %dma_start3A_150] : memref<409600x128xf32, #tpu.memory_space<hbm>> -> memref<160x128xf32, #tpu.memory_space<hbm>>
    %dma_start3A_152 = arith.constant 0 : i32
    %dma_start3A_153 = arith.constant 0 : i32
    %dma_start3A_154 = tpu.memref_slice %dma_start3A_151[%dma_start3A_152, %dma_start3A_153] : memref<160x128xf32, #tpu.memory_space<hbm>> -> memref<160x64xf32, #tpu.memory_space<hbm>>
    %dma_start3A_155 = arith.constant 0 : i32
    %dma_start3A_156 = arith.constant 0 : i32
    %dma_start3A_157 = tpu.memref_slice %arg12[%dma_start3A_137, %dma_start3A_155, %dma_start3A_156] : memref<4x160x64xf32, #tpu.memory_space<vmem>> -> memref<1x160x64xf32, #tpu.memory_space<vmem>>
    %dma_start3A_158 = tpu.memref_squeeze %dma_start3A_157 : memref<1x160x64xf32, #tpu.memory_space<vmem>> -> memref<160x64xf32, #tpu.memory_space<vmem>>
    tpu.enqueue_dma source(%dma_start3A_158 : memref<160x64xf32, #tpu.memory_space<vmem>>) target(%dma_start3A_154 : memref<160x64xf32, #tpu.memory_space<hbm>>) target_semaphore(%dma_start3A_149 : memref<!tpu.dma_semaphore, #tpu.memory_space<semaphore_mem>>)
    %dma_start3A_159 = arith.constant 0 : i32
    %dma_start3A_160 = arith.constant 0 : i32
    %dma_start3A_161 = arith.constant 0 : i32
    %dma_start3A_162 = arith.constant 0 : i32
    %dma_start3A_163 = tpu.memref_slice %arg13[%dma_start3A_159, %dma_start3A_161, %dma_start3A_162] : memref<4x160x64xf32, #tpu.memory_space<vmem>> -> memref<1x160x64xf32, #tpu.memory_space<vmem>>
    %dma_start3A_164 = tpu.memref_squeeze %dma_start3A_163 : memref<1x160x64xf32, #tpu.memory_space<vmem>> -> memref<160x64xf32, #tpu.memory_space<vmem>>
    %dma_start3A_165 = arith.constant 0 : i32
    %dma_start3A_166 = tpu.memref_slice %arg6[%add3A_136, %dma_start3A_165] : memref<409600x128xf32, #tpu.memory_space<hbm>> -> memref<160x128xf32, #tpu.memory_space<hbm>>
    %dma_start3A_167 = arith.constant 0 : i32
    %dma_start3A_168 = arith.constant 64 : i32
    %dma_start3A_169 = tpu.memref_slice %dma_start3A_166[%dma_start3A_167, %dma_start3A_168] : memref<160x128xf32, #tpu.memory_space<hbm>> -> memref<160x64xf32, #tpu.memory_space<hbm>>
    %dma_start3A_170 = tpu.memref_slice %arg17[%dma_start3A_160] : memref<4x!tpu.dma_semaphore, #tpu.memory_space<semaphore_mem>> -> memref<1x!tpu.dma_semaphore, #tpu.memory_space<semaphore_mem>>
    %dma_start3A_171 = tpu.memref_squeeze %dma_start3A_170 : memref<1x!tpu.dma_semaphore, #tpu.memory_space<semaphore_mem>> -> memref<!tpu.dma_semaphore, #tpu.memory_space<semaphore_mem>>
    %dma_start3A_172 = arith.constant 0 : i32
    %dma_start3A_173 = tpu.memref_slice %arg6[%add3A_136, %dma_start3A_172] : memref<409600x128xf32, #tpu.memory_space<hbm>> -> memref<160x128xf32, #tpu.memory_space<hbm>>
    %dma_start3A_174 = arith.constant 0 : i32
    %dma_start3A_175 = arith.constant 64 : i32
    %dma_start3A_176 = tpu.memref_slice %dma_start3A_173[%dma_start3A_174, %dma_start3A_175] : memref<160x128xf32, #tpu.memory_space<hbm>> -> memref<160x64xf32, #tpu.memory_space<hbm>>
    %dma_start3A_177 = arith.constant 0 : i32
    %dma_start3A_178 = arith.constant 0 : i32
    %dma_start3A_179 = tpu.memref_slice %arg13[%dma_start3A_159, %dma_start3A_177, %dma_start3A_178] : memref<4x160x64xf32, #tpu.memory_space<vmem>> -> memref<1x160x64xf32, #tpu.memory_space<vmem>>
    %dma_start3A_180 = tpu.memref_squeeze %dma_start3A_179 : memref<1x160x64xf32, #tpu.memory_space<vmem>> -> memref<160x64xf32, #tpu.memory_space<vmem>>
    tpu.enqueue_dma source(%dma_start3A_180 : memref<160x64xf32, #tpu.memory_space<vmem>>) target(%dma_start3A_176 : memref<160x64xf32, #tpu.memory_space<hbm>>) target_semaphore(%dma_start3A_171 : memref<!tpu.dma_semaphore, #tpu.memory_space<semaphore_mem>>)
    %dma_start3A_181 = arith.constant 2 : i32
    %dma_start3A_182 = arith.constant 2 : i32
    %dma_start3A_183 = arith.constant 0 : i32
    %dma_start3A_184 = arith.constant 0 : i32
    %dma_start3A_185 = tpu.memref_slice %arg12[%dma_start3A_181, %dma_start3A_183, %dma_start3A_184] : memref<4x160x64xf32, #tpu.memory_space<vmem>> -> memref<1x160x64xf32, #tpu.memory_space<vmem>>
    %dma_start3A_186 = tpu.memref_squeeze %dma_start3A_185 : memref<1x160x64xf32, #tpu.memory_space<vmem>> -> memref<160x64xf32, #tpu.memory_space<vmem>>
    %dma_start3A_187 = arith.constant 320 : i32
    %dma_start3A_188 = tpu.memref_slice %arg10[%dma_start3A_187] : memref<12800xi32, #tpu.memory_space<vmem>> -> memref<160xi32, #tpu.memory_space<vmem>>
    %dma_start3A_189 = arith.constant 0 : i32
    %dma_start3A_190 = arith.constant 0 : i32
    %dma_start3A_191 = tpu.memref_slice %arg7[%dma_start3A_189, %dma_start3A_190] : memref<1024x64xf32, #tpu.memory_space<hbm>> -> memref<1024x64xf32, #tpu.memory_space<hbm>>
    %dma_start3A_192 = tpu.memref_slice %arg16[%dma_start3A_182] : memref<4x!tpu.dma_semaphore, #tpu.memory_space<semaphore_mem>> -> memref<1x!tpu.dma_semaphore, #tpu.memory_space<semaphore_mem>>
    %dma_start3A_193 = tpu.memref_squeeze %dma_start3A_192 : memref<1x!tpu.dma_semaphore, #tpu.memory_space<semaphore_mem>> -> memref<!tpu.dma_semaphore, #tpu.memory_space<semaphore_mem>>
    tpu.enqueue_indirect_dma source(%dma_start3A_191 : memref<1024x64xf32, #tpu.memory_space<hbm>>) target(%dma_start3A_186 : memref<160x64xf32, #tpu.memory_space<vmem>>) offsets(%dma_start3A_188 : memref<160xi32, #tpu.memory_space<vmem>>) semaphore(%dma_start3A_193 : memref<!tpu.dma_semaphore, #tpu.memory_space<semaphore_mem>>)
    %dma_start3A_194 = arith.constant 2 : i32
    %dma_start3A_195 = arith.constant 2 : i32
    %dma_start3A_196 = arith.constant 0 : i32
    %dma_start3A_197 = arith.constant 0 : i32
    %dma_start3A_198 = tpu.memref_slice %arg13[%dma_start3A_194, %dma_start3A_196, %dma_start3A_197] : memref<4x160x64xf32, #tpu.memory_space<vmem>> -> memref<1x160x64xf32, #tpu.memory_space<vmem>>
    %dma_start3A_199 = tpu.memref_squeeze %dma_start3A_198 : memref<1x160x64xf32, #tpu.memory_space<vmem>> -> memref<160x64xf32, #tpu.memory_space<vmem>>
    %dma_start3A_200 = arith.constant 320 : i32
    %dma_start3A_201 = tpu.memref_slice %arg11[%dma_start3A_200] : memref<12800xi32, #tpu.memory_space<vmem>> -> memref<160xi32, #tpu.memory_space<vmem>>
    %dma_start3A_202 = arith.constant 0 : i32
    %dma_start3A_203 = arith.constant 0 : i32
    %dma_start3A_204 = tpu.memref_slice %arg7[%dma_start3A_202, %dma_start3A_203] : memref<1024x64xf32, #tpu.memory_space<hbm>> -> memref<1024x64xf32, #tpu.memory_space<hbm>>
    %dma_start3A_205 = tpu.memref_slice %arg16[%dma_start3A_195] : memref<4x!tpu.dma_semaphore, #tpu.memory_space<semaphore_mem>> -> memref<1x!tpu.dma_semaphore, #tpu.memory_space<semaphore_mem>>
    %dma_start3A_206 = tpu.memref_squeeze %dma_start3A_205 : memref<1x!tpu.dma_semaphore, #tpu.memory_space<semaphore_mem>> -> memref<!tpu.dma_semaphore, #tpu.memory_space<semaphore_mem>>
    tpu.enqueue_indirect_dma source(%dma_start3A_204 : memref<1024x64xf32, #tpu.memory_space<hbm>>) target(%dma_start3A_199 : memref<160x64xf32, #tpu.memory_space<vmem>>) offsets(%dma_start3A_201 : memref<160xi32, #tpu.memory_space<vmem>>) semaphore(%dma_start3A_206 : memref<!tpu.dma_semaphore, #tpu.memory_space<semaphore_mem>>)
    %dma_wait3A_207 = arith.constant 1 : i32
    %dma_wait3A_208 = arith.constant 1 : i32
    %dma_wait3A_209 = arith.constant 0 : i32
    %dma_wait3A_210 = arith.constant 0 : i32
    %dma_wait3A_211 = tpu.memref_slice %arg12[%dma_wait3A_207, %dma_wait3A_209, %dma_wait3A_210] : memref<4x160x64xf32, #tpu.memory_space<vmem>> -> memref<1x160x64xf32, #tpu.memory_space<vmem>>
    %dma_wait3A_212 = tpu.memref_squeeze %dma_wait3A_211 : memref<1x160x64xf32, #tpu.memory_space<vmem>> -> memref<160x64xf32, #tpu.memory_space<vmem>>
    %dma_wait3A_213 = arith.constant 160 : i32
    %dma_wait3A_214 = tpu.memref_slice %arg10[%dma_wait3A_213] : memref<12800xi32, #tpu.memory_space<vmem>> -> memref<160xi32, #tpu.memory_space<vmem>>
    %dma_wait3A_215 = arith.constant 0 : i32
    %dma_wait3A_216 = arith.constant 0 : i32
    %dma_wait3A_217 = tpu.memref_slice %arg7[%dma_wait3A_215, %dma_wait3A_216] : memref<1024x64xf32, #tpu.memory_space<hbm>> -> memref<1024x64xf32, #tpu.memory_space<hbm>>
    %dma_wait3A_218 = tpu.memref_slice %arg16[%dma_wait3A_208] : memref<4x!tpu.dma_semaphore, #tpu.memory_space<semaphore_mem>> -> memref<1x!tpu.dma_semaphore, #tpu.memory_space<semaphore_mem>>
    %dma_wait3A_219 = tpu.memref_squeeze %dma_wait3A_218 : memref<1x!tpu.dma_semaphore, #tpu.memory_space<semaphore_mem>> -> memref<!tpu.dma_semaphore, #tpu.memory_space<semaphore_mem>>
    tpu.wait_indirect_dma semaphore(%dma_wait3A_219 : memref<!tpu.dma_semaphore, #tpu.memory_space<semaphore_mem>>) src(%dma_wait3A_217 : memref<1024x64xf32, #tpu.memory_space<hbm>>) dst(%dma_wait3A_212 : memref<160x64xf32, #tpu.memory_space<vmem>>)
    %dma_wait3A_220 = arith.constant 1 : i32
    %dma_wait3A_221 = arith.constant 1 : i32
    %dma_wait3A_222 = arith.constant 0 : i32
    %dma_wait3A_223 = arith.constant 0 : i32
    %dma_wait3A_224 = tpu.memref_slice %arg13[%dma_wait3A_220, %dma_wait3A_222, %dma_wait3A_223] : memref<4x160x64xf32, #tpu.memory_space<vmem>> -> memref<1x160x64xf32, #tpu.memory_space<vmem>>
    %dma_wait3A_225 = tpu.memref_squeeze %dma_wait3A_224 : memref<1x160x64xf32, #tpu.memory_space<vmem>> -> memref<160x64xf32, #tpu.memory_space<vmem>>
    %dma_wait3A_226 = arith.constant 160 : i32
    %dma_wait3A_227 = tpu.memref_slice %arg11[%dma_wait3A_226] : memref<12800xi32, #tpu.memory_space<vmem>> -> memref<160xi32, #tpu.memory_space<vmem>>
    %dma_wait3A_228 = arith.constant 0 : i32
    %dma_wait3A_229 = arith.constant 0 : i32
    %dma_wait3A_230 = tpu.memref_slice %arg7[%dma_wait3A_228, %dma_wait3A_229] : memref<1024x64xf32, #tpu.memory_space<hbm>> -> memref<1024x64xf32, #tpu.memory_space<hbm>>
    %dma_wait3A_231 = tpu.memref_slice %arg16[%dma_wait3A_221] : memref<4x!tpu.dma_semaphore, #tpu.memory_space<semaphore_mem>> -> memref<1x!tpu.dma_semaphore, #tpu.memory_space<semaphore_mem>>
    %dma_wait3A_232 = tpu.memref_squeeze %dma_wait3A_231 : memref<1x!tpu.dma_semaphore, #tpu.memory_space<semaphore_mem>> -> memref<!tpu.dma_semaphore, #tpu.memory_space<semaphore_mem>>
    tpu.wait_indirect_dma semaphore(%dma_wait3A_232 : memref<!tpu.dma_semaphore, #tpu.memory_space<semaphore_mem>>) src(%dma_wait3A_230 : memref<1024x64xf32, #tpu.memory_space<hbm>>) dst(%dma_wait3A_225 : memref<160x64xf32, #tpu.memory_space<vmem>>)
    %add3A_233 = arith.constant 160 : i32
    %add3A_234 = arith.addi %mul3A_2, %add3A_233 : i32
    %dma_start3A_235 = arith.constant 1 : i32
    %dma_start3A_236 = arith.constant 1 : i32
    %dma_start3A_237 = arith.constant 0 : i32
    %dma_start3A_238 = arith.constant 0 : i32
    %dma_start3A_239 = tpu.memref_slice %arg12[%dma_start3A_235, %dma_start3A_237, %dma_start3A_238] : memref<4x160x64xf32, #tpu.memory_space<vmem>> -> memref<1x160x64xf32, #tpu.memory_space<vmem>>
    %dma_start3A_240 = tpu.memref_squeeze %dma_start3A_239 : memref<1x160x64xf32, #tpu.memory_space<vmem>> -> memref<160x64xf32, #tpu.memory_space<vmem>>
    %dma_start3A_241 = arith.constant 0 : i32
    %dma_start3A_242 = tpu.memref_slice %arg6[%add3A_234, %dma_start3A_241] : memref<409600x128xf32, #tpu.memory_space<hbm>> -> memref<160x128xf32, #tpu.memory_space<hbm>>
    %dma_start3A_243 = arith.constant 0 : i32
    %dma_start3A_244 = arith.constant 0 : i32
    %dma_start3A_245 = tpu.memref_slice %dma_start3A_242[%dma_start3A_243, %dma_start3A_244] : memref<160x128xf32, #tpu.memory_space<hbm>> -> memref<160x64xf32, #tpu.memory_space<hbm>>
    %dma_start3A_246 = tpu.memref_slice %arg17[%dma_start3A_236] : memref<4x!tpu.dma_semaphore, #tpu.memory_space<semaphore_mem>> -> memref<1x!tpu.dma_semaphore, #tpu.memory_space<semaphore_mem>>
    %dma_start3A_247 = tpu.memref_squeeze %dma_start3A_246 : memref<1x!tpu.dma_semaphore, #tpu.memory_space<semaphore_mem>> -> memref<!tpu.dma_semaphore, #tpu.memory_space<semaphore_mem>>
    %dma_start3A_248 = arith.constant 0 : i32
    %dma_start3A_249 = tpu.memref_slice %arg6[%add3A_234, %dma_start3A_248] : memref<409600x128xf32, #tpu.memory_space<hbm>> -> memref<160x128xf32, #tpu.memory_space<hbm>>
    %dma_start3A_250 = arith.constant 0 : i32
    %dma_start3A_251 = arith.constant 0 : i32
    %dma_start3A_252 = tpu.memref_slice %dma_start3A_249[%dma_start3A_250, %dma_start3A_251] : memref<160x128xf32, #tpu.memory_space<hbm>> -> memref<160x64xf32, #tpu.memory_space<hbm>>
    %dma_start3A_253 = arith.constant 0 : i32
    %dma_start3A_254 = arith.constant 0 : i32
    %dma_start3A_255 = tpu.memref_slice %arg12[%dma_start3A_235, %dma_start3A_253, %dma_start3A_254] : memref<4x160x64xf32, #tpu.memory_space<vmem>> -> memref<1x160x64xf32, #tpu.memory_space<vmem>>
    %dma_start3A_256 = tpu.memref_squeeze %dma_start3A_255 : memref<1x160x64xf32, #tpu.memory_space<vmem>> -> memref<160x64xf32, #tpu.memory_space<vmem>>
    tpu.enqueue_dma source(%dma_start3A_256 : memref<160x64xf32, #tpu.memory_space<vmem>>) target(%dma_start3A_252 : memref<160x64xf32, #tpu.memory_space<hbm>>) target_semaphore(%dma_start3A_247 : memref<!tpu.dma_semaphore, #tpu.memory_space<semaphore_mem>>)
    %dma_start3A_257 = arith.constant 1 : i32
    %dma_start3A_258 = arith.constant 1 : i32
    %dma_start3A_259 = arith.constant 0 : i32
    %dma_start3A_260 = arith.constant 0 : i32
    %dma_start3A_261 = tpu.memref_slice %arg13[%dma_start3A_257, %dma_start3A_259, %dma_start3A_260] : memref<4x160x64xf32, #tpu.memory_space<vmem>> -> memref<1x160x64xf32, #tpu.memory_space<vmem>>
    %dma_start3A_262 = tpu.memref_squeeze %dma_start3A_261 : memref<1x160x64xf32, #tpu.memory_space<vmem>> -> memref<160x64xf32, #tpu.memory_space<vmem>>
    %dma_start3A_263 = arith.constant 0 : i32
    %dma_start3A_264 = tpu.memref_slice %arg6[%add3A_234, %dma_start3A_263] : memref<409600x128xf32, #tpu.memory_space<hbm>> -> memref<160x128xf32, #tpu.memory_space<hbm>>
    %dma_start3A_265 = arith.constant 0 : i32
    %dma_start3A_266 = arith.constant 64 : i32
    %dma_start3A_267 = tpu.memref_slice %dma_start3A_264[%dma_start3A_265, %dma_start3A_266] : memref<160x128xf32, #tpu.memory_space<hbm>> -> memref<160x64xf32, #tpu.memory_space<hbm>>
    %dma_start3A_268 = tpu.memref_slice %arg17[%dma_start3A_258] : memref<4x!tpu.dma_semaphore, #tpu.memory_space<semaphore_mem>> -> memref<1x!tpu.dma_semaphore, #tpu.memory_space<semaphore_mem>>
    %dma_start3A_269 = tpu.memref_squeeze %dma_start3A_268 : memref<1x!tpu.dma_semaphore, #tpu.memory_space<semaphore_mem>> -> memref<!tpu.dma_semaphore, #tpu.memory_space<semaphore_mem>>
    %dma_start3A_270 = arith.constant 0 : i32
    %dma_start3A_271 = tpu.memref_slice %arg6[%add3A_234, %dma_start3A_270] : memref<409600x128xf32, #tpu.memory_space<hbm>> -> memref<160x128xf32, #tpu.memory_space<hbm>>
    %dma_start3A_272 = arith.constant 0 : i32
    %dma_start3A_273 = arith.constant 64 : i32
    %dma_start3A_274 = tpu.memref_slice %dma_start3A_271[%dma_start3A_272, %dma_start3A_273] : memref<160x128xf32, #tpu.memory_space<hbm>> -> memref<160x64xf32, #tpu.memory_space<hbm>>
    %dma_start3A_275 = arith.constant 0 : i32
    %dma_start3A_276 = arith.constant 0 : i32
    %dma_start3A_277 = tpu.memref_slice %arg13[%dma_start3A_257, %dma_start3A_275, %dma_start3A_276] : memref<4x160x64xf32, #tpu.memory_space<vmem>> -> memref<1x160x64xf32, #tpu.memory_space<vmem>>
    %dma_start3A_278 = tpu.memref_squeeze %dma_start3A_277 : memref<1x160x64xf32, #tpu.memory_space<vmem>> -> memref<160x64xf32, #tpu.memory_space<vmem>>
    tpu.enqueue_dma source(%dma_start3A_278 : memref<160x64xf32, #tpu.memory_space<vmem>>) target(%dma_start3A_274 : memref<160x64xf32, #tpu.memory_space<hbm>>) target_semaphore(%dma_start3A_269 : memref<!tpu.dma_semaphore, #tpu.memory_space<semaphore_mem>>)
    %dma_start3A_279 = arith.constant 3 : i32
    %dma_start3A_280 = arith.constant 3 : i32
    %dma_start3A_281 = arith.constant 0 : i32
    %dma_start3A_282 = arith.constant 0 : i32
    %dma_start3A_283 = tpu.memref_slice %arg12[%dma_start3A_279, %dma_start3A_281, %dma_start3A_282] : memref<4x160x64xf32, #tpu.memory_space<vmem>> -> memref<1x160x64xf32, #tpu.memory_space<vmem>>
    %dma_start3A_284 = tpu.memref_squeeze %dma_start3A_283 : memref<1x160x64xf32, #tpu.memory_space<vmem>> -> memref<160x64xf32, #tpu.memory_space<vmem>>
    %dma_start3A_285 = arith.constant 480 : i32
    %dma_start3A_286 = tpu.memref_slice %arg10[%dma_start3A_285] : memref<12800xi32, #tpu.memory_space<vmem>> -> memref<160xi32, #tpu.memory_space<vmem>>
    %dma_start3A_287 = arith.constant 0 : i32
    %dma_start3A_288 = arith.constant 0 : i32
    %dma_start3A_289 = tpu.memref_slice %arg7[%dma_start3A_287, %dma_start3A_288] : memref<1024x64xf32, #tpu.memory_space<hbm>> -> memref<1024x64xf32, #tpu.memory_space<hbm>>
    %dma_start3A_290 = tpu.memref_slice %arg16[%dma_start3A_280] : memref<4x!tpu.dma_semaphore, #tpu.memory_space<semaphore_mem>> -> memref<1x!tpu.dma_semaphore, #tpu.memory_space<semaphore_mem>>
    %dma_start3A_291 = tpu.memref_squeeze %dma_start3A_290 : memref<1x!tpu.dma_semaphore, #tpu.memory_space<semaphore_mem>> -> memref<!tpu.dma_semaphore, #tpu.memory_space<semaphore_mem>>
    tpu.enqueue_indirect_dma source(%dma_start3A_289 : memref<1024x64xf32, #tpu.memory_space<hbm>>) target(%dma_start3A_284 : memref<160x64xf32, #tpu.memory_space<vmem>>) offsets(%dma_start3A_286 : memref<160xi32, #tpu.memory_space<vmem>>) semaphore(%dma_start3A_291 : memref<!tpu.dma_semaphore, #tpu.memory_space<semaphore_mem>>)
    %dma_start3A_292 = arith.constant 3 : i32
    %dma_start3A_293 = arith.constant 3 : i32
    %dma_start3A_294 = arith.constant 0 : i32
    %dma_start3A_295 = arith.constant 0 : i32
    %dma_start3A_296 = tpu.memref_slice %arg13[%dma_start3A_292, %dma_start3A_294, %dma_start3A_295] : memref<4x160x64xf32, #tpu.memory_space<vmem>> -> memref<1x160x64xf32, #tpu.memory_space<vmem>>
    %dma_start3A_297 = tpu.memref_squeeze %dma_start3A_296 : memref<1x160x64xf32, #tpu.memory_space<vmem>> -> memref<160x64xf32, #tpu.memory_space<vmem>>
    %dma_start3A_298 = arith.constant 480 : i32
    %dma_start3A_299 = tpu.memref_slice %arg11[%dma_start3A_298] : memref<12800xi32, #tpu.memory_space<vmem>> -> memref<160xi32, #tpu.memory_space<vmem>>
    %dma_start3A_300 = arith.constant 0 : i32
    %dma_start3A_301 = arith.constant 0 : i32
    %dma_start3A_302 = tpu.memref_slice %arg7[%dma_start3A_300, %dma_start3A_301] : memref<1024x64xf32, #tpu.memory_space<hbm>> -> memref<1024x64xf32, #tpu.memory_space<hbm>>
    %dma_start3A_303 = tpu.memref_slice %arg16[%dma_start3A_293] : memref<4x!tpu.dma_semaphore, #tpu.memory_space<semaphore_mem>> -> memref<1x!tpu.dma_semaphore, #tpu.memory_space<semaphore_mem>>
    %dma_start3A_304 = tpu.memref_squeeze %dma_start3A_303 : memref<1x!tpu.dma_semaphore, #tpu.memory_space<semaphore_mem>> -> memref<!tpu.dma_semaphore, #tpu.memory_space<semaphore_mem>>
    tpu.enqueue_indirect_dma source(%dma_start3A_302 : memref<1024x64xf32, #tpu.memory_space<hbm>>) target(%dma_start3A_297 : memref<160x64xf32, #tpu.memory_space<vmem>>) offsets(%dma_start3A_299 : memref<160xi32, #tpu.memory_space<vmem>>) semaphore(%dma_start3A_304 : memref<!tpu.dma_semaphore, #tpu.memory_space<semaphore_mem>>)
    %dma_wait3A_305 = arith.constant 2 : i32
    %dma_wait3A_306 = arith.constant 2 : i32
    %dma_wait3A_307 = arith.constant 0 : i32
    %dma_wait3A_308 = arith.constant 0 : i32
    %dma_wait3A_309 = tpu.memref_slice %arg12[%dma_wait3A_305, %dma_wait3A_307, %dma_wait3A_308] : memref<4x160x64xf32, #tpu.memory_space<vmem>> -> memref<1x160x64xf32, #tpu.memory_space<vmem>>
    %dma_wait3A_310 = tpu.memref_squeeze %dma_wait3A_309 : memref<1x160x64xf32, #tpu.memory_space<vmem>> -> memref<160x64xf32, #tpu.memory_space<vmem>>
    %dma_wait3A_311 = arith.constant 320 : i32
    %dma_wait3A_312 = tpu.memref_slice %arg10[%dma_wait3A_311] : memref<12800xi32, #tpu.memory_space<vmem>> -> memref<160xi32, #tpu.memory_space<vmem>>
    %dma_wait3A_313 = arith.constant 0 : i32
    %dma_wait3A_314 = arith.constant 0 : i32
    %dma_wait3A_315 = tpu.memref_slice %arg7[%dma_wait3A_313, %dma_wait3A_314] : memref<1024x64xf32, #tpu.memory_space<hbm>> -> memref<1024x64xf32, #tpu.memory_space<hbm>>
    %dma_wait3A_316 = tpu.memref_slice %arg16[%dma_wait3A_306] : memref<4x!tpu.dma_semaphore, #tpu.memory_space<semaphore_mem>> -> memref<1x!tpu.dma_semaphore, #tpu.memory_space<semaphore_mem>>
    %dma_wait3A_317 = tpu.memref_squeeze %dma_wait3A_316 : memref<1x!tpu.dma_semaphore, #tpu.memory_space<semaphore_mem>> -> memref<!tpu.dma_semaphore, #tpu.memory_space<semaphore_mem>>
    tpu.wait_indirect_dma semaphore(%dma_wait3A_317 : memref<!tpu.dma_semaphore, #tpu.memory_space<semaphore_mem>>) src(%dma_wait3A_315 : memref<1024x64xf32, #tpu.memory_space<hbm>>) dst(%dma_wait3A_310 : memref<160x64xf32, #tpu.memory_space<vmem>>)
    %dma_wait3A_318 = arith.constant 2 : i32
    %dma_wait3A_319 = arith.constant 2 : i32
    %dma_wait3A_320 = arith.constant 0 : i32
    %dma_wait3A_321 = arith.constant 0 : i32
    %dma_wait3A_322 = tpu.memref_slice %arg13[%dma_wait3A_318, %dma_wait3A_320, %dma_wait3A_321] : memref<4x160x64xf32, #tpu.memory_space<vmem>> -> memref<1x160x64xf32, #tpu.memory_space<vmem>>
    %dma_wait3A_323 = tpu.memref_squeeze %dma_wait3A_322 : memref<1x160x64xf32, #tpu.memory_space<vmem>> -> memref<160x64xf32, #tpu.memory_space<vmem>>
    %dma_wait3A_324 = arith.constant 320 : i32
    %dma_wait3A_325 = tpu.memref_slice %arg11[%dma_wait3A_324] : memref<12800xi32, #tpu.memory_space<vmem>> -> memref<160xi32, #tpu.memory_space<vmem>>
    %dma_wait3A_326 = arith.constant 0 : i32
    %dma_wait3A_327 = arith.constant 0 : i32
    %dma_wait3A_328 = tpu.memref_slice %arg7[%dma_wait3A_326, %dma_wait3A_327] : memref<1024x64xf32, #tpu.memory_space<hbm>> -> memref<1024x64xf32, #tpu.memory_space<hbm>>
    %dma_wait3A_329 = tpu.memref_slice %arg16[%dma_wait3A_319] : memref<4x!tpu.dma_semaphore, #tpu.memory_space<semaphore_mem>> -> memref<1x!tpu.dma_semaphore, #tpu.memory_space<semaphore_mem>>
    %dma_wait3A_330 = tpu.memref_squeeze %dma_wait3A_329 : memref<1x!tpu.dma_semaphore, #tpu.memory_space<semaphore_mem>> -> memref<!tpu.dma_semaphore, #tpu.memory_space<semaphore_mem>>
    tpu.wait_indirect_dma semaphore(%dma_wait3A_330 : memref<!tpu.dma_semaphore, #tpu.memory_space<semaphore_mem>>) src(%dma_wait3A_328 : memref<1024x64xf32, #tpu.memory_space<hbm>>) dst(%dma_wait3A_323 : memref<160x64xf32, #tpu.memory_space<vmem>>)
    %add3A_331 = arith.constant 320 : i32
    %add3A_332 = arith.addi %mul3A_2, %add3A_331 : i32
    %dma_start3A_333 = arith.constant 2 : i32
    %dma_start3A_334 = arith.constant 2 : i32
    %dma_start3A_335 = arith.constant 0 : i32
    %dma_start3A_336 = arith.constant 0 : i32
    %dma_start3A_337 = tpu.memref_slice %arg12[%dma_start3A_333, %dma_start3A_335, %dma_start3A_336] : memref<4x160x64xf32, #tpu.memory_space<vmem>> -> memref<1x160x64xf32, #tpu.memory_space<vmem>>
    %dma_start3A_338 = tpu.memref_squeeze %dma_start3A_337 : memref<1x160x64xf32, #tpu.memory_space<vmem>> -> memref<160x64xf32, #tpu.memory_space<vmem>>
    %dma_start3A_339 = arith.constant 0 : i32
    %dma_start3A_340 = tpu.memref_slice %arg6[%add3A_332, %dma_start3A_339] : memref<409600x128xf32, #tpu.memory_space<hbm>> -> memref<160x128xf32, #tpu.memory_space<hbm>>
    %dma_start3A_341 = arith.constant 0 : i32
    %dma_start3A_342 = arith.constant 0 : i32
    %dma_start3A_343 = tpu.memref_slice %dma_start3A_340[%dma_start3A_341, %dma_start3A_342] : memref<160x128xf32, #tpu.memory_space<hbm>> -> memref<160x64xf32, #tpu.memory_space<hbm>>
    %dma_start3A_344 = tpu.memref_slice %arg17[%dma_start3A_334] : memref<4x!tpu.dma_semaphore, #tpu.memory_space<semaphore_mem>> -> memref<1x!tpu.dma_semaphore, #tpu.memory_space<semaphore_mem>>
    %dma_start3A_345 = tpu.memref_squeeze %dma_start3A_344 : memref<1x!tpu.dma_semaphore, #tpu.memory_space<semaphore_mem>> -> memref<!tpu.dma_semaphore, #tpu.memory_space<semaphore_mem>>
    %dma_start3A_346 = arith.constant 0 : i32
    %dma_start3A_347 = tpu.memref_slice %arg6[%add3A_332, %dma_start3A_346] : memref<409600x128xf32, #tpu.memory_space<hbm>> -> memref<160x128xf32, #tpu.memory_space<hbm>>
    %dma_start3A_348 = arith.constant 0 : i32
    %dma_start3A_349 = arith.constant 0 : i32
    %dma_start3A_350 = tpu.memref_slice %dma_start3A_347[%dma_start3A_348, %dma_start3A_349] : memref<160x128xf32, #tpu.memory_space<hbm>> -> memref<160x64xf32, #tpu.memory_space<hbm>>
    %dma_start3A_351 = arith.constant 0 : i32
    %dma_start3A_352 = arith.constant 0 : i32
    %dma_start3A_353 = tpu.memref_slice %arg12[%dma_start3A_333, %dma_start3A_351, %dma_start3A_352] : memref<4x160x64xf32, #tpu.memory_space<vmem>> -> memref<1x160x64xf32, #tpu.memory_space<vmem>>
    %dma_start3A_354 = tpu.memref_squeeze %dma_start3A_353 : memref<1x160x64xf32, #tpu.memory_space<vmem>> -> memref<160x64xf32, #tpu.memory_space<vmem>>
    tpu.enqueue_dma source(%dma_start3A_354 : memref<160x64xf32, #tpu.memory_space<vmem>>) target(%dma_start3A_350 : memref<160x64xf32, #tpu.memory_space<hbm>>) target_semaphore(%dma_start3A_345 : memref<!tpu.dma_semaphore, #tpu.memory_space<semaphore_mem>>)
    %dma_start3A_355 = arith.constant 2 : i32
    %dma_start3A_356 = arith.constant 2 : i32
    %dma_start3A_357 = arith.constant 0 : i32
    %dma_start3A_358 = arith.constant 0 : i32
    %dma_start3A_359 = tpu.memref_slice %arg13[%dma_start3A_355, %dma_start3A_357, %dma_start3A_358] : memref<4x160x64xf32, #tpu.memory_space<vmem>> -> memref<1x160x64xf32, #tpu.memory_space<vmem>>
    %dma_start3A_360 = tpu.memref_squeeze %dma_start3A_359 : memref<1x160x64xf32, #tpu.memory_space<vmem>> -> memref<160x64xf32, #tpu.memory_space<vmem>>
    %dma_start3A_361 = arith.constant 0 : i32
    %dma_start3A_362 = tpu.memref_slice %arg6[%add3A_332, %dma_start3A_361] : memref<409600x128xf32, #tpu.memory_space<hbm>> -> memref<160x128xf32, #tpu.memory_space<hbm>>
    %dma_start3A_363 = arith.constant 0 : i32
    %dma_start3A_364 = arith.constant 64 : i32
    %dma_start3A_365 = tpu.memref_slice %dma_start3A_362[%dma_start3A_363, %dma_start3A_364] : memref<160x128xf32, #tpu.memory_space<hbm>> -> memref<160x64xf32, #tpu.memory_space<hbm>>
    %dma_start3A_366 = tpu.memref_slice %arg17[%dma_start3A_356] : memref<4x!tpu.dma_semaphore, #tpu.memory_space<semaphore_mem>> -> memref<1x!tpu.dma_semaphore, #tpu.memory_space<semaphore_mem>>
    %dma_start3A_367 = tpu.memref_squeeze %dma_start3A_366 : memref<1x!tpu.dma_semaphore, #tpu.memory_space<semaphore_mem>> -> memref<!tpu.dma_semaphore, #tpu.memory_space<semaphore_mem>>
    %dma_start3A_368 = arith.constant 0 : i32
    %dma_start3A_369 = tpu.memref_slice %arg6[%add3A_332, %dma_start3A_368] : memref<409600x128xf32, #tpu.memory_space<hbm>> -> memref<160x128xf32, #tpu.memory_space<hbm>>
    %dma_start3A_370 = arith.constant 0 : i32
    %dma_start3A_371 = arith.constant 64 : i32
    %dma_start3A_372 = tpu.memref_slice %dma_start3A_369[%dma_start3A_370, %dma_start3A_371] : memref<160x128xf32, #tpu.memory_space<hbm>> -> memref<160x64xf32, #tpu.memory_space<hbm>>
    %dma_start3A_373 = arith.constant 0 : i32
    %dma_start3A_374 = arith.constant 0 : i32
    %dma_start3A_375 = tpu.memref_slice %arg13[%dma_start3A_355, %dma_start3A_373, %dma_start3A_374] : memref<4x160x64xf32, #tpu.memory_space<vmem>> -> memref<1x160x64xf32, #tpu.memory_space<vmem>>
    %dma_start3A_376 = tpu.memref_squeeze %dma_start3A_375 : memref<1x160x64xf32, #tpu.memory_space<vmem>> -> memref<160x64xf32, #tpu.memory_space<vmem>>
    tpu.enqueue_dma source(%dma_start3A_376 : memref<160x64xf32, #tpu.memory_space<vmem>>) target(%dma_start3A_372 : memref<160x64xf32, #tpu.memory_space<hbm>>) target_semaphore(%dma_start3A_367 : memref<!tpu.dma_semaphore, #tpu.memory_space<semaphore_mem>>)
    %add3A_377 = arith.constant 0 : i32
    %add3A_378 = arith.addi %mul3A_2, %add3A_377 : i32
    %dma_wait3A_379 = arith.constant 0 : i32
    %dma_wait3A_380 = arith.constant 0 : i32
    %dma_wait3A_381 = arith.constant 0 : i32
    %dma_wait3A_382 = arith.constant 0 : i32
    %dma_wait3A_383 = tpu.memref_slice %arg12[%dma_wait3A_379, %dma_wait3A_381, %dma_wait3A_382] : memref<4x160x64xf32, #tpu.memory_space<vmem>> -> memref<1x160x64xf32, #tpu.memory_space<vmem>>
    %dma_wait3A_384 = tpu.memref_squeeze %dma_wait3A_383 : memref<1x160x64xf32, #tpu.memory_space<vmem>> -> memref<160x64xf32, #tpu.memory_space<vmem>>
    %dma_wait3A_385 = arith.constant 0 : i32
    %dma_wait3A_386 = tpu.memref_slice %arg6[%add3A_378, %dma_wait3A_385] : memref<409600x128xf32, #tpu.memory_space<hbm>> -> memref<160x128xf32, #tpu.memory_space<hbm>>
    %dma_wait3A_387 = arith.constant 0 : i32
    %dma_wait3A_388 = arith.constant 0 : i32
    %dma_wait3A_389 = tpu.memref_slice %dma_wait3A_386[%dma_wait3A_387, %dma_wait3A_388] : memref<160x128xf32, #tpu.memory_space<hbm>> -> memref<160x64xf32, #tpu.memory_space<hbm>>
    %dma_wait3A_390 = tpu.memref_slice %arg17[%dma_wait3A_380] : memref<4x!tpu.dma_semaphore, #tpu.memory_space<semaphore_mem>> -> memref<1x!tpu.dma_semaphore, #tpu.memory_space<semaphore_mem>>
    %dma_wait3A_391 = tpu.memref_squeeze %dma_wait3A_390 : memref<1x!tpu.dma_semaphore, #tpu.memory_space<semaphore_mem>> -> memref<!tpu.dma_semaphore, #tpu.memory_space<semaphore_mem>>
    %dma_wait3A_392 = arith.constant 0 : i32
    %dma_wait3A_393 = tpu.memref_slice %arg6[%add3A_378, %dma_wait3A_392] : memref<409600x128xf32, #tpu.memory_space<hbm>> -> memref<160x128xf32, #tpu.memory_space<hbm>>
    %dma_wait3A_394 = arith.constant 0 : i32
    %dma_wait3A_395 = arith.constant 0 : i32
    %dma_wait3A_396 = tpu.memref_slice %dma_wait3A_393[%dma_wait3A_394, %dma_wait3A_395] : memref<160x128xf32, #tpu.memory_space<hbm>> -> memref<160x64xf32, #tpu.memory_space<hbm>>
    %dma_wait3A_397 = arith.constant 0 : i32
    %dma_wait3A_398 = arith.constant 0 : i32
    %dma_wait3A_399 = tpu.memref_slice %arg12[%dma_wait3A_379, %dma_wait3A_397, %dma_wait3A_398] : memref<4x160x64xf32, #tpu.memory_space<vmem>> -> memref<1x160x64xf32, #tpu.memory_space<vmem>>
    %dma_wait3A_400 = tpu.memref_squeeze %dma_wait3A_399 : memref<1x160x64xf32, #tpu.memory_space<vmem>> -> memref<160x64xf32, #tpu.memory_space<vmem>>
    tpu.wait_dma2 semaphore(%dma_wait3A_391 : memref<!tpu.dma_semaphore, #tpu.memory_space<semaphore_mem>>) src(%dma_wait3A_400 : memref<160x64xf32, #tpu.memory_space<vmem>>) dst(%dma_wait3A_396 : memref<160x64xf32, #tpu.memory_space<hbm>>)
    %dma_wait3A_401 = arith.constant 0 : i32
    %dma_wait3A_402 = arith.constant 0 : i32
    %dma_wait3A_403 = arith.constant 0 : i32
    %dma_wait3A_404 = arith.constant 0 : i32
    %dma_wait3A_405 = tpu.memref_slice %arg13[%dma_wait3A_401, %dma_wait3A_403, %dma_wait3A_404] : memref<4x160x64xf32, #tpu.memory_space<vmem>> -> memref<1x160x64xf32, #tpu.memory_space<vmem>>
    %dma_wait3A_406 = tpu.memref_squeeze %dma_wait3A_405 : memref<1x160x64xf32, #tpu.memory_space<vmem>> -> memref<160x64xf32, #tpu.memory_space<vmem>>
    %dma_wait3A_407 = arith.constant 0 : i32
    %dma_wait3A_408 = tpu.memref_slice %arg6[%add3A_378, %dma_wait3A_407] : memref<409600x128xf32, #tpu.memory_space<hbm>> -> memref<160x128xf32, #tpu.memory_space<hbm>>
    %dma_wait3A_409 = arith.constant 0 : i32
    %dma_wait3A_410 = arith.constant 64 : i32
    %dma_wait3A_411 = tpu.memref_slice %dma_wait3A_408[%dma_wait3A_409, %dma_wait3A_410] : memref<160x128xf32, #tpu.memory_space<hbm>> -> memref<160x64xf32, #tpu.memory_space<hbm>>
    %dma_wait3A_412 = tpu.memref_slice %arg17[%dma_wait3A_402] : memref<4x!tpu.dma_semaphore, #tpu.memory_space<semaphore_mem>> -> memref<1x!tpu.dma_semaphore, #tpu.memory_space<semaphore_mem>>
    %dma_wait3A_413 = tpu.memref_squeeze %dma_wait3A_412 : memref<1x!tpu.dma_semaphore, #tpu.memory_space<semaphore_mem>> -> memref<!tpu.dma_semaphore, #tpu.memory_space<semaphore_mem>>
    %dma_wait3A_414 = arith.constant 0 : i32
    %dma_wait3A_415 = tpu.memref_slice %arg6[%add3A_378, %dma_wait3A_414] : memref<409600x128xf32, #tpu.memory_space<hbm>> -> memref<160x128xf32, #tpu.memory_space<hbm>>
    %dma_wait3A_416 = arith.constant 0 : i32
    %dma_wait3A_417 = arith.constant 64 : i32
    %dma_wait3A_418 = tpu.memref_slice %dma_wait3A_415[%dma_wait3A_416, %dma_wait3A_417] : memref<160x128xf32, #tpu.memory_space<hbm>> -> memref<160x64xf32, #tpu.memory_space<hbm>>
    %dma_wait3A_419 = arith.constant 0 : i32
    %dma_wait3A_420 = arith.constant 0 : i32
    %dma_wait3A_421 = tpu.memref_slice %arg13[%dma_wait3A_401, %dma_wait3A_419, %dma_wait3A_420] : memref<4x160x64xf32, #tpu.memory_space<vmem>> -> memref<1x160x64xf32, #tpu.memory_space<vmem>>
    %dma_wait3A_422 = tpu.memref_squeeze %dma_wait3A_421 : memref<1x160x64xf32, #tpu.memory_space<vmem>> -> memref<160x64xf32, #tpu.memory_space<vmem>>
    tpu.wait_dma2 semaphore(%dma_wait3A_413 : memref<!tpu.dma_semaphore, #tpu.memory_space<semaphore_mem>>) src(%dma_wait3A_422 : memref<160x64xf32, #tpu.memory_space<vmem>>) dst(%dma_wait3A_418 : memref<160x64xf32, #tpu.memory_space<hbm>>)
    %dma_start3A_423 = arith.constant 0 : i32
    %dma_start3A_424 = arith.constant 0 : i32
    %dma_start3A_425 = arith.constant 0 : i32
    %dma_start3A_426 = arith.constant 0 : i32
    %dma_start3A_427 = tpu.memref_slice %arg12[%dma_start3A_423, %dma_start3A_425, %dma_start3A_426] : memref<4x160x64xf32, #tpu.memory_space<vmem>> -> memref<1x160x64xf32, #tpu.memory_space<vmem>>
    %dma_start3A_428 = tpu.memref_squeeze %dma_start3A_427 : memref<1x160x64xf32, #tpu.memory_space<vmem>> -> memref<160x64xf32, #tpu.memory_space<vmem>>
    %dma_start3A_429 = arith.constant 640 : i32
    %dma_start3A_430 = tpu.memref_slice %arg10[%dma_start3A_429] : memref<12800xi32, #tpu.memory_space<vmem>> -> memref<160xi32, #tpu.memory_space<vmem>>
    %dma_start3A_431 = arith.constant 0 : i32
    %dma_start3A_432 = arith.constant 0 : i32
    %dma_start3A_433 = tpu.memref_slice %arg7[%dma_start3A_431, %dma_start3A_432] : memref<1024x64xf32, #tpu.memory_space<hbm>> -> memref<1024x64xf32, #tpu.memory_space<hbm>>
    %dma_start3A_434 = tpu.memref_slice %arg16[%dma_start3A_424] : memref<4x!tpu.dma_semaphore, #tpu.memory_space<semaphore_mem>> -> memref<1x!tpu.dma_semaphore, #tpu.memory_space<semaphore_mem>>
    %dma_start3A_435 = tpu.memref_squeeze %dma_start3A_434 : memref<1x!tpu.dma_semaphore, #tpu.memory_space<semaphore_mem>> -> memref<!tpu.dma_semaphore, #tpu.memory_space<semaphore_mem>>
    tpu.enqueue_indirect_dma source(%dma_start3A_433 : memref<1024x64xf32, #tpu.memory_space<hbm>>) target(%dma_start3A_428 : memref<160x64xf32, #tpu.memory_space<vmem>>) offsets(%dma_start3A_430 : memref<160xi32, #tpu.memory_space<vmem>>) semaphore(%dma_start3A_435 : memref<!tpu.dma_semaphore, #tpu.memory_space<semaphore_mem>>)
    %dma_start3A_436 = arith.constant 0 : i32
    %dma_start3A_437 = arith.constant 0 : i32
    %dma_start3A_438 = arith.constant 0 : i32
    %dma_start3A_439 = arith.constant 0 : i32
    %dma_start3A_440 = tpu.memref_slice %arg13[%dma_start3A_436, %dma_start3A_438, %dma_start3A_439] : memref<4x160x64xf32, #tpu.memory_space<vmem>> -> memref<1x160x64xf32, #tpu.memory_space<vmem>>
    %dma_start3A_441 = tpu.memref_squeeze %dma_start3A_440 : memref<1x160x64xf32, #tpu.memory_space<vmem>> -> memref<160x64xf32, #tpu.memory_space<vmem>>
    %dma_start3A_442 = arith.constant 640 : i32
    %dma_start3A_443 = tpu.memref_slice %arg11[%dma_start3A_442] : memref<12800xi32, #tpu.memory_space<vmem>> -> memref<160xi32, #tpu.memory_space<vmem>>
    %dma_start3A_444 = arith.constant 0 : i32
    %dma_start3A_445 = arith.constant 0 : i32
    %dma_start3A_446 = tpu.memref_slice %arg7[%dma_start3A_444, %dma_start3A_445] : memref<1024x64xf32, #tpu.memory_space<hbm>> -> memref<1024x64xf32, #tpu.memory_space<hbm>>
    %dma_start3A_447 = tpu.memref_slice %arg16[%dma_start3A_437] : memref<4x!tpu.dma_semaphore, #tpu.memory_space<semaphore_mem>> -> memref<1x!tpu.dma_semaphore, #tpu.memory_space<semaphore_mem>>
    %dma_start3A_448 = tpu.memref_squeeze %dma_start3A_447 : memref<1x!tpu.dma_semaphore, #tpu.memory_space<semaphore_mem>> -> memref<!tpu.dma_semaphore, #tpu.memory_space<semaphore_mem>>
    tpu.enqueue_indirect_dma source(%dma_start3A_446 : memref<1024x64xf32, #tpu.memory_space<hbm>>) target(%dma_start3A_441 : memref<160x64xf32, #tpu.memory_space<vmem>>) offsets(%dma_start3A_443 : memref<160xi32, #tpu.memory_space<vmem>>) semaphore(%dma_start3A_448 : memref<!tpu.dma_semaphore, #tpu.memory_space<semaphore_mem>>)
    %dma_wait3A_449 = arith.constant 3 : i32
    %dma_wait3A_450 = arith.constant 3 : i32
    %dma_wait3A_451 = arith.constant 0 : i32
    %dma_wait3A_452 = arith.constant 0 : i32
    %dma_wait3A_453 = tpu.memref_slice %arg12[%dma_wait3A_449, %dma_wait3A_451, %dma_wait3A_452] : memref<4x160x64xf32, #tpu.memory_space<vmem>> -> memref<1x160x64xf32, #tpu.memory_space<vmem>>
    %dma_wait3A_454 = tpu.memref_squeeze %dma_wait3A_453 : memref<1x160x64xf32, #tpu.memory_space<vmem>> -> memref<160x64xf32, #tpu.memory_space<vmem>>
    %dma_wait3A_455 = arith.constant 480 : i32
    %dma_wait3A_456 = tpu.memref_slice %arg10[%dma_wait3A_455] : memref<12800xi32, #tpu.memory_space<vmem>> -> memref<160xi32, #tpu.memory_space<vmem>>
    %dma_wait3A_457 = arith.constant 0 : i32
    %dma_wait3A_458 = arith.constant 0 : i32
    %dma_wait3A_459 = tpu.memref_slice %arg7[%dma_wait3A_457, %dma_wait3A_458] : memref<1024x64xf32, #tpu.memory_space<hbm>> -> memref<1024x64xf32, #tpu.memory_space<hbm>>
    %dma_wait3A_460 = tpu.memref_slice %arg16[%dma_wait3A_450] : memref<4x!tpu.dma_semaphore, #tpu.memory_space<semaphore_mem>> -> memref<1x!tpu.dma_semaphore, #tpu.memory_space<semaphore_mem>>
    %dma_wait3A_461 = tpu.memref_squeeze %dma_wait3A_460 : memref<1x!tpu.dma_semaphore, #tpu.memory_space<semaphore_mem>> -> memref<!tpu.dma_semaphore, #tpu.memory_space<semaphore_mem>>
    tpu.wait_indirect_dma semaphore(%dma_wait3A_461 : memref<!tpu.dma_semaphore, #tpu.memory_space<semaphore_mem>>) src(%dma_wait3A_459 : memref<1024x64xf32, #tpu.memory_space<hbm>>) dst(%dma_wait3A_454 : memref<160x64xf32, #tpu.memory_space<vmem>>)
    %dma_wait3A_462 = arith.constant 3 : i32
    %dma_wait3A_463 = arith.constant 3 : i32
    %dma_wait3A_464 = arith.constant 0 : i32
    %dma_wait3A_465 = arith.constant 0 : i32
    %dma_wait3A_466 = tpu.memref_slice %arg13[%dma_wait3A_462, %dma_wait3A_464, %dma_wait3A_465] : memref<4x160x64xf32, #tpu.memory_space<vmem>> -> memref<1x160x64xf32, #tpu.memory_space<vmem>>
    %dma_wait3A_467 = tpu.memref_squeeze %dma_wait3A_466 : memref<1x160x64xf32, #tpu.memory_space<vmem>> -> memref<160x64xf32, #tpu.memory_space<vmem>>
    %dma_wait3A_468 = arith.constant 480 : i32
    %dma_wait3A_469 = tpu.memref_slice %arg11[%dma_wait3A_468] : memref<12800xi32, #tpu.memory_space<vmem>> -> memref<160xi32, #tpu.memory_space<vmem>>
    %dma_wait3A_470 = arith.constant 0 : i32
    %dma_wait3A_471 = arith.constant 0 : i32
    %dma_wait3A_472 = tpu.memref_slice %arg7[%dma_wait3A_470, %dma_wait3A_471] : memref<1024x64xf32, #tpu.memory_space<hbm>> -> memref<1024x64xf32, #tpu.memory_space<hbm>>
    %dma_wait3A_473 = tpu.memref_slice %arg16[%dma_wait3A_463] : memref<4x!tpu.dma_semaphore, #tpu.memory_space<semaphore_mem>> -> memref<1x!tpu.dma_semaphore, #tpu.memory_space<semaphore_mem>>
    %dma_wait3A_474 = tpu.memref_squeeze %dma_wait3A_473 : memref<1x!tpu.dma_semaphore, #tpu.memory_space<semaphore_mem>> -> memref<!tpu.dma_semaphore, #tpu.memory_space<semaphore_mem>>
    tpu.wait_indirect_dma semaphore(%dma_wait3A_474 : memref<!tpu.dma_semaphore, #tpu.memory_space<semaphore_mem>>) src(%dma_wait3A_472 : memref<1024x64xf32, #tpu.memory_space<hbm>>) dst(%dma_wait3A_467 : memref<160x64xf32, #tpu.memory_space<vmem>>)
    %add3A_475 = arith.constant 480 : i32
    %add3A_476 = arith.addi %mul3A_2, %add3A_475 : i32
    %dma_start3A_477 = arith.constant 3 : i32
    %dma_start3A_478 = arith.constant 3 : i32
    %dma_start3A_479 = arith.constant 0 : i32
    %dma_start3A_480 = arith.constant 0 : i32
    %dma_start3A_481 = tpu.memref_slice %arg12[%dma_start3A_477, %dma_start3A_479, %dma_start3A_480] : memref<4x160x64xf32, #tpu.memory_space<vmem>> -> memref<1x160x64xf32, #tpu.memory_space<vmem>>
    %dma_start3A_482 = tpu.memref_squeeze %dma_start3A_481 : memref<1x160x64xf32, #tpu.memory_space<vmem>> -> memref<160x64xf32, #tpu.memory_space<vmem>>
    %dma_start3A_483 = arith.constant 0 : i32
    %dma_start3A_484 = tpu.memref_slice %arg6[%add3A_476, %dma_start3A_483] : memref<409600x128xf32, #tpu.memory_space<hbm>> -> memref<160x128xf32, #tpu.memory_space<hbm>>
    %dma_start3A_485 = arith.constant 0 : i32
    %dma_start3A_486 = arith.constant 0 : i32
    %dma_start3A_487 = tpu.memref_slice %dma_start3A_484[%dma_start3A_485, %dma_start3A_486] : memref<160x128xf32, #tpu.memory_space<hbm>> -> memref<160x64xf32, #tpu.memory_space<hbm>>
    %dma_start3A_488 = tpu.memref_slice %arg17[%dma_start3A_478] : memref<4x!tpu.dma_semaphore, #tpu.memory_space<semaphore_mem>> -> memref<1x!tpu.dma_semaphore, #tpu.memory_space<semaphore_mem>>
    %dma_start3A_489 = tpu.memref_squeeze %dma_start3A_488 : memref<1x!tpu.dma_semaphore, #tpu.memory_space<semaphore_mem>> -> memref<!tpu.dma_semaphore, #tpu.memory_space<semaphore_mem>>
    %dma_start3A_490 = arith.constant 0 : i32
    %dma_start3A_491 = tpu.memref_slice %arg6[%add3A_476, %dma_start3A_490] : memref<409600x128xf32, #tpu.memory_space<hbm>> -> memref<160x128xf32, #tpu.memory_space<hbm>>
    %dma_start3A_492 = arith.constant 0 : i32
    %dma_start3A_493 = arith.constant 0 : i32
    %dma_start3A_494 = tpu.memref_slice %dma_start3A_491[%dma_start3A_492, %dma_start3A_493] : memref<160x128xf32, #tpu.memory_space<hbm>> -> memref<160x64xf32, #tpu.memory_space<hbm>>
    %dma_start3A_495 = arith.constant 0 : i32
    %dma_start3A_496 = arith.constant 0 : i32
    %dma_start3A_497 = tpu.memref_slice %arg12[%dma_start3A_477, %dma_start3A_495, %dma_start3A_496] : memref<4x160x64xf32, #tpu.memory_space<vmem>> -> memref<1x160x64xf32, #tpu.memory_space<vmem>>
    %dma_start3A_498 = tpu.memref_squeeze %dma_start3A_497 : memref<1x160x64xf32, #tpu.memory_space<vmem>> -> memref<160x64xf32, #tpu.memory_space<vmem>>
    tpu.enqueue_dma source(%dma_start3A_498 : memref<160x64xf32, #tpu.memory_space<vmem>>) target(%dma_start3A_494 : memref<160x64xf32, #tpu.memory_space<hbm>>) target_semaphore(%dma_start3A_489 : memref<!tpu.dma_semaphore, #tpu.memory_space<semaphore_mem>>)
    %dma_start3A_499 = arith.constant 3 : i32
    %dma_start3A_500 = arith.constant 3 : i32
    %dma_start3A_501 = arith.constant 0 : i32
    %dma_start3A_502 = arith.constant 0 : i32
    %dma_start3A_503 = tpu.memref_slice %arg13[%dma_start3A_499, %dma_start3A_501, %dma_start3A_502] : memref<4x160x64xf32, #tpu.memory_space<vmem>> -> memref<1x160x64xf32, #tpu.memory_space<vmem>>
    %dma_start3A_504 = tpu.memref_squeeze %dma_start3A_503 : memref<1x160x64xf32, #tpu.memory_space<vmem>> -> memref<160x64xf32, #tpu.memory_space<vmem>>
    %dma_start3A_505 = arith.constant 0 : i32
    %dma_start3A_506 = tpu.memref_slice %arg6[%add3A_476, %dma_start3A_505] : memref<409600x128xf32, #tpu.memory_space<hbm>> -> memref<160x128xf32, #tpu.memory_space<hbm>>
    %dma_start3A_507 = arith.constant 0 : i32
    %dma_start3A_508 = arith.constant 64 : i32
    %dma_start3A_509 = tpu.memref_slice %dma_start3A_506[%dma_start3A_507, %dma_start3A_508] : memref<160x128xf32, #tpu.memory_space<hbm>> -> memref<160x64xf32, #tpu.memory_space<hbm>>
    %dma_start3A_510 = tpu.memref_slice %arg17[%dma_start3A_500] : memref<4x!tpu.dma_semaphore, #tpu.memory_space<semaphore_mem>> -> memref<1x!tpu.dma_semaphore, #tpu.memory_space<semaphore_mem>>
    %dma_start3A_511 = tpu.memref_squeeze %dma_start3A_510 : memref<1x!tpu.dma_semaphore, #tpu.memory_space<semaphore_mem>> -> memref<!tpu.dma_semaphore, #tpu.memory_space<semaphore_mem>>
    %dma_start3A_512 = arith.constant 0 : i32
    %dma_start3A_513 = tpu.memref_slice %arg6[%add3A_476, %dma_start3A_512] : memref<409600x128xf32, #tpu.memory_space<hbm>> -> memref<160x128xf32, #tpu.memory_space<hbm>>
    %dma_start3A_514 = arith.constant 0 : i32
    %dma_start3A_515 = arith.constant 64 : i32
    %dma_start3A_516 = tpu.memref_slice %dma_start3A_513[%dma_start3A_514, %dma_start3A_515] : memref<160x128xf32, #tpu.memory_space<hbm>> -> memref<160x64xf32, #tpu.memory_space<hbm>>
    %dma_start3A_517 = arith.constant 0 : i32
    %dma_start3A_518 = arith.constant 0 : i32
    %dma_start3A_519 = tpu.memref_slice %arg13[%dma_start3A_499, %dma_start3A_517, %dma_start3A_518] : memref<4x160x64xf32, #tpu.memory_space<vmem>> -> memref<1x160x64xf32, #tpu.memory_space<vmem>>
    %dma_start3A_520 = tpu.memref_squeeze %dma_start3A_519 : memref<1x160x64xf32, #tpu.memory_space<vmem>> -> memref<160x64xf32, #tpu.memory_space<vmem>>
    tpu.enqueue_dma source(%dma_start3A_520 : memref<160x64xf32, #tpu.memory_space<vmem>>) target(%dma_start3A_516 : memref<160x64xf32, #tpu.memory_space<hbm>>) target_semaphore(%dma_start3A_511 : memref<!tpu.dma_semaphore, #tpu.memory_space<semaphore_mem>>)
    %add3A_521 = arith.constant 160 : i32
    %add3A_522 = arith.addi %mul3A_2, %add3A_521 : i32
    %dma_wait3A_523 = arith.constant 1 : i32
    %dma_wait3A_524 = arith.constant 1 : i32
    %dma_wait3A_525 = arith.constant 0 : i32
    %dma_wait3A_526 = arith.constant 0 : i32
    %dma_wait3A_527 = tpu.memref_slice %arg12[%dma_wait3A_523, %dma_wait3A_525, %dma_wait3A_526] : memref<4x160x64xf32, #tpu.memory_space<vmem>> -> memref<1x160x64xf32, #tpu.memory_space<vmem>>
    %dma_wait3A_528 = tpu.memref_squeeze %dma_wait3A_527 : memref<1x160x64xf32, #tpu.memory_space<vmem>> -> memref<160x64xf32, #tpu.memory_space<vmem>>
    %dma_wait3A_529 = arith.constant 0 : i32
    %dma_wait3A_530 = tpu.memref_slice %arg6[%add3A_522, %dma_wait3A_529] : memref<409600x128xf32, #tpu.memory_space<hbm>> -> memref<160x128xf32, #tpu.memory_space<hbm>>
    %dma_wait3A_531 = arith.constant 0 : i32
    %dma_wait3A_532 = arith.constant 0 : i32
    %dma_wait3A_533 = tpu.memref_slice %dma_wait3A_530[%dma_wait3A_531, %dma_wait3A_532] : memref<160x128xf32, #tpu.memory_space<hbm>> -> memref<160x64xf32, #tpu.memory_space<hbm>>
    %dma_wait3A_534 = tpu.memref_slice %arg17[%dma_wait3A_524] : memref<4x!tpu.dma_semaphore, #tpu.memory_space<semaphore_mem>> -> memref<1x!tpu.dma_semaphore, #tpu.memory_space<semaphore_mem>>
    %dma_wait3A_535 = tpu.memref_squeeze %dma_wait3A_534 : memref<1x!tpu.dma_semaphore, #tpu.memory_space<semaphore_mem>> -> memref<!tpu.dma_semaphore, #tpu.memory_space<semaphore_mem>>
    %dma_wait3A_536 = arith.constant 0 : i32
    %dma_wait3A_537 = tpu.memref_slice %arg6[%add3A_522, %dma_wait3A_536] : memref<409600x128xf32, #tpu.memory_space<hbm>> -> memref<160x128xf32, #tpu.memory_space<hbm>>
    %dma_wait3A_538 = arith.constant 0 : i32
    %dma_wait3A_539 = arith.constant 0 : i32
    %dma_wait3A_540 = tpu.memref_slice %dma_wait3A_537[%dma_wait3A_538, %dma_wait3A_539] : memref<160x128xf32, #tpu.memory_space<hbm>> -> memref<160x64xf32, #tpu.memory_space<hbm>>
    %dma_wait3A_541 = arith.constant 0 : i32
    %dma_wait3A_542 = arith.constant 0 : i32
    %dma_wait3A_543 = tpu.memref_slice %arg12[%dma_wait3A_523, %dma_wait3A_541, %dma_wait3A_542] : memref<4x160x64xf32, #tpu.memory_space<vmem>> -> memref<1x160x64xf32, #tpu.memory_space<vmem>>
    %dma_wait3A_544 = tpu.memref_squeeze %dma_wait3A_543 : memref<1x160x64xf32, #tpu.memory_space<vmem>> -> memref<160x64xf32, #tpu.memory_space<vmem>>
    tpu.wait_dma2 semaphore(%dma_wait3A_535 : memref<!tpu.dma_semaphore, #tpu.memory_space<semaphore_mem>>) src(%dma_wait3A_544 : memref<160x64xf32, #tpu.memory_space<vmem>>) dst(%dma_wait3A_540 : memref<160x64xf32, #tpu.memory_space<hbm>>)
    %dma_wait3A_545 = arith.constant 1 : i32
    %dma_wait3A_546 = arith.constant 1 : i32
    %dma_wait3A_547 = arith.constant 0 : i32
    %dma_wait3A_548 = arith.constant 0 : i32
    %dma_wait3A_549 = tpu.memref_slice %arg13[%dma_wait3A_545, %dma_wait3A_547, %dma_wait3A_548] : memref<4x160x64xf32, #tpu.memory_space<vmem>> -> memref<1x160x64xf32, #tpu.memory_space<vmem>>
    %dma_wait3A_550 = tpu.memref_squeeze %dma_wait3A_549 : memref<1x160x64xf32, #tpu.memory_space<vmem>> -> memref<160x64xf32, #tpu.memory_space<vmem>>
    %dma_wait3A_551 = arith.constant 0 : i32
    %dma_wait3A_552 = tpu.memref_slice %arg6[%add3A_522, %dma_wait3A_551] : memref<409600x128xf32, #tpu.memory_space<hbm>> -> memref<160x128xf32, #tpu.memory_space<hbm>>
    %dma_wait3A_553 = arith.constant 0 : i32
    %dma_wait3A_554 = arith.constant 64 : i32
    %dma_wait3A_555 = tpu.memref_slice %dma_wait3A_552[%dma_wait3A_553, %dma_wait3A_554] : memref<160x128xf32, #tpu.memory_space<hbm>> -> memref<160x64xf32, #tpu.memory_space<hbm>>
    %dma_wait3A_556 = tpu.memref_slice %arg17[%dma_wait3A_546] : memref<4x!tpu.dma_semaphore, #tpu.memory_space<semaphore_mem>> -> memref<1x!tpu.dma_semaphore, #tpu.memory_space<semaphore_mem>>
    %dma_wait3A_557 = tpu.memref_squeeze %dma_wait3A_556 : memref<1x!tpu.dma_semaphore, #tpu.memory_space<semaphore_mem>> -> memref<!tpu.dma_semaphore, #tpu.memory_space<semaphore_mem>>
    %dma_wait3A_558 = arith.constant 0 : i32
    %dma_wait3A_559 = tpu.memref_slice %arg6[%add3A_522, %dma_wait3A_558] : memref<409600x128xf32, #tpu.memory_space<hbm>> -> memref<160x128xf32, #tpu.memory_space<hbm>>
    %dma_wait3A_560 = arith.constant 0 : i32
    %dma_wait3A_561 = arith.constant 64 : i32
    %dma_wait3A_562 = tpu.memref_slice %dma_wait3A_559[%dma_wait3A_560, %dma_wait3A_561] : memref<160x128xf32, #tpu.memory_space<hbm>> -> memref<160x64xf32, #tpu.memory_space<hbm>>
    %dma_wait3A_563 = arith.constant 0 : i32
    %dma_wait3A_564 = arith.constant 0 : i32
    %dma_wait3A_565 = tpu.memref_slice %arg13[%dma_wait3A_545, %dma_wait3A_563, %dma_wait3A_564] : memref<4x160x64xf32, #tpu.memory_space<vmem>> -> memref<1x160x64xf32, #tpu.memory_space<vmem>>
    %dma_wait3A_566 = tpu.memref_squeeze %dma_wait3A_565 : memref<1x160x64xf32, #tpu.memory_space<vmem>> -> memref<160x64xf32, #tpu.memory_space<vmem>>
    tpu.wait_dma2 semaphore(%dma_wait3A_557 : memref<!tpu.dma_semaphore, #tpu.memory_space<semaphore_mem>>) src(%dma_wait3A_566 : memref<160x64xf32, #tpu.memory_space<vmem>>) dst(%dma_wait3A_562 : memref<160x64xf32, #tpu.memory_space<hbm>>)
    %dma_start3A_567 = arith.constant 1 : i32
    %dma_start3A_568 = arith.constant 1 : i32
    %dma_start3A_569 = arith.constant 0 : i32
    %dma_start3A_570 = arith.constant 0 : i32
    %dma_start3A_571 = tpu.memref_slice %arg12[%dma_start3A_567, %dma_start3A_569, %dma_start3A_570] : memref<4x160x64xf32, #tpu.memory_space<vmem>> -> memref<1x160x64xf32, #tpu.memory_space<vmem>>
    %dma_start3A_572 = tpu.memref_squeeze %dma_start3A_571 : memref<1x160x64xf32, #tpu.memory_space<vmem>> -> memref<160x64xf32, #tpu.memory_space<vmem>>
    %dma_start3A_573 = arith.constant 800 : i32
    %dma_start3A_574 = tpu.memref_slice %arg10[%dma_start3A_573] : memref<12800xi32, #tpu.memory_space<vmem>> -> memref<160xi32, #tpu.memory_space<vmem>>
    %dma_start3A_575 = arith.constant 0 : i32
    %dma_start3A_576 = arith.constant 0 : i32
    %dma_start3A_577 = tpu.memref_slice %arg7[%dma_start3A_575, %dma_start3A_576] : memref<1024x64xf32, #tpu.memory_space<hbm>> -> memref<1024x64xf32, #tpu.memory_space<hbm>>
    %dma_start3A_578 = tpu.memref_slice %arg16[%dma_start3A_568] : memref<4x!tpu.dma_semaphore, #tpu.memory_space<semaphore_mem>> -> memref<1x!tpu.dma_semaphore, #tpu.memory_space<semaphore_mem>>
    %dma_start3A_579 = tpu.memref_squeeze %dma_start3A_578 : memref<1x!tpu.dma_semaphore, #tpu.memory_space<semaphore_mem>> -> memref<!tpu.dma_semaphore, #tpu.memory_space<semaphore_mem>>
    tpu.enqueue_indirect_dma source(%dma_start3A_577 : memref<1024x64xf32, #tpu.memory_space<hbm>>) target(%dma_start3A_572 : memref<160x64xf32, #tpu.memory_space<vmem>>) offsets(%dma_start3A_574 : memref<160xi32, #tpu.memory_space<vmem>>) semaphore(%dma_start3A_579 : memref<!tpu.dma_semaphore, #tpu.memory_space<semaphore_mem>>)
    %dma_start3A_580 = arith.constant 1 : i32
    %dma_start3A_581 = arith.constant 1 : i32
    %dma_start3A_582 = arith.constant 0 : i32
    %dma_start3A_583 = arith.constant 0 : i32
    %dma_start3A_584 = tpu.memref_slice %arg13[%dma_start3A_580, %dma_start3A_582, %dma_start3A_583] : memref<4x160x64xf32, #tpu.memory_space<vmem>> -> memref<1x160x64xf32, #tpu.memory_space<vmem>>
    %dma_start3A_585 = tpu.memref_squeeze %dma_start3A_584 : memref<1x160x64xf32, #tpu.memory_space<vmem>> -> memref<160x64xf32, #tpu.memory_space<vmem>>
    %dma_start3A_586 = arith.constant 800 : i32
    %dma_start3A_587 = tpu.memref_slice %arg11[%dma_start3A_586] : memref<12800xi32, #tpu.memory_space<vmem>> -> memref<160xi32, #tpu.memory_space<vmem>>
    %dma_start3A_588 = arith.constant 0 : i32
    %dma_start3A_589 = arith.constant 0 : i32
    %dma_start3A_590 = tpu.memref_slice %arg7[%dma_start3A_588, %dma_start3A_589] : memref<1024x64xf32, #tpu.memory_space<hbm>> -> memref<1024x64xf32, #tpu.memory_space<hbm>>
    %dma_start3A_591 = tpu.memref_slice %arg16[%dma_start3A_581] : memref<4x!tpu.dma_semaphore, #tpu.memory_space<semaphore_mem>> -> memref<1x!tpu.dma_semaphore, #tpu.memory_space<semaphore_mem>>
    %dma_start3A_592 = tpu.memref_squeeze %dma_start3A_591 : memref<1x!tpu.dma_semaphore, #tpu.memory_space<semaphore_mem>> -> memref<!tpu.dma_semaphore, #tpu.memory_space<semaphore_mem>>
    tpu.enqueue_indirect_dma source(%dma_start3A_590 : memref<1024x64xf32, #tpu.memory_space<hbm>>) target(%dma_start3A_585 : memref<160x64xf32, #tpu.memory_space<vmem>>) offsets(%dma_start3A_587 : memref<160xi32, #tpu.memory_space<vmem>>) semaphore(%dma_start3A_592 : memref<!tpu.dma_semaphore, #tpu.memory_space<semaphore_mem>>)
    %scan3A_593 = arith.constant 0 : i32
    %scan3A_594 = arith.constant 1 : i32
    %scan3A_595 = arith.constant 19 : i32
    %scan3A_596 = arith.addi %scan3A_594, %scan3A_595 : i32
    %scan3A_597 = arith.constant 1 : i32
    %scan3A_598 = scf.for %scan3A_692 = %scan3A_594 to %scan3A_596 step %scan3A_597 iter_args(%scan3A_693 = %scan3A_593) -> (i32)  : i32 {
      %mul3A_694 = arith.constant 4 : i32
      %mul3A_695 = arith.muli %scan3A_692, %mul3A_694 : i32
      %add3A_696 = arith.constant 0 : i32
      %add3A_697 = arith.addi %mul3A_695, %add3A_696 : i32
      %mul3A_698 = arith.constant 160 : i32
      %mul3A_699 = arith.muli %add3A_697, %mul3A_698 : i32
      %dma_wait3A_700 = arith.constant 0 : i32
      %dma_wait3A_701 = arith.constant 0 : i32
      %dma_wait3A_702 = arith.constant 0 : i32
      %dma_wait3A_703 = arith.constant 0 : i32
      %dma_wait3A_704 = tpu.memref_slice %arg12[%dma_wait3A_700, %dma_wait3A_702, %dma_wait3A_703] : memref<4x160x64xf32, #tpu.memory_space<vmem>> -> memref<1x160x64xf32, #tpu.memory_space<vmem>>
      %dma_wait3A_705 = tpu.memref_squeeze %dma_wait3A_704 : memref<1x160x64xf32, #tpu.memory_space<vmem>> -> memref<160x64xf32, #tpu.memory_space<vmem>>
      %dma_wait3A_706 = tpu.memref_slice %arg10[%mul3A_699] : memref<12800xi32, #tpu.memory_space<vmem>> -> memref<160xi32, #tpu.memory_space<vmem>>
      %dma_wait3A_707 = arith.constant 0 : i32
      %dma_wait3A_708 = arith.constant 0 : i32
      %dma_wait3A_709 = tpu.memref_slice %arg7[%dma_wait3A_707, %dma_wait3A_708] : memref<1024x64xf32, #tpu.memory_space<hbm>> -> memref<1024x64xf32, #tpu.memory_space<hbm>>
      %dma_wait3A_710 = tpu.memref_slice %arg16[%dma_wait3A_701] : memref<4x!tpu.dma_semaphore, #tpu.memory_space<semaphore_mem>> -> memref<1x!tpu.dma_semaphore, #tpu.memory_space<semaphore_mem>>
      %dma_wait3A_711 = tpu.memref_squeeze %dma_wait3A_710 : memref<1x!tpu.dma_semaphore, #tpu.memory_space<semaphore_mem>> -> memref<!tpu.dma_semaphore, #tpu.memory_space<semaphore_mem>>
      tpu.wait_indirect_dma semaphore(%dma_wait3A_711 : memref<!tpu.dma_semaphore, #tpu.memory_space<semaphore_mem>>) src(%dma_wait3A_709 : memref<1024x64xf32, #tpu.memory_space<hbm>>) dst(%dma_wait3A_705 : memref<160x64xf32, #tpu.memory_space<vmem>>)
      %mul3A_712 = arith.constant 160 : i32
      %mul3A_713 = arith.muli %add3A_697, %mul3A_712 : i32
      %dma_wait3A_714 = arith.constant 0 : i32
      %dma_wait3A_715 = arith.constant 0 : i32
      %dma_wait3A_716 = arith.constant 0 : i32
      %dma_wait3A_717 = arith.constant 0 : i32
      %dma_wait3A_718 = tpu.memref_slice %arg13[%dma_wait3A_714, %dma_wait3A_716, %dma_wait3A_717] : memref<4x160x64xf32, #tpu.memory_space<vmem>> -> memref<1x160x64xf32, #tpu.memory_space<vmem>>
      %dma_wait3A_719 = tpu.memref_squeeze %dma_wait3A_718 : memref<1x160x64xf32, #tpu.memory_space<vmem>> -> memref<160x64xf32, #tpu.memory_space<vmem>>
      %dma_wait3A_720 = tpu.memref_slice %arg11[%mul3A_713] : memref<12800xi32, #tpu.memory_space<vmem>> -> memref<160xi32, #tpu.memory_space<vmem>>
      %dma_wait3A_721 = arith.constant 0 : i32
      %dma_wait3A_722 = arith.constant 0 : i32
      %dma_wait3A_723 = tpu.memref_slice %arg7[%dma_wait3A_721, %dma_wait3A_722] : memref<1024x64xf32, #tpu.memory_space<hbm>> -> memref<1024x64xf32, #tpu.memory_space<hbm>>
      %dma_wait3A_724 = tpu.memref_slice %arg16[%dma_wait3A_715] : memref<4x!tpu.dma_semaphore, #tpu.memory_space<semaphore_mem>> -> memref<1x!tpu.dma_semaphore, #tpu.memory_space<semaphore_mem>>
      %dma_wait3A_725 = tpu.memref_squeeze %dma_wait3A_724 : memref<1x!tpu.dma_semaphore, #tpu.memory_space<semaphore_mem>> -> memref<!tpu.dma_semaphore, #tpu.memory_space<semaphore_mem>>
      tpu.wait_indirect_dma semaphore(%dma_wait3A_725 : memref<!tpu.dma_semaphore, #tpu.memory_space<semaphore_mem>>) src(%dma_wait3A_723 : memref<1024x64xf32, #tpu.memory_space<hbm>>) dst(%dma_wait3A_719 : memref<160x64xf32, #tpu.memory_space<vmem>>)
      %mul3A_726 = arith.constant 160 : i32
      %mul3A_727 = arith.muli %add3A_697, %mul3A_726 : i32
      %add3A_728 = arith.addi %mul3A_2, %mul3A_727 : i32
      %dma_start3A_729 = arith.constant 0 : i32
      %dma_start3A_730 = arith.constant 0 : i32
      %dma_start3A_731 = arith.constant 0 : i32
      %dma_start3A_732 = arith.constant 0 : i32
      %dma_start3A_733 = tpu.memref_slice %arg12[%dma_start3A_729, %dma_start3A_731, %dma_start3A_732] : memref<4x160x64xf32, #tpu.memory_space<vmem>> -> memref<1x160x64xf32, #tpu.memory_space<vmem>>
      %dma_start3A_734 = tpu.memref_squeeze %dma_start3A_733 : memref<1x160x64xf32, #tpu.memory_space<vmem>> -> memref<160x64xf32, #tpu.memory_space<vmem>>
      %dma_start3A_735 = arith.constant 0 : i32
      %dma_start3A_736 = tpu.memref_slice %arg6[%add3A_728, %dma_start3A_735] : memref<409600x128xf32, #tpu.memory_space<hbm>> -> memref<160x128xf32, #tpu.memory_space<hbm>>
      %dma_start3A_737 = arith.constant 0 : i32
      %dma_start3A_738 = arith.constant 0 : i32
      %dma_start3A_739 = tpu.memref_slice %dma_start3A_736[%dma_start3A_737, %dma_start3A_738] : memref<160x128xf32, #tpu.memory_space<hbm>> -> memref<160x64xf32, #tpu.memory_space<hbm>>
      %dma_start3A_740 = tpu.memref_slice %arg17[%dma_start3A_730] : memref<4x!tpu.dma_semaphore, #tpu.memory_space<semaphore_mem>> -> memref<1x!tpu.dma_semaphore, #tpu.memory_space<semaphore_mem>>
      %dma_start3A_741 = tpu.memref_squeeze %dma_start3A_740 : memref<1x!tpu.dma_semaphore, #tpu.memory_space<semaphore_mem>> -> memref<!tpu.dma_semaphore, #tpu.memory_space<semaphore_mem>>
      %dma_start3A_742 = arith.constant 0 : i32
      %dma_start3A_743 = tpu.memref_slice %arg6[%add3A_728, %dma_start3A_742] : memref<409600x128xf32, #tpu.memory_space<hbm>> -> memref<160x128xf32, #tpu.memory_space<hbm>>
      %dma_start3A_744 = arith.constant 0 : i32
      %dma_start3A_745 = arith.constant 0 : i32
      %dma_start3A_746 = tpu.memref_slice %dma_start3A_743[%dma_start3A_744, %dma_start3A_745] : memref<160x128xf32, #tpu.memory_space<hbm>> -> memref<160x64xf32, #tpu.memory_space<hbm>>
      %dma_start3A_747 = arith.constant 0 : i32
      %dma_start3A_748 = arith.constant 0 : i32
      %dma_start3A_749 = tpu.memref_slice %arg12[%dma_start3A_729, %dma_start3A_747, %dma_start3A_748] : memref<4x160x64xf32, #tpu.memory_space<vmem>> -> memref<1x160x64xf32, #tpu.memory_space<vmem>>
      %dma_start3A_750 = tpu.memref_squeeze %dma_start3A_749 : memref<1x160x64xf32, #tpu.memory_space<vmem>> -> memref<160x64xf32, #tpu.memory_space<vmem>>
      tpu.enqueue_dma source(%dma_start3A_750 : memref<160x64xf32, #tpu.memory_space<vmem>>) target(%dma_start3A_746 : memref<160x64xf32, #tpu.memory_space<hbm>>) target_semaphore(%dma_start3A_741 : memref<!tpu.dma_semaphore, #tpu.memory_space<semaphore_mem>>)
      %dma_start3A_751 = arith.constant 0 : i32
      %dma_start3A_752 = arith.constant 0 : i32
      %dma_start3A_753 = arith.constant 0 : i32
      %dma_start3A_754 = arith.constant 0 : i32
      %dma_start3A_755 = tpu.memref_slice %arg13[%dma_start3A_751, %dma_start3A_753, %dma_start3A_754] : memref<4x160x64xf32, #tpu.memory_space<vmem>> -> memref<1x160x64xf32, #tpu.memory_space<vmem>>
      %dma_start3A_756 = tpu.memref_squeeze %dma_start3A_755 : memref<1x160x64xf32, #tpu.memory_space<vmem>> -> memref<160x64xf32, #tpu.memory_space<vmem>>
      %dma_start3A_757 = arith.constant 0 : i32
      %dma_start3A_758 = tpu.memref_slice %arg6[%add3A_728, %dma_start3A_757] : memref<409600x128xf32, #tpu.memory_space<hbm>> -> memref<160x128xf32, #tpu.memory_space<hbm>>
      %dma_start3A_759 = arith.constant 0 : i32
      %dma_start3A_760 = arith.constant 64 : i32
      %dma_start3A_761 = tpu.memref_slice %dma_start3A_758[%dma_start3A_759, %dma_start3A_760] : memref<160x128xf32, #tpu.memory_space<hbm>> -> memref<160x64xf32, #tpu.memory_space<hbm>>
      %dma_start3A_762 = tpu.memref_slice %arg17[%dma_start3A_752] : memref<4x!tpu.dma_semaphore, #tpu.memory_space<semaphore_mem>> -> memref<1x!tpu.dma_semaphore, #tpu.memory_space<semaphore_mem>>
      %dma_start3A_763 = tpu.memref_squeeze %dma_start3A_762 : memref<1x!tpu.dma_semaphore, #tpu.memory_space<semaphore_mem>> -> memref<!tpu.dma_semaphore, #tpu.memory_space<semaphore_mem>>
      %dma_start3A_764 = arith.constant 0 : i32
      %dma_start3A_765 = tpu.memref_slice %arg6[%add3A_728, %dma_start3A_764] : memref<409600x128xf32, #tpu.memory_space<hbm>> -> memref<160x128xf32, #tpu.memory_space<hbm>>
      %dma_start3A_766 = arith.constant 0 : i32
      %dma_start3A_767 = arith.constant 64 : i32
      %dma_start3A_768 = tpu.memref_slice %dma_start3A_765[%dma_start3A_766, %dma_start3A_767] : memref<160x128xf32, #tpu.memory_space<hbm>> -> memref<160x64xf32, #tpu.memory_space<hbm>>
      %dma_start3A_769 = arith.constant 0 : i32
      %dma_start3A_770 = arith.constant 0 : i32
      %dma_start3A_771 = tpu.memref_slice %arg13[%dma_start3A_751, %dma_start3A_769, %dma_start3A_770] : memref<4x160x64xf32, #tpu.memory_space<vmem>> -> memref<1x160x64xf32, #tpu.memory_space<vmem>>
      %dma_start3A_772 = tpu.memref_squeeze %dma_start3A_771 : memref<1x160x64xf32, #tpu.memory_space<vmem>> -> memref<160x64xf32, #tpu.memory_space<vmem>>
      tpu.enqueue_dma source(%dma_start3A_772 : memref<160x64xf32, #tpu.memory_space<vmem>>) target(%dma_start3A_768 : memref<160x64xf32, #tpu.memory_space<hbm>>) target_semaphore(%dma_start3A_763 : memref<!tpu.dma_semaphore, #tpu.memory_space<semaphore_mem>>)
      %add3A_773 = arith.constant 2 : i32
      %add3A_774 = arith.addi %add3A_697, %add3A_773 : i32
      %sub3A = arith.constant 4 : i32
      %sub3A_775 = arith.subi %add3A_774, %sub3A : i32
      %mul3A_776 = arith.constant 160 : i32
      %mul3A_777 = arith.muli %sub3A_775, %mul3A_776 : i32
      %add3A_778 = arith.addi %mul3A_2, %mul3A_777 : i32
      %dma_wait3A_779 = arith.constant 2 : i32
      %dma_wait3A_780 = arith.constant 2 : i32
      %dma_wait3A_781 = arith.constant 0 : i32
      %dma_wait3A_782 = arith.constant 0 : i32
      %dma_wait3A_783 = tpu.memref_slice %arg12[%dma_wait3A_779, %dma_wait3A_781, %dma_wait3A_782] : memref<4x160x64xf32, #tpu.memory_space<vmem>> -> memref<1x160x64xf32, #tpu.memory_space<vmem>>
      %dma_wait3A_784 = tpu.memref_squeeze %dma_wait3A_783 : memref<1x160x64xf32, #tpu.memory_space<vmem>> -> memref<160x64xf32, #tpu.memory_space<vmem>>
      %dma_wait3A_785 = arith.constant 0 : i32
      %dma_wait3A_786 = tpu.memref_slice %arg6[%add3A_778, %dma_wait3A_785] : memref<409600x128xf32, #tpu.memory_space<hbm>> -> memref<160x128xf32, #tpu.memory_space<hbm>>
      %dma_wait3A_787 = arith.constant 0 : i32
      %dma_wait3A_788 = arith.constant 0 : i32
      %dma_wait3A_789 = tpu.memref_slice %dma_wait3A_786[%dma_wait3A_787, %dma_wait3A_788] : memref<160x128xf32, #tpu.memory_space<hbm>> -> memref<160x64xf32, #tpu.memory_space<hbm>>
      %dma_wait3A_790 = tpu.memref_slice %arg17[%dma_wait3A_780] : memref<4x!tpu.dma_semaphore, #tpu.memory_space<semaphore_mem>> -> memref<1x!tpu.dma_semaphore, #tpu.memory_space<semaphore_mem>>
      %dma_wait3A_791 = tpu.memref_squeeze %dma_wait3A_790 : memref<1x!tpu.dma_semaphore, #tpu.memory_space<semaphore_mem>> -> memref<!tpu.dma_semaphore, #tpu.memory_space<semaphore_mem>>
      %dma_wait3A_792 = arith.constant 0 : i32
      %dma_wait3A_793 = tpu.memref_slice %arg6[%add3A_778, %dma_wait3A_792] : memref<409600x128xf32, #tpu.memory_space<hbm>> -> memref<160x128xf32, #tpu.memory_space<hbm>>
      %dma_wait3A_794 = arith.constant 0 : i32
      %dma_wait3A_795 = arith.constant 0 : i32
      %dma_wait3A_796 = tpu.memref_slice %dma_wait3A_793[%dma_wait3A_794, %dma_wait3A_795] : memref<160x128xf32, #tpu.memory_space<hbm>> -> memref<160x64xf32, #tpu.memory_space<hbm>>
      %dma_wait3A_797 = arith.constant 0 : i32
      %dma_wait3A_798 = arith.constant 0 : i32
      %dma_wait3A_799 = tpu.memref_slice %arg12[%dma_wait3A_779, %dma_wait3A_797, %dma_wait3A_798] : memref<4x160x64xf32, #tpu.memory_space<vmem>> -> memref<1x160x64xf32, #tpu.memory_space<vmem>>
      %dma_wait3A_800 = tpu.memref_squeeze %dma_wait3A_799 : memref<1x160x64xf32, #tpu.memory_space<vmem>> -> memref<160x64xf32, #tpu.memory_space<vmem>>
      tpu.wait_dma2 semaphore(%dma_wait3A_791 : memref<!tpu.dma_semaphore, #tpu.memory_space<semaphore_mem>>) src(%dma_wait3A_800 : memref<160x64xf32, #tpu.memory_space<vmem>>) dst(%dma_wait3A_796 : memref<160x64xf32, #tpu.memory_space<hbm>>)
      %dma_wait3A_801 = arith.constant 2 : i32
      %dma_wait3A_802 = arith.constant 2 : i32
      %dma_wait3A_803 = arith.constant 0 : i32
      %dma_wait3A_804 = arith.constant 0 : i32
      %dma_wait3A_805 = tpu.memref_slice %arg13[%dma_wait3A_801, %dma_wait3A_803, %dma_wait3A_804] : memref<4x160x64xf32, #tpu.memory_space<vmem>> -> memref<1x160x64xf32, #tpu.memory_space<vmem>>
      %dma_wait3A_806 = tpu.memref_squeeze %dma_wait3A_805 : memref<1x160x64xf32, #tpu.memory_space<vmem>> -> memref<160x64xf32, #tpu.memory_space<vmem>>
      %dma_wait3A_807 = arith.constant 0 : i32
      %dma_wait3A_808 = tpu.memref_slice %arg6[%add3A_778, %dma_wait3A_807] : memref<409600x128xf32, #tpu.memory_space<hbm>> -> memref<160x128xf32, #tpu.memory_space<hbm>>
      %dma_wait3A_809 = arith.constant 0 : i32
      %dma_wait3A_810 = arith.constant 64 : i32
      %dma_wait3A_811 = tpu.memref_slice %dma_wait3A_808[%dma_wait3A_809, %dma_wait3A_810] : memref<160x128xf32, #tpu.memory_space<hbm>> -> memref<160x64xf32, #tpu.memory_space<hbm>>
      %dma_wait3A_812 = tpu.memref_slice %arg17[%dma_wait3A_802] : memref<4x!tpu.dma_semaphore, #tpu.memory_space<semaphore_mem>> -> memref<1x!tpu.dma_semaphore, #tpu.memory_space<semaphore_mem>>
      %dma_wait3A_813 = tpu.memref_squeeze %dma_wait3A_812 : memref<1x!tpu.dma_semaphore, #tpu.memory_space<semaphore_mem>> -> memref<!tpu.dma_semaphore, #tpu.memory_space<semaphore_mem>>
      %dma_wait3A_814 = arith.constant 0 : i32
      %dma_wait3A_815 = tpu.memref_slice %arg6[%add3A_778, %dma_wait3A_814] : memref<409600x128xf32, #tpu.memory_space<hbm>> -> memref<160x128xf32, #tpu.memory_space<hbm>>
      %dma_wait3A_816 = arith.constant 0 : i32
      %dma_wait3A_817 = arith.constant 64 : i32
      %dma_wait3A_818 = tpu.memref_slice %dma_wait3A_815[%dma_wait3A_816, %dma_wait3A_817] : memref<160x128xf32, #tpu.memory_space<hbm>> -> memref<160x64xf32, #tpu.memory_space<hbm>>
      %dma_wait3A_819 = arith.constant 0 : i32
      %dma_wait3A_820 = arith.constant 0 : i32
      %dma_wait3A_821 = tpu.memref_slice %arg13[%dma_wait3A_801, %dma_wait3A_819, %dma_wait3A_820] : memref<4x160x64xf32, #tpu.memory_space<vmem>> -> memref<1x160x64xf32, #tpu.memory_space<vmem>>
      %dma_wait3A_822 = tpu.memref_squeeze %dma_wait3A_821 : memref<1x160x64xf32, #tpu.memory_space<vmem>> -> memref<160x64xf32, #tpu.memory_space<vmem>>
      tpu.wait_dma2 semaphore(%dma_wait3A_813 : memref<!tpu.dma_semaphore, #tpu.memory_space<semaphore_mem>>) src(%dma_wait3A_822 : memref<160x64xf32, #tpu.memory_space<vmem>>) dst(%dma_wait3A_818 : memref<160x64xf32, #tpu.memory_space<hbm>>)
      %lt3A = arith.constant 80 : i32
      %lt3A_823 = arith.cmpi slt, %add3A_774, %lt3A : i32
      %convert_element_type3A = arith.extui %lt3A_823 : i1 to i32
      %cond3A = arith.constant 0 : i32
      %cond3A_824 = arith.cmpi ne, %convert_element_type3A, %cond3A : i32
      scf.if %cond3A_824 {
        %mul3A_1231 = arith.constant 160 : i32
        %mul3A_1232 = arith.muli %add3A_774, %mul3A_1231 : i32
        %dma_start3A_1233 = arith.constant 2 : i32
        %dma_start3A_1234 = arith.constant 2 : i32
        %dma_start3A_1235 = arith.constant 0 : i32
        %dma_start3A_1236 = arith.constant 0 : i32
        %dma_start3A_1237 = tpu.memref_slice %arg12[%dma_start3A_1233, %dma_start3A_1235, %dma_start3A_1236] : memref<4x160x64xf32, #tpu.memory_space<vmem>> -> memref<1x160x64xf32, #tpu.memory_space<vmem>>
        %dma_start3A_1238 = tpu.memref_squeeze %dma_start3A_1237 : memref<1x160x64xf32, #tpu.memory_space<vmem>> -> memref<160x64xf32, #tpu.memory_space<vmem>>
        %dma_start3A_1239 = tpu.memref_slice %arg10[%mul3A_1232] : memref<12800xi32, #tpu.memory_space<vmem>> -> memref<160xi32, #tpu.memory_space<vmem>>
        %dma_start3A_1240 = arith.constant 0 : i32
        %dma_start3A_1241 = arith.constant 0 : i32
        %dma_start3A_1242 = tpu.memref_slice %arg7[%dma_start3A_1240, %dma_start3A_1241] : memref<1024x64xf32, #tpu.memory_space<hbm>> -> memref<1024x64xf32, #tpu.memory_space<hbm>>
        %dma_start3A_1243 = tpu.memref_slice %arg16[%dma_start3A_1234] : memref<4x!tpu.dma_semaphore, #tpu.memory_space<semaphore_mem>> -> memref<1x!tpu.dma_semaphore, #tpu.memory_space<semaphore_mem>>
        %dma_start3A_1244 = tpu.memref_squeeze %dma_start3A_1243 : memref<1x!tpu.dma_semaphore, #tpu.memory_space<semaphore_mem>> -> memref<!tpu.dma_semaphore, #tpu.memory_space<semaphore_mem>>
        tpu.enqueue_indirect_dma source(%dma_start3A_1242 : memref<1024x64xf32, #tpu.memory_space<hbm>>) target(%dma_start3A_1238 : memref<160x64xf32, #tpu.memory_space<vmem>>) offsets(%dma_start3A_1239 : memref<160xi32, #tpu.memory_space<vmem>>) semaphore(%dma_start3A_1244 : memref<!tpu.dma_semaphore, #tpu.memory_space<semaphore_mem>>)
        %mul3A_1245 = arith.constant 160 : i32
        %mul3A_1246 = arith.muli %add3A_774, %mul3A_1245 : i32
        %dma_start3A_1247 = arith.constant 2 : i32
        %dma_start3A_1248 = arith.constant 2 : i32
        %dma_start3A_1249 = arith.constant 0 : i32
        %dma_start3A_1250 = arith.constant 0 : i32
        %dma_start3A_1251 = tpu.memref_slice %arg13[%dma_start3A_1247, %dma_start3A_1249, %dma_start3A_1250] : memref<4x160x64xf32, #tpu.memory_space<vmem>> -> memref<1x160x64xf32, #tpu.memory_space<vmem>>
        %dma_start3A_1252 = tpu.memref_squeeze %dma_start3A_1251 : memref<1x160x64xf32, #tpu.memory_space<vmem>> -> memref<160x64xf32, #tpu.memory_space<vmem>>
        %dma_start3A_1253 = tpu.memref_slice %arg11[%mul3A_1246] : memref<12800xi32, #tpu.memory_space<vmem>> -> memref<160xi32, #tpu.memory_space<vmem>>
        %dma_start3A_1254 = arith.constant 0 : i32
        %dma_start3A_1255 = arith.constant 0 : i32
        %dma_start3A_1256 = tpu.memref_slice %arg7[%dma_start3A_1254, %dma_start3A_1255] : memref<1024x64xf32, #tpu.memory_space<hbm>> -> memref<1024x64xf32, #tpu.memory_space<hbm>>
        %dma_start3A_1257 = tpu.memref_slice %arg16[%dma_start3A_1248] : memref<4x!tpu.dma_semaphore, #tpu.memory_space<semaphore_mem>> -> memref<1x!tpu.dma_semaphore, #tpu.memory_space<semaphore_mem>>
        %dma_start3A_1258 = tpu.memref_squeeze %dma_start3A_1257 : memref<1x!tpu.dma_semaphore, #tpu.memory_space<semaphore_mem>> -> memref<!tpu.dma_semaphore, #tpu.memory_space<semaphore_mem>>
        tpu.enqueue_indirect_dma source(%dma_start3A_1256 : memref<1024x64xf32, #tpu.memory_space<hbm>>) target(%dma_start3A_1252 : memref<160x64xf32, #tpu.memory_space<vmem>>) offsets(%dma_start3A_1253 : memref<160xi32, #tpu.memory_space<vmem>>) semaphore(%dma_start3A_1258 : memref<!tpu.dma_semaphore, #tpu.memory_space<semaphore_mem>>)
      } else {
      }
      %mul3A_825 = arith.constant 4 : i32
      %mul3A_826 = arith.muli %scan3A_692, %mul3A_825 : i32
      %add3A_827 = arith.constant 1 : i32
      %add3A_828 = arith.addi %mul3A_826, %add3A_827 : i32
      %mul3A_829 = arith.constant 160 : i32
      %mul3A_830 = arith.muli %add3A_828, %mul3A_829 : i32
      %dma_wait3A_831 = arith.constant 1 : i32
      %dma_wait3A_832 = arith.constant 1 : i32
      %dma_wait3A_833 = arith.constant 0 : i32
      %dma_wait3A_834 = arith.constant 0 : i32
      %dma_wait3A_835 = tpu.memref_slice %arg12[%dma_wait3A_831, %dma_wait3A_833, %dma_wait3A_834] : memref<4x160x64xf32, #tpu.memory_space<vmem>> -> memref<1x160x64xf32, #tpu.memory_space<vmem>>
      %dma_wait3A_836 = tpu.memref_squeeze %dma_wait3A_835 : memref<1x160x64xf32, #tpu.memory_space<vmem>> -> memref<160x64xf32, #tpu.memory_space<vmem>>
      %dma_wait3A_837 = tpu.memref_slice %arg10[%mul3A_830] : memref<12800xi32, #tpu.memory_space<vmem>> -> memref<160xi32, #tpu.memory_space<vmem>>
      %dma_wait3A_838 = arith.constant 0 : i32
      %dma_wait3A_839 = arith.constant 0 : i32
      %dma_wait3A_840 = tpu.memref_slice %arg7[%dma_wait3A_838, %dma_wait3A_839] : memref<1024x64xf32, #tpu.memory_space<hbm>> -> memref<1024x64xf32, #tpu.memory_space<hbm>>
      %dma_wait3A_841 = tpu.memref_slice %arg16[%dma_wait3A_832] : memref<4x!tpu.dma_semaphore, #tpu.memory_space<semaphore_mem>> -> memref<1x!tpu.dma_semaphore, #tpu.memory_space<semaphore_mem>>
      %dma_wait3A_842 = tpu.memref_squeeze %dma_wait3A_841 : memref<1x!tpu.dma_semaphore, #tpu.memory_space<semaphore_mem>> -> memref<!tpu.dma_semaphore, #tpu.memory_space<semaphore_mem>>
      tpu.wait_indirect_dma semaphore(%dma_wait3A_842 : memref<!tpu.dma_semaphore, #tpu.memory_space<semaphore_mem>>) src(%dma_wait3A_840 : memref<1024x64xf32, #tpu.memory_space<hbm>>) dst(%dma_wait3A_836 : memref<160x64xf32, #tpu.memory_space<vmem>>)
      %mul3A_843 = arith.constant 160 : i32
      %mul3A_844 = arith.muli %add3A_828, %mul3A_843 : i32
      %dma_wait3A_845 = arith.constant 1 : i32
      %dma_wait3A_846 = arith.constant 1 : i32
      %dma_wait3A_847 = arith.constant 0 : i32
      %dma_wait3A_848 = arith.constant 0 : i32
      %dma_wait3A_849 = tpu.memref_slice %arg13[%dma_wait3A_845, %dma_wait3A_847, %dma_wait3A_848] : memref<4x160x64xf32, #tpu.memory_space<vmem>> -> memref<1x160x64xf32, #tpu.memory_space<vmem>>
      %dma_wait3A_850 = tpu.memref_squeeze %dma_wait3A_849 : memref<1x160x64xf32, #tpu.memory_space<vmem>> -> memref<160x64xf32, #tpu.memory_space<vmem>>
      %dma_wait3A_851 = tpu.memref_slice %arg11[%mul3A_844] : memref<12800xi32, #tpu.memory_space<vmem>> -> memref<160xi32, #tpu.memory_space<vmem>>
      %dma_wait3A_852 = arith.constant 0 : i32
      %dma_wait3A_853 = arith.constant 0 : i32
      %dma_wait3A_854 = tpu.memref_slice %arg7[%dma_wait3A_852, %dma_wait3A_853] : memref<1024x64xf32, #tpu.memory_space<hbm>> -> memref<1024x64xf32, #tpu.memory_space<hbm>>
      %dma_wait3A_855 = tpu.memref_slice %arg16[%dma_wait3A_846] : memref<4x!tpu.dma_semaphore, #tpu.memory_space<semaphore_mem>> -> memref<1x!tpu.dma_semaphore, #tpu.memory_space<semaphore_mem>>
      %dma_wait3A_856 = tpu.memref_squeeze %dma_wait3A_855 : memref<1x!tpu.dma_semaphore, #tpu.memory_space<semaphore_mem>> -> memref<!tpu.dma_semaphore, #tpu.memory_space<semaphore_mem>>
      tpu.wait_indirect_dma semaphore(%dma_wait3A_856 : memref<!tpu.dma_semaphore, #tpu.memory_space<semaphore_mem>>) src(%dma_wait3A_854 : memref<1024x64xf32, #tpu.memory_space<hbm>>) dst(%dma_wait3A_850 : memref<160x64xf32, #tpu.memory_space<vmem>>)
      %mul3A_857 = arith.constant 160 : i32
      %mul3A_858 = arith.muli %add3A_828, %mul3A_857 : i32
      %add3A_859 = arith.addi %mul3A_2, %mul3A_858 : i32
      %dma_start3A_860 = arith.constant 1 : i32
      %dma_start3A_861 = arith.constant 1 : i32
      %dma_start3A_862 = arith.constant 0 : i32
      %dma_start3A_863 = arith.constant 0 : i32
      %dma_start3A_864 = tpu.memref_slice %arg12[%dma_start3A_860, %dma_start3A_862, %dma_start3A_863] : memref<4x160x64xf32, #tpu.memory_space<vmem>> -> memref<1x160x64xf32, #tpu.memory_space<vmem>>
      %dma_start3A_865 = tpu.memref_squeeze %dma_start3A_864 : memref<1x160x64xf32, #tpu.memory_space<vmem>> -> memref<160x64xf32, #tpu.memory_space<vmem>>
      %dma_start3A_866 = arith.constant 0 : i32
      %dma_start3A_867 = tpu.memref_slice %arg6[%add3A_859, %dma_start3A_866] : memref<409600x128xf32, #tpu.memory_space<hbm>> -> memref<160x128xf32, #tpu.memory_space<hbm>>
      %dma_start3A_868 = arith.constant 0 : i32
      %dma_start3A_869 = arith.constant 0 : i32
      %dma_start3A_870 = tpu.memref_slice %dma_start3A_867[%dma_start3A_868, %dma_start3A_869] : memref<160x128xf32, #tpu.memory_space<hbm>> -> memref<160x64xf32, #tpu.memory_space<hbm>>
      %dma_start3A_871 = tpu.memref_slice %arg17[%dma_start3A_861] : memref<4x!tpu.dma_semaphore, #tpu.memory_space<semaphore_mem>> -> memref<1x!tpu.dma_semaphore, #tpu.memory_space<semaphore_mem>>
      %dma_start3A_872 = tpu.memref_squeeze %dma_start3A_871 : memref<1x!tpu.dma_semaphore, #tpu.memory_space<semaphore_mem>> -> memref<!tpu.dma_semaphore, #tpu.memory_space<semaphore_mem>>
      %dma_start3A_873 = arith.constant 0 : i32
      %dma_start3A_874 = tpu.memref_slice %arg6[%add3A_859, %dma_start3A_873] : memref<409600x128xf32, #tpu.memory_space<hbm>> -> memref<160x128xf32, #tpu.memory_space<hbm>>
      %dma_start3A_875 = arith.constant 0 : i32
      %dma_start3A_876 = arith.constant 0 : i32
      %dma_start3A_877 = tpu.memref_slice %dma_start3A_874[%dma_start3A_875, %dma_start3A_876] : memref<160x128xf32, #tpu.memory_space<hbm>> -> memref<160x64xf32, #tpu.memory_space<hbm>>
      %dma_start3A_878 = arith.constant 0 : i32
      %dma_start3A_879 = arith.constant 0 : i32
      %dma_start3A_880 = tpu.memref_slice %arg12[%dma_start3A_860, %dma_start3A_878, %dma_start3A_879] : memref<4x160x64xf32, #tpu.memory_space<vmem>> -> memref<1x160x64xf32, #tpu.memory_space<vmem>>
      %dma_start3A_881 = tpu.memref_squeeze %dma_start3A_880 : memref<1x160x64xf32, #tpu.memory_space<vmem>> -> memref<160x64xf32, #tpu.memory_space<vmem>>
      tpu.enqueue_dma source(%dma_start3A_881 : memref<160x64xf32, #tpu.memory_space<vmem>>) target(%dma_start3A_877 : memref<160x64xf32, #tpu.memory_space<hbm>>) target_semaphore(%dma_start3A_872 : memref<!tpu.dma_semaphore, #tpu.memory_space<semaphore_mem>>)
      %dma_start3A_882 = arith.constant 1 : i32
      %dma_start3A_883 = arith.constant 1 : i32
      %dma_start3A_884 = arith.constant 0 : i32
      %dma_start3A_885 = arith.constant 0 : i32
      %dma_start3A_886 = tpu.memref_slice %arg13[%dma_start3A_882, %dma_start3A_884, %dma_start3A_885] : memref<4x160x64xf32, #tpu.memory_space<vmem>> -> memref<1x160x64xf32, #tpu.memory_space<vmem>>
      %dma_start3A_887 = tpu.memref_squeeze %dma_start3A_886 : memref<1x160x64xf32, #tpu.memory_space<vmem>> -> memref<160x64xf32, #tpu.memory_space<vmem>>
      %dma_start3A_888 = arith.constant 0 : i32
      %dma_start3A_889 = tpu.memref_slice %arg6[%add3A_859, %dma_start3A_888] : memref<409600x128xf32, #tpu.memory_space<hbm>> -> memref<160x128xf32, #tpu.memory_space<hbm>>
      %dma_start3A_890 = arith.constant 0 : i32
      %dma_start3A_891 = arith.constant 64 : i32
      %dma_start3A_892 = tpu.memref_slice %dma_start3A_889[%dma_start3A_890, %dma_start3A_891] : memref<160x128xf32, #tpu.memory_space<hbm>> -> memref<160x64xf32, #tpu.memory_space<hbm>>
      %dma_start3A_893 = tpu.memref_slice %arg17[%dma_start3A_883] : memref<4x!tpu.dma_semaphore, #tpu.memory_space<semaphore_mem>> -> memref<1x!tpu.dma_semaphore, #tpu.memory_space<semaphore_mem>>
      %dma_start3A_894 = tpu.memref_squeeze %dma_start3A_893 : memref<1x!tpu.dma_semaphore, #tpu.memory_space<semaphore_mem>> -> memref<!tpu.dma_semaphore, #tpu.memory_space<semaphore_mem>>
      %dma_start3A_895 = arith.constant 0 : i32
      %dma_start3A_896 = tpu.memref_slice %arg6[%add3A_859, %dma_start3A_895] : memref<409600x128xf32, #tpu.memory_space<hbm>> -> memref<160x128xf32, #tpu.memory_space<hbm>>
      %dma_start3A_897 = arith.constant 0 : i32
      %dma_start3A_898 = arith.constant 64 : i32
      %dma_start3A_899 = tpu.memref_slice %dma_start3A_896[%dma_start3A_897, %dma_start3A_898] : memref<160x128xf32, #tpu.memory_space<hbm>> -> memref<160x64xf32, #tpu.memory_space<hbm>>
      %dma_start3A_900 = arith.constant 0 : i32
      %dma_start3A_901 = arith.constant 0 : i32
      %dma_start3A_902 = tpu.memref_slice %arg13[%dma_start3A_882, %dma_start3A_900, %dma_start3A_901] : memref<4x160x64xf32, #tpu.memory_space<vmem>> -> memref<1x160x64xf32, #tpu.memory_space<vmem>>
      %dma_start3A_903 = tpu.memref_squeeze %dma_start3A_902 : memref<1x160x64xf32, #tpu.memory_space<vmem>> -> memref<160x64xf32, #tpu.memory_space<vmem>>
      tpu.enqueue_dma source(%dma_start3A_903 : memref<160x64xf32, #tpu.memory_space<vmem>>) target(%dma_start3A_899 : memref<160x64xf32, #tpu.memory_space<hbm>>) target_semaphore(%dma_start3A_894 : memref<!tpu.dma_semaphore, #tpu.memory_space<semaphore_mem>>)
      %add3A_904 = arith.constant 2 : i32
      %add3A_905 = arith.addi %add3A_828, %add3A_904 : i32
      %sub3A_906 = arith.constant 4 : i32
      %sub3A_907 = arith.subi %add3A_905, %sub3A_906 : i32
      %mul3A_908 = arith.constant 160 : i32
      %mul3A_909 = arith.muli %sub3A_907, %mul3A_908 : i32
      %add3A_910 = arith.addi %mul3A_2, %mul3A_909 : i32
      %dma_wait3A_911 = arith.constant 3 : i32
      %dma_wait3A_912 = arith.constant 3 : i32
      %dma_wait3A_913 = arith.constant 0 : i32
      %dma_wait3A_914 = arith.constant 0 : i32
      %dma_wait3A_915 = tpu.memref_slice %arg12[%dma_wait3A_911, %dma_wait3A_913, %dma_wait3A_914] : memref<4x160x64xf32, #tpu.memory_space<vmem>> -> memref<1x160x64xf32, #tpu.memory_space<vmem>>
      %dma_wait3A_916 = tpu.memref_squeeze %dma_wait3A_915 : memref<1x160x64xf32, #tpu.memory_space<vmem>> -> memref<160x64xf32, #tpu.memory_space<vmem>>
      %dma_wait3A_917 = arith.constant 0 : i32
      %dma_wait3A_918 = tpu.memref_slice %arg6[%add3A_910, %dma_wait3A_917] : memref<409600x128xf32, #tpu.memory_space<hbm>> -> memref<160x128xf32, #tpu.memory_space<hbm>>
      %dma_wait3A_919 = arith.constant 0 : i32
      %dma_wait3A_920 = arith.constant 0 : i32
      %dma_wait3A_921 = tpu.memref_slice %dma_wait3A_918[%dma_wait3A_919, %dma_wait3A_920] : memref<160x128xf32, #tpu.memory_space<hbm>> -> memref<160x64xf32, #tpu.memory_space<hbm>>
      %dma_wait3A_922 = tpu.memref_slice %arg17[%dma_wait3A_912] : memref<4x!tpu.dma_semaphore, #tpu.memory_space<semaphore_mem>> -> memref<1x!tpu.dma_semaphore, #tpu.memory_space<semaphore_mem>>
      %dma_wait3A_923 = tpu.memref_squeeze %dma_wait3A_922 : memref<1x!tpu.dma_semaphore, #tpu.memory_space<semaphore_mem>> -> memref<!tpu.dma_semaphore, #tpu.memory_space<semaphore_mem>>
      %dma_wait3A_924 = arith.constant 0 : i32
      %dma_wait3A_925 = tpu.memref_slice %arg6[%add3A_910, %dma_wait3A_924] : memref<409600x128xf32, #tpu.memory_space<hbm>> -> memref<160x128xf32, #tpu.memory_space<hbm>>
      %dma_wait3A_926 = arith.constant 0 : i32
      %dma_wait3A_927 = arith.constant 0 : i32
      %dma_wait3A_928 = tpu.memref_slice %dma_wait3A_925[%dma_wait3A_926, %dma_wait3A_927] : memref<160x128xf32, #tpu.memory_space<hbm>> -> memref<160x64xf32, #tpu.memory_space<hbm>>
      %dma_wait3A_929 = arith.constant 0 : i32
      %dma_wait3A_930 = arith.constant 0 : i32
      %dma_wait3A_931 = tpu.memref_slice %arg12[%dma_wait3A_911, %dma_wait3A_929, %dma_wait3A_930] : memref<4x160x64xf32, #tpu.memory_space<vmem>> -> memref<1x160x64xf32, #tpu.memory_space<vmem>>
      %dma_wait3A_932 = tpu.memref_squeeze %dma_wait3A_931 : memref<1x160x64xf32, #tpu.memory_space<vmem>> -> memref<160x64xf32, #tpu.memory_space<vmem>>
      tpu.wait_dma2 semaphore(%dma_wait3A_923 : memref<!tpu.dma_semaphore, #tpu.memory_space<semaphore_mem>>) src(%dma_wait3A_932 : memref<160x64xf32, #tpu.memory_space<vmem>>) dst(%dma_wait3A_928 : memref<160x64xf32, #tpu.memory_space<hbm>>)
      %dma_wait3A_933 = arith.constant 3 : i32
      %dma_wait3A_934 = arith.constant 3 : i32
      %dma_wait3A_935 = arith.constant 0 : i32
      %dma_wait3A_936 = arith.constant 0 : i32
      %dma_wait3A_937 = tpu.memref_slice %arg13[%dma_wait3A_933, %dma_wait3A_935, %dma_wait3A_936] : memref<4x160x64xf32, #tpu.memory_space<vmem>> -> memref<1x160x64xf32, #tpu.memory_space<vmem>>
      %dma_wait3A_938 = tpu.memref_squeeze %dma_wait3A_937 : memref<1x160x64xf32, #tpu.memory_space<vmem>> -> memref<160x64xf32, #tpu.memory_space<vmem>>
      %dma_wait3A_939 = arith.constant 0 : i32
      %dma_wait3A_940 = tpu.memref_slice %arg6[%add3A_910, %dma_wait3A_939] : memref<409600x128xf32, #tpu.memory_space<hbm>> -> memref<160x128xf32, #tpu.memory_space<hbm>>
      %dma_wait3A_941 = arith.constant 0 : i32
      %dma_wait3A_942 = arith.constant 64 : i32
      %dma_wait3A_943 = tpu.memref_slice %dma_wait3A_940[%dma_wait3A_941, %dma_wait3A_942] : memref<160x128xf32, #tpu.memory_space<hbm>> -> memref<160x64xf32, #tpu.memory_space<hbm>>
      %dma_wait3A_944 = tpu.memref_slice %arg17[%dma_wait3A_934] : memref<4x!tpu.dma_semaphore, #tpu.memory_space<semaphore_mem>> -> memref<1x!tpu.dma_semaphore, #tpu.memory_space<semaphore_mem>>
      %dma_wait3A_945 = tpu.memref_squeeze %dma_wait3A_944 : memref<1x!tpu.dma_semaphore, #tpu.memory_space<semaphore_mem>> -> memref<!tpu.dma_semaphore, #tpu.memory_space<semaphore_mem>>
      %dma_wait3A_946 = arith.constant 0 : i32
      %dma_wait3A_947 = tpu.memref_slice %arg6[%add3A_910, %dma_wait3A_946] : memref<409600x128xf32, #tpu.memory_space<hbm>> -> memref<160x128xf32, #tpu.memory_space<hbm>>
      %dma_wait3A_948 = arith.constant 0 : i32
      %dma_wait3A_949 = arith.constant 64 : i32
      %dma_wait3A_950 = tpu.memref_slice %dma_wait3A_947[%dma_wait3A_948, %dma_wait3A_949] : memref<160x128xf32, #tpu.memory_space<hbm>> -> memref<160x64xf32, #tpu.memory_space<hbm>>
      %dma_wait3A_951 = arith.constant 0 : i32
      %dma_wait3A_952 = arith.constant 0 : i32
      %dma_wait3A_953 = tpu.memref_slice %arg13[%dma_wait3A_933, %dma_wait3A_951, %dma_wait3A_952] : memref<4x160x64xf32, #tpu.memory_space<vmem>> -> memref<1x160x64xf32, #tpu.memory_space<vmem>>
      %dma_wait3A_954 = tpu.memref_squeeze %dma_wait3A_953 : memref<1x160x64xf32, #tpu.memory_space<vmem>> -> memref<160x64xf32, #tpu.memory_space<vmem>>
      tpu.wait_dma2 semaphore(%dma_wait3A_945 : memref<!tpu.dma_semaphore, #tpu.memory_space<semaphore_mem>>) src(%dma_wait3A_954 : memref<160x64xf32, #tpu.memory_space<vmem>>) dst(%dma_wait3A_950 : memref<160x64xf32, #tpu.memory_space<hbm>>)
      %lt3A_955 = arith.constant 80 : i32
      %lt3A_956 = arith.cmpi slt, %add3A_905, %lt3A_955 : i32
      %convert_element_type3A_957 = arith.extui %lt3A_956 : i1 to i32
      %cond3A_958 = arith.constant 0 : i32
      %cond3A_959 = arith.cmpi ne, %convert_element_type3A_957, %cond3A_958 : i32
      scf.if %cond3A_959 {
        %mul3A_1231 = arith.constant 160 : i32
        %mul3A_1232 = arith.muli %add3A_905, %mul3A_1231 : i32
        %dma_start3A_1233 = arith.constant 3 : i32
        %dma_start3A_1234 = arith.constant 3 : i32
        %dma_start3A_1235 = arith.constant 0 : i32
        %dma_start3A_1236 = arith.constant 0 : i32
        %dma_start3A_1237 = tpu.memref_slice %arg12[%dma_start3A_1233, %dma_start3A_1235, %dma_start3A_1236] : memref<4x160x64xf32, #tpu.memory_space<vmem>> -> memref<1x160x64xf32, #tpu.memory_space<vmem>>
        %dma_start3A_1238 = tpu.memref_squeeze %dma_start3A_1237 : memref<1x160x64xf32, #tpu.memory_space<vmem>> -> memref<160x64xf32, #tpu.memory_space<vmem>>
        %dma_start3A_1239 = tpu.memref_slice %arg10[%mul3A_1232] : memref<12800xi32, #tpu.memory_space<vmem>> -> memref<160xi32, #tpu.memory_space<vmem>>
        %dma_start3A_1240 = arith.constant 0 : i32
        %dma_start3A_1241 = arith.constant 0 : i32
        %dma_start3A_1242 = tpu.memref_slice %arg7[%dma_start3A_1240, %dma_start3A_1241] : memref<1024x64xf32, #tpu.memory_space<hbm>> -> memref<1024x64xf32, #tpu.memory_space<hbm>>
        %dma_start3A_1243 = tpu.memref_slice %arg16[%dma_start3A_1234] : memref<4x!tpu.dma_semaphore, #tpu.memory_space<semaphore_mem>> -> memref<1x!tpu.dma_semaphore, #tpu.memory_space<semaphore_mem>>
        %dma_start3A_1244 = tpu.memref_squeeze %dma_start3A_1243 : memref<1x!tpu.dma_semaphore, #tpu.memory_space<semaphore_mem>> -> memref<!tpu.dma_semaphore, #tpu.memory_space<semaphore_mem>>
        tpu.enqueue_indirect_dma source(%dma_start3A_1242 : memref<1024x64xf32, #tpu.memory_space<hbm>>) target(%dma_start3A_1238 : memref<160x64xf32, #tpu.memory_space<vmem>>) offsets(%dma_start3A_1239 : memref<160xi32, #tpu.memory_space<vmem>>) semaphore(%dma_start3A_1244 : memref<!tpu.dma_semaphore, #tpu.memory_space<semaphore_mem>>)
        %mul3A_1245 = arith.constant 160 : i32
        %mul3A_1246 = arith.muli %add3A_905, %mul3A_1245 : i32
        %dma_start3A_1247 = arith.constant 3 : i32
        %dma_start3A_1248 = arith.constant 3 : i32
        %dma_start3A_1249 = arith.constant 0 : i32
        %dma_start3A_1250 = arith.constant 0 : i32
        %dma_start3A_1251 = tpu.memref_slice %arg13[%dma_start3A_1247, %dma_start3A_1249, %dma_start3A_1250] : memref<4x160x64xf32, #tpu.memory_space<vmem>> -> memref<1x160x64xf32, #tpu.memory_space<vmem>>
        %dma_start3A_1252 = tpu.memref_squeeze %dma_start3A_1251 : memref<1x160x64xf32, #tpu.memory_space<vmem>> -> memref<160x64xf32, #tpu.memory_space<vmem>>
        %dma_start3A_1253 = tpu.memref_slice %arg11[%mul3A_1246] : memref<12800xi32, #tpu.memory_space<vmem>> -> memref<160xi32, #tpu.memory_space<vmem>>
        %dma_start3A_1254 = arith.constant 0 : i32
        %dma_start3A_1255 = arith.constant 0 : i32
        %dma_start3A_1256 = tpu.memref_slice %arg7[%dma_start3A_1254, %dma_start3A_1255] : memref<1024x64xf32, #tpu.memory_space<hbm>> -> memref<1024x64xf32, #tpu.memory_space<hbm>>
        %dma_start3A_1257 = tpu.memref_slice %arg16[%dma_start3A_1248] : memref<4x!tpu.dma_semaphore, #tpu.memory_space<semaphore_mem>> -> memref<1x!tpu.dma_semaphore, #tpu.memory_space<semaphore_mem>>
        %dma_start3A_1258 = tpu.memref_squeeze %dma_start3A_1257 : memref<1x!tpu.dma_semaphore, #tpu.memory_space<semaphore_mem>> -> memref<!tpu.dma_semaphore, #tpu.memory_space<semaphore_mem>>
        tpu.enqueue_indirect_dma source(%dma_start3A_1256 : memref<1024x64xf32, #tpu.memory_space<hbm>>) target(%dma_start3A_1252 : memref<160x64xf32, #tpu.memory_space<vmem>>) offsets(%dma_start3A_1253 : memref<160xi32, #tpu.memory_space<vmem>>) semaphore(%dma_start3A_1258 : memref<!tpu.dma_semaphore, #tpu.memory_space<semaphore_mem>>)
      } else {
      }
      %mul3A_960 = arith.constant 4 : i32
      %mul3A_961 = arith.muli %scan3A_692, %mul3A_960 : i32
      %add3A_962 = arith.constant 2 : i32
      %add3A_963 = arith.addi %mul3A_961, %add3A_962 : i32
      %mul3A_964 = arith.constant 160 : i32
      %mul3A_965 = arith.muli %add3A_963, %mul3A_964 : i32
      %dma_wait3A_966 = arith.constant 2 : i32
      %dma_wait3A_967 = arith.constant 2 : i32
      %dma_wait3A_968 = arith.constant 0 : i32
      %dma_wait3A_969 = arith.constant 0 : i32
      %dma_wait3A_970 = tpu.memref_slice %arg12[%dma_wait3A_966, %dma_wait3A_968, %dma_wait3A_969] : memref<4x160x64xf32, #tpu.memory_space<vmem>> -> memref<1x160x64xf32, #tpu.memory_space<vmem>>
      %dma_wait3A_971 = tpu.memref_squeeze %dma_wait3A_970 : memref<1x160x64xf32, #tpu.memory_space<vmem>> -> memref<160x64xf32, #tpu.memory_space<vmem>>
      %dma_wait3A_972 = tpu.memref_slice %arg10[%mul3A_965] : memref<12800xi32, #tpu.memory_space<vmem>> -> memref<160xi32, #tpu.memory_space<vmem>>
      %dma_wait3A_973 = arith.constant 0 : i32
      %dma_wait3A_974 = arith.constant 0 : i32
      %dma_wait3A_975 = tpu.memref_slice %arg7[%dma_wait3A_973, %dma_wait3A_974] : memref<1024x64xf32, #tpu.memory_space<hbm>> -> memref<1024x64xf32, #tpu.memory_space<hbm>>
      %dma_wait3A_976 = tpu.memref_slice %arg16[%dma_wait3A_967] : memref<4x!tpu.dma_semaphore, #tpu.memory_space<semaphore_mem>> -> memref<1x!tpu.dma_semaphore, #tpu.memory_space<semaphore_mem>>
      %dma_wait3A_977 = tpu.memref_squeeze %dma_wait3A_976 : memref<1x!tpu.dma_semaphore, #tpu.memory_space<semaphore_mem>> -> memref<!tpu.dma_semaphore, #tpu.memory_space<semaphore_mem>>
      tpu.wait_indirect_dma semaphore(%dma_wait3A_977 : memref<!tpu.dma_semaphore, #tpu.memory_space<semaphore_mem>>) src(%dma_wait3A_975 : memref<1024x64xf32, #tpu.memory_space<hbm>>) dst(%dma_wait3A_971 : memref<160x64xf32, #tpu.memory_space<vmem>>)
      %mul3A_978 = arith.constant 160 : i32
      %mul3A_979 = arith.muli %add3A_963, %mul3A_978 : i32
      %dma_wait3A_980 = arith.constant 2 : i32
      %dma_wait3A_981 = arith.constant 2 : i32
      %dma_wait3A_982 = arith.constant 0 : i32
      %dma_wait3A_983 = arith.constant 0 : i32
      %dma_wait3A_984 = tpu.memref_slice %arg13[%dma_wait3A_980, %dma_wait3A_982, %dma_wait3A_983] : memref<4x160x64xf32, #tpu.memory_space<vmem>> -> memref<1x160x64xf32, #tpu.memory_space<vmem>>
      %dma_wait3A_985 = tpu.memref_squeeze %dma_wait3A_984 : memref<1x160x64xf32, #tpu.memory_space<vmem>> -> memref<160x64xf32, #tpu.memory_space<vmem>>
      %dma_wait3A_986 = tpu.memref_slice %arg11[%mul3A_979] : memref<12800xi32, #tpu.memory_space<vmem>> -> memref<160xi32, #tpu.memory_space<vmem>>
      %dma_wait3A_987 = arith.constant 0 : i32
      %dma_wait3A_988 = arith.constant 0 : i32
      %dma_wait3A_989 = tpu.memref_slice %arg7[%dma_wait3A_987, %dma_wait3A_988] : memref<1024x64xf32, #tpu.memory_space<hbm>> -> memref<1024x64xf32, #tpu.memory_space<hbm>>
      %dma_wait3A_990 = tpu.memref_slice %arg16[%dma_wait3A_981] : memref<4x!tpu.dma_semaphore, #tpu.memory_space<semaphore_mem>> -> memref<1x!tpu.dma_semaphore, #tpu.memory_space<semaphore_mem>>
      %dma_wait3A_991 = tpu.memref_squeeze %dma_wait3A_990 : memref<1x!tpu.dma_semaphore, #tpu.memory_space<semaphore_mem>> -> memref<!tpu.dma_semaphore, #tpu.memory_space<semaphore_mem>>
      tpu.wait_indirect_dma semaphore(%dma_wait3A_991 : memref<!tpu.dma_semaphore, #tpu.memory_space<semaphore_mem>>) src(%dma_wait3A_989 : memref<1024x64xf32, #tpu.memory_space<hbm>>) dst(%dma_wait3A_985 : memref<160x64xf32, #tpu.memory_space<vmem>>)
      %mul3A_992 = arith.constant 160 : i32
      %mul3A_993 = arith.muli %add3A_963, %mul3A_992 : i32
      %add3A_994 = arith.addi %mul3A_2, %mul3A_993 : i32
      %dma_start3A_995 = arith.constant 2 : i32
      %dma_start3A_996 = arith.constant 2 : i32
      %dma_start3A_997 = arith.constant 0 : i32
      %dma_start3A_998 = arith.constant 0 : i32
      %dma_start3A_999 = tpu.memref_slice %arg12[%dma_start3A_995, %dma_start3A_997, %dma_start3A_998] : memref<4x160x64xf32, #tpu.memory_space<vmem>> -> memref<1x160x64xf32, #tpu.memory_space<vmem>>
      %dma_start3A_1000 = tpu.memref_squeeze %dma_start3A_999 : memref<1x160x64xf32, #tpu.memory_space<vmem>> -> memref<160x64xf32, #tpu.memory_space<vmem>>
      %dma_start3A_1001 = arith.constant 0 : i32
      %dma_start3A_1002 = tpu.memref_slice %arg6[%add3A_994, %dma_start3A_1001] : memref<409600x128xf32, #tpu.memory_space<hbm>> -> memref<160x128xf32, #tpu.memory_space<hbm>>
      %dma_start3A_1003 = arith.constant 0 : i32
      %dma_start3A_1004 = arith.constant 0 : i32
      %dma_start3A_1005 = tpu.memref_slice %dma_start3A_1002[%dma_start3A_1003, %dma_start3A_1004] : memref<160x128xf32, #tpu.memory_space<hbm>> -> memref<160x64xf32, #tpu.memory_space<hbm>>
      %dma_start3A_1006 = tpu.memref_slice %arg17[%dma_start3A_996] : memref<4x!tpu.dma_semaphore, #tpu.memory_space<semaphore_mem>> -> memref<1x!tpu.dma_semaphore, #tpu.memory_space<semaphore_mem>>
      %dma_start3A_1007 = tpu.memref_squeeze %dma_start3A_1006 : memref<1x!tpu.dma_semaphore, #tpu.memory_space<semaphore_mem>> -> memref<!tpu.dma_semaphore, #tpu.memory_space<semaphore_mem>>
      %dma_start3A_1008 = arith.constant 0 : i32
      %dma_start3A_1009 = tpu.memref_slice %arg6[%add3A_994, %dma_start3A_1008] : memref<409600x128xf32, #tpu.memory_space<hbm>> -> memref<160x128xf32, #tpu.memory_space<hbm>>
      %dma_start3A_1010 = arith.constant 0 : i32
      %dma_start3A_1011 = arith.constant 0 : i32
      %dma_start3A_1012 = tpu.memref_slice %dma_start3A_1009[%dma_start3A_1010, %dma_start3A_1011] : memref<160x128xf32, #tpu.memory_space<hbm>> -> memref<160x64xf32, #tpu.memory_space<hbm>>
      %dma_start3A_1013 = arith.constant 0 : i32
      %dma_start3A_1014 = arith.constant 0 : i32
      %dma_start3A_1015 = tpu.memref_slice %arg12[%dma_start3A_995, %dma_start3A_1013, %dma_start3A_1014] : memref<4x160x64xf32, #tpu.memory_space<vmem>> -> memref<1x160x64xf32, #tpu.memory_space<vmem>>
      %dma_start3A_1016 = tpu.memref_squeeze %dma_start3A_1015 : memref<1x160x64xf32, #tpu.memory_space<vmem>> -> memref<160x64xf32, #tpu.memory_space<vmem>>
      tpu.enqueue_dma source(%dma_start3A_1016 : memref<160x64xf32, #tpu.memory_space<vmem>>) target(%dma_start3A_1012 : memref<160x64xf32, #tpu.memory_space<hbm>>) target_semaphore(%dma_start3A_1007 : memref<!tpu.dma_semaphore, #tpu.memory_space<semaphore_mem>>)
      %dma_start3A_1017 = arith.constant 2 : i32
      %dma_start3A_1018 = arith.constant 2 : i32
      %dma_start3A_1019 = arith.constant 0 : i32
      %dma_start3A_1020 = arith.constant 0 : i32
      %dma_start3A_1021 = tpu.memref_slice %arg13[%dma_start3A_1017, %dma_start3A_1019, %dma_start3A_1020] : memref<4x160x64xf32, #tpu.memory_space<vmem>> -> memref<1x160x64xf32, #tpu.memory_space<vmem>>
      %dma_start3A_1022 = tpu.memref_squeeze %dma_start3A_1021 : memref<1x160x64xf32, #tpu.memory_space<vmem>> -> memref<160x64xf32, #tpu.memory_space<vmem>>
      %dma_start3A_1023 = arith.constant 0 : i32
      %dma_start3A_1024 = tpu.memref_slice %arg6[%add3A_994, %dma_start3A_1023] : memref<409600x128xf32, #tpu.memory_space<hbm>> -> memref<160x128xf32, #tpu.memory_space<hbm>>
      %dma_start3A_1025 = arith.constant 0 : i32
      %dma_start3A_1026 = arith.constant 64 : i32
      %dma_start3A_1027 = tpu.memref_slice %dma_start3A_1024[%dma_start3A_1025, %dma_start3A_1026] : memref<160x128xf32, #tpu.memory_space<hbm>> -> memref<160x64xf32, #tpu.memory_space<hbm>>
      %dma_start3A_1028 = tpu.memref_slice %arg17[%dma_start3A_1018] : memref<4x!tpu.dma_semaphore, #tpu.memory_space<semaphore_mem>> -> memref<1x!tpu.dma_semaphore, #tpu.memory_space<semaphore_mem>>
      %dma_start3A_1029 = tpu.memref_squeeze %dma_start3A_1028 : memref<1x!tpu.dma_semaphore, #tpu.memory_space<semaphore_mem>> -> memref<!tpu.dma_semaphore, #tpu.memory_space<semaphore_mem>>
      %dma_start3A_1030 = arith.constant 0 : i32
      %dma_start3A_1031 = tpu.memref_slice %arg6[%add3A_994, %dma_start3A_1030] : memref<409600x128xf32, #tpu.memory_space<hbm>> -> memref<160x128xf32, #tpu.memory_space<hbm>>
      %dma_start3A_1032 = arith.constant 0 : i32
      %dma_start3A_1033 = arith.constant 64 : i32
      %dma_start3A_1034 = tpu.memref_slice %dma_start3A_1031[%dma_start3A_1032, %dma_start3A_1033] : memref<160x128xf32, #tpu.memory_space<hbm>> -> memref<160x64xf32, #tpu.memory_space<hbm>>
      %dma_start3A_1035 = arith.constant 0 : i32
      %dma_start3A_1036 = arith.constant 0 : i32
      %dma_start3A_1037 = tpu.memref_slice %arg13[%dma_start3A_1017, %dma_start3A_1035, %dma_start3A_1036] : memref<4x160x64xf32, #tpu.memory_space<vmem>> -> memref<1x160x64xf32, #tpu.memory_space<vmem>>
      %dma_start3A_1038 = tpu.memref_squeeze %dma_start3A_1037 : memref<1x160x64xf32, #tpu.memory_space<vmem>> -> memref<160x64xf32, #tpu.memory_space<vmem>>
      tpu.enqueue_dma source(%dma_start3A_1038 : memref<160x64xf32, #tpu.memory_space<vmem>>) target(%dma_start3A_1034 : memref<160x64xf32, #tpu.memory_space<hbm>>) target_semaphore(%dma_start3A_1029 : memref<!tpu.dma_semaphore, #tpu.memory_space<semaphore_mem>>)
      %add3A_1039 = arith.constant 2 : i32
      %add3A_1040 = arith.addi %add3A_963, %add3A_1039 : i32
      %sub3A_1041 = arith.constant 4 : i32
      %sub3A_1042 = arith.subi %add3A_1040, %sub3A_1041 : i32
      %mul3A_1043 = arith.constant 160 : i32
      %mul3A_1044 = arith.muli %sub3A_1042, %mul3A_1043 : i32
      %add3A_1045 = arith.addi %mul3A_2, %mul3A_1044 : i32
      %dma_wait3A_1046 = arith.constant 0 : i32
      %dma_wait3A_1047 = arith.constant 0 : i32
      %dma_wait3A_1048 = arith.constant 0 : i32
      %dma_wait3A_1049 = arith.constant 0 : i32
      %dma_wait3A_1050 = tpu.memref_slice %arg12[%dma_wait3A_1046, %dma_wait3A_1048, %dma_wait3A_1049] : memref<4x160x64xf32, #tpu.memory_space<vmem>> -> memref<1x160x64xf32, #tpu.memory_space<vmem>>
      %dma_wait3A_1051 = tpu.memref_squeeze %dma_wait3A_1050 : memref<1x160x64xf32, #tpu.memory_space<vmem>> -> memref<160x64xf32, #tpu.memory_space<vmem>>
      %dma_wait3A_1052 = arith.constant 0 : i32
      %dma_wait3A_1053 = tpu.memref_slice %arg6[%add3A_1045, %dma_wait3A_1052] : memref<409600x128xf32, #tpu.memory_space<hbm>> -> memref<160x128xf32, #tpu.memory_space<hbm>>
      %dma_wait3A_1054 = arith.constant 0 : i32
      %dma_wait3A_1055 = arith.constant 0 : i32
      %dma_wait3A_1056 = tpu.memref_slice %dma_wait3A_1053[%dma_wait3A_1054, %dma_wait3A_1055] : memref<160x128xf32, #tpu.memory_space<hbm>> -> memref<160x64xf32, #tpu.memory_space<hbm>>
      %dma_wait3A_1057 = tpu.memref_slice %arg17[%dma_wait3A_1047] : memref<4x!tpu.dma_semaphore, #tpu.memory_space<semaphore_mem>> -> memref<1x!tpu.dma_semaphore, #tpu.memory_space<semaphore_mem>>
      %dma_wait3A_1058 = tpu.memref_squeeze %dma_wait3A_1057 : memref<1x!tpu.dma_semaphore, #tpu.memory_space<semaphore_mem>> -> memref<!tpu.dma_semaphore, #tpu.memory_space<semaphore_mem>>
      %dma_wait3A_1059 = arith.constant 0 : i32
      %dma_wait3A_1060 = tpu.memref_slice %arg6[%add3A_1045, %dma_wait3A_1059] : memref<409600x128xf32, #tpu.memory_space<hbm>> -> memref<160x128xf32, #tpu.memory_space<hbm>>
      %dma_wait3A_1061 = arith.constant 0 : i32
      %dma_wait3A_1062 = arith.constant 0 : i32
      %dma_wait3A_1063 = tpu.memref_slice %dma_wait3A_1060[%dma_wait3A_1061, %dma_wait3A_1062] : memref<160x128xf32, #tpu.memory_space<hbm>> -> memref<160x64xf32, #tpu.memory_space<hbm>>
      %dma_wait3A_1064 = arith.constant 0 : i32
      %dma_wait3A_1065 = arith.constant 0 : i32
      %dma_wait3A_1066 = tpu.memref_slice %arg12[%dma_wait3A_1046, %dma_wait3A_1064, %dma_wait3A_1065] : memref<4x160x64xf32, #tpu.memory_space<vmem>> -> memref<1x160x64xf32, #tpu.memory_space<vmem>>
      %dma_wait3A_1067 = tpu.memref_squeeze %dma_wait3A_1066 : memref<1x160x64xf32, #tpu.memory_space<vmem>> -> memref<160x64xf32, #tpu.memory_space<vmem>>
      tpu.wait_dma2 semaphore(%dma_wait3A_1058 : memref<!tpu.dma_semaphore, #tpu.memory_space<semaphore_mem>>) src(%dma_wait3A_1067 : memref<160x64xf32, #tpu.memory_space<vmem>>) dst(%dma_wait3A_1063 : memref<160x64xf32, #tpu.memory_space<hbm>>)
      %dma_wait3A_1068 = arith.constant 0 : i32
      %dma_wait3A_1069 = arith.constant 0 : i32
      %dma_wait3A_1070 = arith.constant 0 : i32
      %dma_wait3A_1071 = arith.constant 0 : i32
      %dma_wait3A_1072 = tpu.memref_slice %arg13[%dma_wait3A_1068, %dma_wait3A_1070, %dma_wait3A_1071] : memref<4x160x64xf32, #tpu.memory_space<vmem>> -> memref<1x160x64xf32, #tpu.memory_space<vmem>>
      %dma_wait3A_1073 = tpu.memref_squeeze %dma_wait3A_1072 : memref<1x160x64xf32, #tpu.memory_space<vmem>> -> memref<160x64xf32, #tpu.memory_space<vmem>>
      %dma_wait3A_1074 = arith.constant 0 : i32
      %dma_wait3A_1075 = tpu.memref_slice %arg6[%add3A_1045, %dma_wait3A_1074] : memref<409600x128xf32, #tpu.memory_space<hbm>> -> memref<160x128xf32, #tpu.memory_space<hbm>>
      %dma_wait3A_1076 = arith.constant 0 : i32
      %dma_wait3A_1077 = arith.constant 64 : i32
      %dma_wait3A_1078 = tpu.memref_slice %dma_wait3A_1075[%dma_wait3A_1076, %dma_wait3A_1077] : memref<160x128xf32, #tpu.memory_space<hbm>> -> memref<160x64xf32, #tpu.memory_space<hbm>>
      %dma_wait3A_1079 = tpu.memref_slice %arg17[%dma_wait3A_1069] : memref<4x!tpu.dma_semaphore, #tpu.memory_space<semaphore_mem>> -> memref<1x!tpu.dma_semaphore, #tpu.memory_space<semaphore_mem>>
      %dma_wait3A_1080 = tpu.memref_squeeze %dma_wait3A_1079 : memref<1x!tpu.dma_semaphore, #tpu.memory_space<semaphore_mem>> -> memref<!tpu.dma_semaphore, #tpu.memory_space<semaphore_mem>>
      %dma_wait3A_1081 = arith.constant 0 : i32
      %dma_wait3A_1082 = tpu.memref_slice %arg6[%add3A_1045, %dma_wait3A_1081] : memref<409600x128xf32, #tpu.memory_space<hbm>> -> memref<160x128xf32, #tpu.memory_space<hbm>>
      %dma_wait3A_1083 = arith.constant 0 : i32
      %dma_wait3A_1084 = arith.constant 64 : i32
      %dma_wait3A_1085 = tpu.memref_slice %dma_wait3A_1082[%dma_wait3A_1083, %dma_wait3A_1084] : memref<160x128xf32, #tpu.memory_space<hbm>> -> memref<160x64xf32, #tpu.memory_space<hbm>>
      %dma_wait3A_1086 = arith.constant 0 : i32
      %dma_wait3A_1087 = arith.constant 0 : i32
      %dma_wait3A_1088 = tpu.memref_slice %arg13[%dma_wait3A_1068, %dma_wait3A_1086, %dma_wait3A_1087] : memref<4x160x64xf32, #tpu.memory_space<vmem>> -> memref<1x160x64xf32, #tpu.memory_space<vmem>>
      %dma_wait3A_1089 = tpu.memref_squeeze %dma_wait3A_1088 : memref<1x160x64xf32, #tpu.memory_space<vmem>> -> memref<160x64xf32, #tpu.memory_space<vmem>>
      tpu.wait_dma2 semaphore(%dma_wait3A_1080 : memref<!tpu.dma_semaphore, #tpu.memory_space<semaphore_mem>>) src(%dma_wait3A_1089 : memref<160x64xf32, #tpu.memory_space<vmem>>) dst(%dma_wait3A_1085 : memref<160x64xf32, #tpu.memory_space<hbm>>)
      %lt3A_1090 = arith.constant 80 : i32
      %lt3A_1091 = arith.cmpi slt, %add3A_1040, %lt3A_1090 : i32
      %convert_element_type3A_1092 = arith.extui %lt3A_1091 : i1 to i32
      %cond3A_1093 = arith.constant 0 : i32
      %cond3A_1094 = arith.cmpi ne, %convert_element_type3A_1092, %cond3A_1093 : i32
      scf.if %cond3A_1094 {
        %mul3A_1231 = arith.constant 160 : i32
        %mul3A_1232 = arith.muli %add3A_1040, %mul3A_1231 : i32
        %dma_start3A_1233 = arith.constant 0 : i32
        %dma_start3A_1234 = arith.constant 0 : i32
        %dma_start3A_1235 = arith.constant 0 : i32
        %dma_start3A_1236 = arith.constant 0 : i32
        %dma_start3A_1237 = tpu.memref_slice %arg12[%dma_start3A_1233, %dma_start3A_1235, %dma_start3A_1236] : memref<4x160x64xf32, #tpu.memory_space<vmem>> -> memref<1x160x64xf32, #tpu.memory_space<vmem>>
        %dma_start3A_1238 = tpu.memref_squeeze %dma_start3A_1237 : memref<1x160x64xf32, #tpu.memory_space<vmem>> -> memref<160x64xf32, #tpu.memory_space<vmem>>
        %dma_start3A_1239 = tpu.memref_slice %arg10[%mul3A_1232] : memref<12800xi32, #tpu.memory_space<vmem>> -> memref<160xi32, #tpu.memory_space<vmem>>
        %dma_start3A_1240 = arith.constant 0 : i32
        %dma_start3A_1241 = arith.constant 0 : i32
        %dma_start3A_1242 = tpu.memref_slice %arg7[%dma_start3A_1240, %dma_start3A_1241] : memref<1024x64xf32, #tpu.memory_space<hbm>> -> memref<1024x64xf32, #tpu.memory_space<hbm>>
        %dma_start3A_1243 = tpu.memref_slice %arg16[%dma_start3A_1234] : memref<4x!tpu.dma_semaphore, #tpu.memory_space<semaphore_mem>> -> memref<1x!tpu.dma_semaphore, #tpu.memory_space<semaphore_mem>>
        %dma_start3A_1244 = tpu.memref_squeeze %dma_start3A_1243 : memref<1x!tpu.dma_semaphore, #tpu.memory_space<semaphore_mem>> -> memref<!tpu.dma_semaphore, #tpu.memory_space<semaphore_mem>>
        tpu.enqueue_indirect_dma source(%dma_start3A_1242 : memref<1024x64xf32, #tpu.memory_space<hbm>>) target(%dma_start3A_1238 : memref<160x64xf32, #tpu.memory_space<vmem>>) offsets(%dma_start3A_1239 : memref<160xi32, #tpu.memory_space<vmem>>) semaphore(%dma_start3A_1244 : memref<!tpu.dma_semaphore, #tpu.memory_space<semaphore_mem>>)
        %mul3A_1245 = arith.constant 160 : i32
        %mul3A_1246 = arith.muli %add3A_1040, %mul3A_1245 : i32
        %dma_start3A_1247 = arith.constant 0 : i32
        %dma_start3A_1248 = arith.constant 0 : i32
        %dma_start3A_1249 = arith.constant 0 : i32
        %dma_start3A_1250 = arith.constant 0 : i32
        %dma_start3A_1251 = tpu.memref_slice %arg13[%dma_start3A_1247, %dma_start3A_1249, %dma_start3A_1250] : memref<4x160x64xf32, #tpu.memory_space<vmem>> -> memref<1x160x64xf32, #tpu.memory_space<vmem>>
        %dma_start3A_1252 = tpu.memref_squeeze %dma_start3A_1251 : memref<1x160x64xf32, #tpu.memory_space<vmem>> -> memref<160x64xf32, #tpu.memory_space<vmem>>
        %dma_start3A_1253 = tpu.memref_slice %arg11[%mul3A_1246] : memref<12800xi32, #tpu.memory_space<vmem>> -> memref<160xi32, #tpu.memory_space<vmem>>
        %dma_start3A_1254 = arith.constant 0 : i32
        %dma_start3A_1255 = arith.constant 0 : i32
        %dma_start3A_1256 = tpu.memref_slice %arg7[%dma_start3A_1254, %dma_start3A_1255] : memref<1024x64xf32, #tpu.memory_space<hbm>> -> memref<1024x64xf32, #tpu.memory_space<hbm>>
        %dma_start3A_1257 = tpu.memref_slice %arg16[%dma_start3A_1248] : memref<4x!tpu.dma_semaphore, #tpu.memory_space<semaphore_mem>> -> memref<1x!tpu.dma_semaphore, #tpu.memory_space<semaphore_mem>>
        %dma_start3A_1258 = tpu.memref_squeeze %dma_start3A_1257 : memref<1x!tpu.dma_semaphore, #tpu.memory_space<semaphore_mem>> -> memref<!tpu.dma_semaphore, #tpu.memory_space<semaphore_mem>>
        tpu.enqueue_indirect_dma source(%dma_start3A_1256 : memref<1024x64xf32, #tpu.memory_space<hbm>>) target(%dma_start3A_1252 : memref<160x64xf32, #tpu.memory_space<vmem>>) offsets(%dma_start3A_1253 : memref<160xi32, #tpu.memory_space<vmem>>) semaphore(%dma_start3A_1258 : memref<!tpu.dma_semaphore, #tpu.memory_space<semaphore_mem>>)
      } else {
      }
      %mul3A_1095 = arith.constant 4 : i32
      %mul3A_1096 = arith.muli %scan3A_692, %mul3A_1095 : i32
      %add3A_1097 = arith.constant 3 : i32
      %add3A_1098 = arith.addi %mul3A_1096, %add3A_1097 : i32
      %mul3A_1099 = arith.constant 160 : i32
      %mul3A_1100 = arith.muli %add3A_1098, %mul3A_1099 : i32
      %dma_wait3A_1101 = arith.constant 3 : i32
      %dma_wait3A_1102 = arith.constant 3 : i32
      %dma_wait3A_1103 = arith.constant 0 : i32
      %dma_wait3A_1104 = arith.constant 0 : i32
      %dma_wait3A_1105 = tpu.memref_slice %arg12[%dma_wait3A_1101, %dma_wait3A_1103, %dma_wait3A_1104] : memref<4x160x64xf32, #tpu.memory_space<vmem>> -> memref<1x160x64xf32, #tpu.memory_space<vmem>>
      %dma_wait3A_1106 = tpu.memref_squeeze %dma_wait3A_1105 : memref<1x160x64xf32, #tpu.memory_space<vmem>> -> memref<160x64xf32, #tpu.memory_space<vmem>>
      %dma_wait3A_1107 = tpu.memref_slice %arg10[%mul3A_1100] : memref<12800xi32, #tpu.memory_space<vmem>> -> memref<160xi32, #tpu.memory_space<vmem>>
      %dma_wait3A_1108 = arith.constant 0 : i32
      %dma_wait3A_1109 = arith.constant 0 : i32
      %dma_wait3A_1110 = tpu.memref_slice %arg7[%dma_wait3A_1108, %dma_wait3A_1109] : memref<1024x64xf32, #tpu.memory_space<hbm>> -> memref<1024x64xf32, #tpu.memory_space<hbm>>
      %dma_wait3A_1111 = tpu.memref_slice %arg16[%dma_wait3A_1102] : memref<4x!tpu.dma_semaphore, #tpu.memory_space<semaphore_mem>> -> memref<1x!tpu.dma_semaphore, #tpu.memory_space<semaphore_mem>>
      %dma_wait3A_1112 = tpu.memref_squeeze %dma_wait3A_1111 : memref<1x!tpu.dma_semaphore, #tpu.memory_space<semaphore_mem>> -> memref<!tpu.dma_semaphore, #tpu.memory_space<semaphore_mem>>
      tpu.wait_indirect_dma semaphore(%dma_wait3A_1112 : memref<!tpu.dma_semaphore, #tpu.memory_space<semaphore_mem>>) src(%dma_wait3A_1110 : memref<1024x64xf32, #tpu.memory_space<hbm>>) dst(%dma_wait3A_1106 : memref<160x64xf32, #tpu.memory_space<vmem>>)
      %mul3A_1113 = arith.constant 160 : i32
      %mul3A_1114 = arith.muli %add3A_1098, %mul3A_1113 : i32
      %dma_wait3A_1115 = arith.constant 3 : i32
      %dma_wait3A_1116 = arith.constant 3 : i32
      %dma_wait3A_1117 = arith.constant 0 : i32
      %dma_wait3A_1118 = arith.constant 0 : i32
      %dma_wait3A_1119 = tpu.memref_slice %arg13[%dma_wait3A_1115, %dma_wait3A_1117, %dma_wait3A_1118] : memref<4x160x64xf32, #tpu.memory_space<vmem>> -> memref<1x160x64xf32, #tpu.memory_space<vmem>>
      %dma_wait3A_1120 = tpu.memref_squeeze %dma_wait3A_1119 : memref<1x160x64xf32, #tpu.memory_space<vmem>> -> memref<160x64xf32, #tpu.memory_space<vmem>>
      %dma_wait3A_1121 = tpu.memref_slice %arg11[%mul3A_1114] : memref<12800xi32, #tpu.memory_space<vmem>> -> memref<160xi32, #tpu.memory_space<vmem>>
      %dma_wait3A_1122 = arith.constant 0 : i32
      %dma_wait3A_1123 = arith.constant 0 : i32
      %dma_wait3A_1124 = tpu.memref_slice %arg7[%dma_wait3A_1122, %dma_wait3A_1123] : memref<1024x64xf32, #tpu.memory_space<hbm>> -> memref<1024x64xf32, #tpu.memory_space<hbm>>
      %dma_wait3A_1125 = tpu.memref_slice %arg16[%dma_wait3A_1116] : memref<4x!tpu.dma_semaphore, #tpu.memory_space<semaphore_mem>> -> memref<1x!tpu.dma_semaphore, #tpu.memory_space<semaphore_mem>>
      %dma_wait3A_1126 = tpu.memref_squeeze %dma_wait3A_1125 : memref<1x!tpu.dma_semaphore, #tpu.memory_space<semaphore_mem>> -> memref<!tpu.dma_semaphore, #tpu.memory_space<semaphore_mem>>
      tpu.wait_indirect_dma semaphore(%dma_wait3A_1126 : memref<!tpu.dma_semaphore, #tpu.memory_space<semaphore_mem>>) src(%dma_wait3A_1124 : memref<1024x64xf32, #tpu.memory_space<hbm>>) dst(%dma_wait3A_1120 : memref<160x64xf32, #tpu.memory_space<vmem>>)
      %mul3A_1127 = arith.constant 160 : i32
      %mul3A_1128 = arith.muli %add3A_1098, %mul3A_1127 : i32
      %add3A_1129 = arith.addi %mul3A_2, %mul3A_1128 : i32
      %dma_start3A_1130 = arith.constant 3 : i32
      %dma_start3A_1131 = arith.constant 3 : i32
      %dma_start3A_1132 = arith.constant 0 : i32
      %dma_start3A_1133 = arith.constant 0 : i32
      %dma_start3A_1134 = tpu.memref_slice %arg12[%dma_start3A_1130, %dma_start3A_1132, %dma_start3A_1133] : memref<4x160x64xf32, #tpu.memory_space<vmem>> -> memref<1x160x64xf32, #tpu.memory_space<vmem>>
      %dma_start3A_1135 = tpu.memref_squeeze %dma_start3A_1134 : memref<1x160x64xf32, #tpu.memory_space<vmem>> -> memref<160x64xf32, #tpu.memory_space<vmem>>
      %dma_start3A_1136 = arith.constant 0 : i32
      %dma_start3A_1137 = tpu.memref_slice %arg6[%add3A_1129, %dma_start3A_1136] : memref<409600x128xf32, #tpu.memory_space<hbm>> -> memref<160x128xf32, #tpu.memory_space<hbm>>
      %dma_start3A_1138 = arith.constant 0 : i32
      %dma_start3A_1139 = arith.constant 0 : i32
      %dma_start3A_1140 = tpu.memref_slice %dma_start3A_1137[%dma_start3A_1138, %dma_start3A_1139] : memref<160x128xf32, #tpu.memory_space<hbm>> -> memref<160x64xf32, #tpu.memory_space<hbm>>
      %dma_start3A_1141 = tpu.memref_slice %arg17[%dma_start3A_1131] : memref<4x!tpu.dma_semaphore, #tpu.memory_space<semaphore_mem>> -> memref<1x!tpu.dma_semaphore, #tpu.memory_space<semaphore_mem>>
      %dma_start3A_1142 = tpu.memref_squeeze %dma_start3A_1141 : memref<1x!tpu.dma_semaphore, #tpu.memory_space<semaphore_mem>> -> memref<!tpu.dma_semaphore, #tpu.memory_space<semaphore_mem>>
      %dma_start3A_1143 = arith.constant 0 : i32
      %dma_start3A_1144 = tpu.memref_slice %arg6[%add3A_1129, %dma_start3A_1143] : memref<409600x128xf32, #tpu.memory_space<hbm>> -> memref<160x128xf32, #tpu.memory_space<hbm>>
      %dma_start3A_1145 = arith.constant 0 : i32
      %dma_start3A_1146 = arith.constant 0 : i32
      %dma_start3A_1147 = tpu.memref_slice %dma_start3A_1144[%dma_start3A_1145, %dma_start3A_1146] : memref<160x128xf32, #tpu.memory_space<hbm>> -> memref<160x64xf32, #tpu.memory_space<hbm>>
      %dma_start3A_1148 = arith.constant 0 : i32
      %dma_start3A_1149 = arith.constant 0 : i32
      %dma_start3A_1150 = tpu.memref_slice %arg12[%dma_start3A_1130, %dma_start3A_1148, %dma_start3A_1149] : memref<4x160x64xf32, #tpu.memory_space<vmem>> -> memref<1x160x64xf32, #tpu.memory_space<vmem>>
      %dma_start3A_1151 = tpu.memref_squeeze %dma_start3A_1150 : memref<1x160x64xf32, #tpu.memory_space<vmem>> -> memref<160x64xf32, #tpu.memory_space<vmem>>
      tpu.enqueue_dma source(%dma_start3A_1151 : memref<160x64xf32, #tpu.memory_space<vmem>>) target(%dma_start3A_1147 : memref<160x64xf32, #tpu.memory_space<hbm>>) target_semaphore(%dma_start3A_1142 : memref<!tpu.dma_semaphore, #tpu.memory_space<semaphore_mem>>)
      %dma_start3A_1152 = arith.constant 3 : i32
      %dma_start3A_1153 = arith.constant 3 : i32
      %dma_start3A_1154 = arith.constant 0 : i32
      %dma_start3A_1155 = arith.constant 0 : i32
      %dma_start3A_1156 = tpu.memref_slice %arg13[%dma_start3A_1152, %dma_start3A_1154, %dma_start3A_1155] : memref<4x160x64xf32, #tpu.memory_space<vmem>> -> memref<1x160x64xf32, #tpu.memory_space<vmem>>
      %dma_start3A_1157 = tpu.memref_squeeze %dma_start3A_1156 : memref<1x160x64xf32, #tpu.memory_space<vmem>> -> memref<160x64xf32, #tpu.memory_space<vmem>>
      %dma_start3A_1158 = arith.constant 0 : i32
      %dma_start3A_1159 = tpu.memref_slice %arg6[%add3A_1129, %dma_start3A_1158] : memref<409600x128xf32, #tpu.memory_space<hbm>> -> memref<160x128xf32, #tpu.memory_space<hbm>>
      %dma_start3A_1160 = arith.constant 0 : i32
      %dma_start3A_1161 = arith.constant 64 : i32
      %dma_start3A_1162 = tpu.memref_slice %dma_start3A_1159[%dma_start3A_1160, %dma_start3A_1161] : memref<160x128xf32, #tpu.memory_space<hbm>> -> memref<160x64xf32, #tpu.memory_space<hbm>>
      %dma_start3A_1163 = tpu.memref_slice %arg17[%dma_start3A_1153] : memref<4x!tpu.dma_semaphore, #tpu.memory_space<semaphore_mem>> -> memref<1x!tpu.dma_semaphore, #tpu.memory_space<semaphore_mem>>
      %dma_start3A_1164 = tpu.memref_squeeze %dma_start3A_1163 : memref<1x!tpu.dma_semaphore, #tpu.memory_space<semaphore_mem>> -> memref<!tpu.dma_semaphore, #tpu.memory_space<semaphore_mem>>
      %dma_start3A_1165 = arith.constant 0 : i32
      %dma_start3A_1166 = tpu.memref_slice %arg6[%add3A_1129, %dma_start3A_1165] : memref<409600x128xf32, #tpu.memory_space<hbm>> -> memref<160x128xf32, #tpu.memory_space<hbm>>
      %dma_start3A_1167 = arith.constant 0 : i32
      %dma_start3A_1168 = arith.constant 64 : i32
      %dma_start3A_1169 = tpu.memref_slice %dma_start3A_1166[%dma_start3A_1167, %dma_start3A_1168] : memref<160x128xf32, #tpu.memory_space<hbm>> -> memref<160x64xf32, #tpu.memory_space<hbm>>
      %dma_start3A_1170 = arith.constant 0 : i32
      %dma_start3A_1171 = arith.constant 0 : i32
      %dma_start3A_1172 = tpu.memref_slice %arg13[%dma_start3A_1152, %dma_start3A_1170, %dma_start3A_1171] : memref<4x160x64xf32, #tpu.memory_space<vmem>> -> memref<1x160x64xf32, #tpu.memory_space<vmem>>
      %dma_start3A_1173 = tpu.memref_squeeze %dma_start3A_1172 : memref<1x160x64xf32, #tpu.memory_space<vmem>> -> memref<160x64xf32, #tpu.memory_space<vmem>>
      tpu.enqueue_dma source(%dma_start3A_1173 : memref<160x64xf32, #tpu.memory_space<vmem>>) target(%dma_start3A_1169 : memref<160x64xf32, #tpu.memory_space<hbm>>) target_semaphore(%dma_start3A_1164 : memref<!tpu.dma_semaphore, #tpu.memory_space<semaphore_mem>>)
      %add3A_1174 = arith.constant 2 : i32
      %add3A_1175 = arith.addi %add3A_1098, %add3A_1174 : i32
      %sub3A_1176 = arith.constant 4 : i32
      %sub3A_1177 = arith.subi %add3A_1175, %sub3A_1176 : i32
      %mul3A_1178 = arith.constant 160 : i32
      %mul3A_1179 = arith.muli %sub3A_1177, %mul3A_1178 : i32
      %add3A_1180 = arith.addi %mul3A_2, %mul3A_1179 : i32
      %dma_wait3A_1181 = arith.constant 1 : i32
      %dma_wait3A_1182 = arith.constant 1 : i32
      %dma_wait3A_1183 = arith.constant 0 : i32
      %dma_wait3A_1184 = arith.constant 0 : i32
      %dma_wait3A_1185 = tpu.memref_slice %arg12[%dma_wait3A_1181, %dma_wait3A_1183, %dma_wait3A_1184] : memref<4x160x64xf32, #tpu.memory_space<vmem>> -> memref<1x160x64xf32, #tpu.memory_space<vmem>>
      %dma_wait3A_1186 = tpu.memref_squeeze %dma_wait3A_1185 : memref<1x160x64xf32, #tpu.memory_space<vmem>> -> memref<160x64xf32, #tpu.memory_space<vmem>>
      %dma_wait3A_1187 = arith.constant 0 : i32
      %dma_wait3A_1188 = tpu.memref_slice %arg6[%add3A_1180, %dma_wait3A_1187] : memref<409600x128xf32, #tpu.memory_space<hbm>> -> memref<160x128xf32, #tpu.memory_space<hbm>>
      %dma_wait3A_1189 = arith.constant 0 : i32
      %dma_wait3A_1190 = arith.constant 0 : i32
      %dma_wait3A_1191 = tpu.memref_slice %dma_wait3A_1188[%dma_wait3A_1189, %dma_wait3A_1190] : memref<160x128xf32, #tpu.memory_space<hbm>> -> memref<160x64xf32, #tpu.memory_space<hbm>>
      %dma_wait3A_1192 = tpu.memref_slice %arg17[%dma_wait3A_1182] : memref<4x!tpu.dma_semaphore, #tpu.memory_space<semaphore_mem>> -> memref<1x!tpu.dma_semaphore, #tpu.memory_space<semaphore_mem>>
      %dma_wait3A_1193 = tpu.memref_squeeze %dma_wait3A_1192 : memref<1x!tpu.dma_semaphore, #tpu.memory_space<semaphore_mem>> -> memref<!tpu.dma_semaphore, #tpu.memory_space<semaphore_mem>>
      %dma_wait3A_1194 = arith.constant 0 : i32
      %dma_wait3A_1195 = tpu.memref_slice %arg6[%add3A_1180, %dma_wait3A_1194] : memref<409600x128xf32, #tpu.memory_space<hbm>> -> memref<160x128xf32, #tpu.memory_space<hbm>>
      %dma_wait3A_1196 = arith.constant 0 : i32
      %dma_wait3A_1197 = arith.constant 0 : i32
      %dma_wait3A_1198 = tpu.memref_slice %dma_wait3A_1195[%dma_wait3A_1196, %dma_wait3A_1197] : memref<160x128xf32, #tpu.memory_space<hbm>> -> memref<160x64xf32, #tpu.memory_space<hbm>>
      %dma_wait3A_1199 = arith.constant 0 : i32
      %dma_wait3A_1200 = arith.constant 0 : i32
      %dma_wait3A_1201 = tpu.memref_slice %arg12[%dma_wait3A_1181, %dma_wait3A_1199, %dma_wait3A_1200] : memref<4x160x64xf32, #tpu.memory_space<vmem>> -> memref<1x160x64xf32, #tpu.memory_space<vmem>>
      %dma_wait3A_1202 = tpu.memref_squeeze %dma_wait3A_1201 : memref<1x160x64xf32, #tpu.memory_space<vmem>> -> memref<160x64xf32, #tpu.memory_space<vmem>>
      tpu.wait_dma2 semaphore(%dma_wait3A_1193 : memref<!tpu.dma_semaphore, #tpu.memory_space<semaphore_mem>>) src(%dma_wait3A_1202 : memref<160x64xf32, #tpu.memory_space<vmem>>) dst(%dma_wait3A_1198 : memref<160x64xf32, #tpu.memory_space<hbm>>)
      %dma_wait3A_1203 = arith.constant 1 : i32
      %dma_wait3A_1204 = arith.constant 1 : i32
      %dma_wait3A_1205 = arith.constant 0 : i32
      %dma_wait3A_1206 = arith.constant 0 : i32
      %dma_wait3A_1207 = tpu.memref_slice %arg13[%dma_wait3A_1203, %dma_wait3A_1205, %dma_wait3A_1206] : memref<4x160x64xf32, #tpu.memory_space<vmem>> -> memref<1x160x64xf32, #tpu.memory_space<vmem>>
      %dma_wait3A_1208 = tpu.memref_squeeze %dma_wait3A_1207 : memref<1x160x64xf32, #tpu.memory_space<vmem>> -> memref<160x64xf32, #tpu.memory_space<vmem>>
      %dma_wait3A_1209 = arith.constant 0 : i32
      %dma_wait3A_1210 = tpu.memref_slice %arg6[%add3A_1180, %dma_wait3A_1209] : memref<409600x128xf32, #tpu.memory_space<hbm>> -> memref<160x128xf32, #tpu.memory_space<hbm>>
      %dma_wait3A_1211 = arith.constant 0 : i32
      %dma_wait3A_1212 = arith.constant 64 : i32
      %dma_wait3A_1213 = tpu.memref_slice %dma_wait3A_1210[%dma_wait3A_1211, %dma_wait3A_1212] : memref<160x128xf32, #tpu.memory_space<hbm>> -> memref<160x64xf32, #tpu.memory_space<hbm>>
      %dma_wait3A_1214 = tpu.memref_slice %arg17[%dma_wait3A_1204] : memref<4x!tpu.dma_semaphore, #tpu.memory_space<semaphore_mem>> -> memref<1x!tpu.dma_semaphore, #tpu.memory_space<semaphore_mem>>
      %dma_wait3A_1215 = tpu.memref_squeeze %dma_wait3A_1214 : memref<1x!tpu.dma_semaphore, #tpu.memory_space<semaphore_mem>> -> memref<!tpu.dma_semaphore, #tpu.memory_space<semaphore_mem>>
      %dma_wait3A_1216 = arith.constant 0 : i32
      %dma_wait3A_1217 = tpu.memref_slice %arg6[%add3A_1180, %dma_wait3A_1216] : memref<409600x128xf32, #tpu.memory_space<hbm>> -> memref<160x128xf32, #tpu.memory_space<hbm>>
      %dma_wait3A_1218 = arith.constant 0 : i32
      %dma_wait3A_1219 = arith.constant 64 : i32
      %dma_wait3A_1220 = tpu.memref_slice %dma_wait3A_1217[%dma_wait3A_1218, %dma_wait3A_1219] : memref<160x128xf32, #tpu.memory_space<hbm>> -> memref<160x64xf32, #tpu.memory_space<hbm>>
      %dma_wait3A_1221 = arith.constant 0 : i32
      %dma_wait3A_1222 = arith.constant 0 : i32
      %dma_wait3A_1223 = tpu.memref_slice %arg13[%dma_wait3A_1203, %dma_wait3A_1221, %dma_wait3A_1222] : memref<4x160x64xf32, #tpu.memory_space<vmem>> -> memref<1x160x64xf32, #tpu.memory_space<vmem>>
      %dma_wait3A_1224 = tpu.memref_squeeze %dma_wait3A_1223 : memref<1x160x64xf32, #tpu.memory_space<vmem>> -> memref<160x64xf32, #tpu.memory_space<vmem>>
      tpu.wait_dma2 semaphore(%dma_wait3A_1215 : memref<!tpu.dma_semaphore, #tpu.memory_space<semaphore_mem>>) src(%dma_wait3A_1224 : memref<160x64xf32, #tpu.memory_space<vmem>>) dst(%dma_wait3A_1220 : memref<160x64xf32, #tpu.memory_space<hbm>>)
      %lt3A_1225 = arith.constant 80 : i32
      %lt3A_1226 = arith.cmpi slt, %add3A_1175, %lt3A_1225 : i32
      %convert_element_type3A_1227 = arith.extui %lt3A_1226 : i1 to i32
      %cond3A_1228 = arith.constant 0 : i32
      %cond3A_1229 = arith.cmpi ne, %convert_element_type3A_1227, %cond3A_1228 : i32
      scf.if %cond3A_1229 {
        %mul3A_1231 = arith.constant 160 : i32
        %mul3A_1232 = arith.muli %add3A_1175, %mul3A_1231 : i32
        %dma_start3A_1233 = arith.constant 1 : i32
        %dma_start3A_1234 = arith.constant 1 : i32
        %dma_start3A_1235 = arith.constant 0 : i32
        %dma_start3A_1236 = arith.constant 0 : i32
        %dma_start3A_1237 = tpu.memref_slice %arg12[%dma_start3A_1233, %dma_start3A_1235, %dma_start3A_1236] : memref<4x160x64xf32, #tpu.memory_space<vmem>> -> memref<1x160x64xf32, #tpu.memory_space<vmem>>
        %dma_start3A_1238 = tpu.memref_squeeze %dma_start3A_1237 : memref<1x160x64xf32, #tpu.memory_space<vmem>> -> memref<160x64xf32, #tpu.memory_space<vmem>>
        %dma_start3A_1239 = tpu.memref_slice %arg10[%mul3A_1232] : memref<12800xi32, #tpu.memory_space<vmem>> -> memref<160xi32, #tpu.memory_space<vmem>>
        %dma_start3A_1240 = arith.constant 0 : i32
        %dma_start3A_1241 = arith.constant 0 : i32
        %dma_start3A_1242 = tpu.memref_slice %arg7[%dma_start3A_1240, %dma_start3A_1241] : memref<1024x64xf32, #tpu.memory_space<hbm>> -> memref<1024x64xf32, #tpu.memory_space<hbm>>
        %dma_start3A_1243 = tpu.memref_slice %arg16[%dma_start3A_1234] : memref<4x!tpu.dma_semaphore, #tpu.memory_space<semaphore_mem>> -> memref<1x!tpu.dma_semaphore, #tpu.memory_space<semaphore_mem>>
        %dma_start3A_1244 = tpu.memref_squeeze %dma_start3A_1243 : memref<1x!tpu.dma_semaphore, #tpu.memory_space<semaphore_mem>> -> memref<!tpu.dma_semaphore, #tpu.memory_space<semaphore_mem>>
        tpu.enqueue_indirect_dma source(%dma_start3A_1242 : memref<1024x64xf32, #tpu.memory_space<hbm>>) target(%dma_start3A_1238 : memref<160x64xf32, #tpu.memory_space<vmem>>) offsets(%dma_start3A_1239 : memref<160xi32, #tpu.memory_space<vmem>>) semaphore(%dma_start3A_1244 : memref<!tpu.dma_semaphore, #tpu.memory_space<semaphore_mem>>)
        %mul3A_1245 = arith.constant 160 : i32
        %mul3A_1246 = arith.muli %add3A_1175, %mul3A_1245 : i32
        %dma_start3A_1247 = arith.constant 1 : i32
        %dma_start3A_1248 = arith.constant 1 : i32
        %dma_start3A_1249 = arith.constant 0 : i32
        %dma_start3A_1250 = arith.constant 0 : i32
        %dma_start3A_1251 = tpu.memref_slice %arg13[%dma_start3A_1247, %dma_start3A_1249, %dma_start3A_1250] : memref<4x160x64xf32, #tpu.memory_space<vmem>> -> memref<1x160x64xf32, #tpu.memory_space<vmem>>
        %dma_start3A_1252 = tpu.memref_squeeze %dma_start3A_1251 : memref<1x160x64xf32, #tpu.memory_space<vmem>> -> memref<160x64xf32, #tpu.memory_space<vmem>>
        %dma_start3A_1253 = tpu.memref_slice %arg11[%mul3A_1246] : memref<12800xi32, #tpu.memory_space<vmem>> -> memref<160xi32, #tpu.memory_space<vmem>>
        %dma_start3A_1254 = arith.constant 0 : i32
        %dma_start3A_1255 = arith.constant 0 : i32
        %dma_start3A_1256 = tpu.memref_slice %arg7[%dma_start3A_1254, %dma_start3A_1255] : memref<1024x64xf32, #tpu.memory_space<hbm>> -> memref<1024x64xf32, #tpu.memory_space<hbm>>
        %dma_start3A_1257 = tpu.memref_slice %arg16[%dma_start3A_1248] : memref<4x!tpu.dma_semaphore, #tpu.memory_space<semaphore_mem>> -> memref<1x!tpu.dma_semaphore, #tpu.memory_space<semaphore_mem>>
        %dma_start3A_1258 = tpu.memref_squeeze %dma_start3A_1257 : memref<1x!tpu.dma_semaphore, #tpu.memory_space<semaphore_mem>> -> memref<!tpu.dma_semaphore, #tpu.memory_space<semaphore_mem>>
        tpu.enqueue_indirect_dma source(%dma_start3A_1256 : memref<1024x64xf32, #tpu.memory_space<hbm>>) target(%dma_start3A_1252 : memref<160x64xf32, #tpu.memory_space<vmem>>) offsets(%dma_start3A_1253 : memref<160xi32, #tpu.memory_space<vmem>>) semaphore(%dma_start3A_1258 : memref<!tpu.dma_semaphore, #tpu.memory_space<semaphore_mem>>)
      } else {
      }
      %scan3A_1230 = arith.constant 0 : i32
      scf.yield %scan3A_1230 : i32
    }
    %scan3A_599 = arith.constant 19 : i32
    %add3A_600 = arith.constant 12480 : i32
    %add3A_601 = arith.addi %mul3A_2, %add3A_600 : i32
    %dma_wait3A_602 = arith.constant 2 : i32
    %dma_wait3A_603 = arith.constant 2 : i32
    %dma_wait3A_604 = arith.constant 0 : i32
    %dma_wait3A_605 = arith.constant 0 : i32
    %dma_wait3A_606 = tpu.memref_slice %arg12[%dma_wait3A_602, %dma_wait3A_604, %dma_wait3A_605] : memref<4x160x64xf32, #tpu.memory_space<vmem>> -> memref<1x160x64xf32, #tpu.memory_space<vmem>>
    %dma_wait3A_607 = tpu.memref_squeeze %dma_wait3A_606 : memref<1x160x64xf32, #tpu.memory_space<vmem>> -> memref<160x64xf32, #tpu.memory_space<vmem>>
    %dma_wait3A_608 = arith.constant 0 : i32
    %dma_wait3A_609 = tpu.memref_slice %arg6[%add3A_601, %dma_wait3A_608] : memref<409600x128xf32, #tpu.memory_space<hbm>> -> memref<160x128xf32, #tpu.memory_space<hbm>>
    %dma_wait3A_610 = arith.constant 0 : i32
    %dma_wait3A_611 = arith.constant 0 : i32
    %dma_wait3A_612 = tpu.memref_slice %dma_wait3A_609[%dma_wait3A_610, %dma_wait3A_611] : memref<160x128xf32, #tpu.memory_space<hbm>> -> memref<160x64xf32, #tpu.memory_space<hbm>>
    %dma_wait3A_613 = tpu.memref_slice %arg17[%dma_wait3A_603] : memref<4x!tpu.dma_semaphore, #tpu.memory_space<semaphore_mem>> -> memref<1x!tpu.dma_semaphore, #tpu.memory_space<semaphore_mem>>
    %dma_wait3A_614 = tpu.memref_squeeze %dma_wait3A_613 : memref<1x!tpu.dma_semaphore, #tpu.memory_space<semaphore_mem>> -> memref<!tpu.dma_semaphore, #tpu.memory_space<semaphore_mem>>
    %dma_wait3A_615 = arith.constant 0 : i32
    %dma_wait3A_616 = tpu.memref_slice %arg6[%add3A_601, %dma_wait3A_615] : memref<409600x128xf32, #tpu.memory_space<hbm>> -> memref<160x128xf32, #tpu.memory_space<hbm>>
    %dma_wait3A_617 = arith.constant 0 : i32
    %dma_wait3A_618 = arith.constant 0 : i32
    %dma_wait3A_619 = tpu.memref_slice %dma_wait3A_616[%dma_wait3A_617, %dma_wait3A_618] : memref<160x128xf32, #tpu.memory_space<hbm>> -> memref<160x64xf32, #tpu.memory_space<hbm>>
    %dma_wait3A_620 = arith.constant 0 : i32
    %dma_wait3A_621 = arith.constant 0 : i32
    %dma_wait3A_622 = tpu.memref_slice %arg12[%dma_wait3A_602, %dma_wait3A_620, %dma_wait3A_621] : memref<4x160x64xf32, #tpu.memory_space<vmem>> -> memref<1x160x64xf32, #tpu.memory_space<vmem>>
    %dma_wait3A_623 = tpu.memref_squeeze %dma_wait3A_622 : memref<1x160x64xf32, #tpu.memory_space<vmem>> -> memref<160x64xf32, #tpu.memory_space<vmem>>
    tpu.wait_dma2 semaphore(%dma_wait3A_614 : memref<!tpu.dma_semaphore, #tpu.memory_space<semaphore_mem>>) src(%dma_wait3A_623 : memref<160x64xf32, #tpu.memory_space<vmem>>) dst(%dma_wait3A_619 : memref<160x64xf32, #tpu.memory_space<hbm>>)
    %dma_wait3A_624 = arith.constant 2 : i32
    %dma_wait3A_625 = arith.constant 2 : i32
    %dma_wait3A_626 = arith.constant 0 : i32
    %dma_wait3A_627 = arith.constant 0 : i32
    %dma_wait3A_628 = tpu.memref_slice %arg13[%dma_wait3A_624, %dma_wait3A_626, %dma_wait3A_627] : memref<4x160x64xf32, #tpu.memory_space<vmem>> -> memref<1x160x64xf32, #tpu.memory_space<vmem>>
    %dma_wait3A_629 = tpu.memref_squeeze %dma_wait3A_628 : memref<1x160x64xf32, #tpu.memory_space<vmem>> -> memref<160x64xf32, #tpu.memory_space<vmem>>
    %dma_wait3A_630 = arith.constant 0 : i32
    %dma_wait3A_631 = tpu.memref_slice %arg6[%add3A_601, %dma_wait3A_630] : memref<409600x128xf32, #tpu.memory_space<hbm>> -> memref<160x128xf32, #tpu.memory_space<hbm>>
    %dma_wait3A_632 = arith.constant 0 : i32
    %dma_wait3A_633 = arith.constant 64 : i32
    %dma_wait3A_634 = tpu.memref_slice %dma_wait3A_631[%dma_wait3A_632, %dma_wait3A_633] : memref<160x128xf32, #tpu.memory_space<hbm>> -> memref<160x64xf32, #tpu.memory_space<hbm>>
    %dma_wait3A_635 = tpu.memref_slice %arg17[%dma_wait3A_625] : memref<4x!tpu.dma_semaphore, #tpu.memory_space<semaphore_mem>> -> memref<1x!tpu.dma_semaphore, #tpu.memory_space<semaphore_mem>>
    %dma_wait3A_636 = tpu.memref_squeeze %dma_wait3A_635 : memref<1x!tpu.dma_semaphore, #tpu.memory_space<semaphore_mem>> -> memref<!tpu.dma_semaphore, #tpu.memory_space<semaphore_mem>>
    %dma_wait3A_637 = arith.constant 0 : i32
    %dma_wait3A_638 = tpu.memref_slice %arg6[%add3A_601, %dma_wait3A_637] : memref<409600x128xf32, #tpu.memory_space<hbm>> -> memref<160x128xf32, #tpu.memory_space<hbm>>
    %dma_wait3A_639 = arith.constant 0 : i32
    %dma_wait3A_640 = arith.constant 64 : i32
    %dma_wait3A_641 = tpu.memref_slice %dma_wait3A_638[%dma_wait3A_639, %dma_wait3A_640] : memref<160x128xf32, #tpu.memory_space<hbm>> -> memref<160x64xf32, #tpu.memory_space<hbm>>
    %dma_wait3A_642 = arith.constant 0 : i32
    %dma_wait3A_643 = arith.constant 0 : i32
    %dma_wait3A_644 = tpu.memref_slice %arg13[%dma_wait3A_624, %dma_wait3A_642, %dma_wait3A_643] : memref<4x160x64xf32, #tpu.memory_space<vmem>> -> memref<1x160x64xf32, #tpu.memory_space<vmem>>
    %dma_wait3A_645 = tpu.memref_squeeze %dma_wait3A_644 : memref<1x160x64xf32, #tpu.memory_space<vmem>> -> memref<160x64xf32, #tpu.memory_space<vmem>>
    tpu.wait_dma2 semaphore(%dma_wait3A_636 : memref<!tpu.dma_semaphore, #tpu.memory_space<semaphore_mem>>) src(%dma_wait3A_645 : memref<160x64xf32, #tpu.memory_space<vmem>>) dst(%dma_wait3A_641 : memref<160x64xf32, #tpu.memory_space<hbm>>)
    %add3A_646 = arith.constant 12640 : i32
    %add3A_647 = arith.addi %mul3A_2, %add3A_646 : i32
    %dma_wait3A_648 = arith.constant 3 : i32
    %dma_wait3A_649 = arith.constant 3 : i32
    %dma_wait3A_650 = arith.constant 0 : i32
    %dma_wait3A_651 = arith.constant 0 : i32
    %dma_wait3A_652 = tpu.memref_slice %arg12[%dma_wait3A_648, %dma_wait3A_650, %dma_wait3A_651] : memref<4x160x64xf32, #tpu.memory_space<vmem>> -> memref<1x160x64xf32, #tpu.memory_space<vmem>>
    %dma_wait3A_653 = tpu.memref_squeeze %dma_wait3A_652 : memref<1x160x64xf32, #tpu.memory_space<vmem>> -> memref<160x64xf32, #tpu.memory_space<vmem>>
    %dma_wait3A_654 = arith.constant 0 : i32
    %dma_wait3A_655 = tpu.memref_slice %arg6[%add3A_647, %dma_wait3A_654] : memref<409600x128xf32, #tpu.memory_space<hbm>> -> memref<160x128xf32, #tpu.memory_space<hbm>>
    %dma_wait3A_656 = arith.constant 0 : i32
    %dma_wait3A_657 = arith.constant 0 : i32
    %dma_wait3A_658 = tpu.memref_slice %dma_wait3A_655[%dma_wait3A_656, %dma_wait3A_657] : memref<160x128xf32, #tpu.memory_space<hbm>> -> memref<160x64xf32, #tpu.memory_space<hbm>>
    %dma_wait3A_659 = tpu.memref_slice %arg17[%dma_wait3A_649] : memref<4x!tpu.dma_semaphore, #tpu.memory_space<semaphore_mem>> -> memref<1x!tpu.dma_semaphore, #tpu.memory_space<semaphore_mem>>
    %dma_wait3A_660 = tpu.memref_squeeze %dma_wait3A_659 : memref<1x!tpu.dma_semaphore, #tpu.memory_space<semaphore_mem>> -> memref<!tpu.dma_semaphore, #tpu.memory_space<semaphore_mem>>
    %dma_wait3A_661 = arith.constant 0 : i32
    %dma_wait3A_662 = tpu.memref_slice %arg6[%add3A_647, %dma_wait3A_661] : memref<409600x128xf32, #tpu.memory_space<hbm>> -> memref<160x128xf32, #tpu.memory_space<hbm>>
    %dma_wait3A_663 = arith.constant 0 : i32
    %dma_wait3A_664 = arith.constant 0 : i32
    %dma_wait3A_665 = tpu.memref_slice %dma_wait3A_662[%dma_wait3A_663, %dma_wait3A_664] : memref<160x128xf32, #tpu.memory_space<hbm>> -> memref<160x64xf32, #tpu.memory_space<hbm>>
    %dma_wait3A_666 = arith.constant 0 : i32
    %dma_wait3A_667 = arith.constant 0 : i32
    %dma_wait3A_668 = tpu.memref_slice %arg12[%dma_wait3A_648, %dma_wait3A_666, %dma_wait3A_667] : memref<4x160x64xf32, #tpu.memory_space<vmem>> -> memref<1x160x64xf32, #tpu.memory_space<vmem>>
    %dma_wait3A_669 = tpu.memref_squeeze %dma_wait3A_668 : memref<1x160x64xf32, #tpu.memory_space<vmem>> -> memref<160x64xf32, #tpu.memory_space<vmem>>
    tpu.wait_dma2 semaphore(%dma_wait3A_660 : memref<!tpu.dma_semaphore, #tpu.memory_space<semaphore_mem>>) src(%dma_wait3A_669 : memref<160x64xf32, #tpu.memory_space<vmem>>) dst(%dma_wait3A_665 : memref<160x64xf32, #tpu.memory_space<hbm>>)
    %dma_wait3A_670 = arith.constant 3 : i32
    %dma_wait3A_671 = arith.constant 3 : i32
    %dma_wait3A_672 = arith.constant 0 : i32
    %dma_wait3A_673 = arith.constant 0 : i32
    %dma_wait3A_674 = tpu.memref_slice %arg13[%dma_wait3A_670, %dma_wait3A_672, %dma_wait3A_673] : memref<4x160x64xf32, #tpu.memory_space<vmem>> -> memref<1x160x64xf32, #tpu.memory_space<vmem>>
    %dma_wait3A_675 = tpu.memref_squeeze %dma_wait3A_674 : memref<1x160x64xf32, #tpu.memory_space<vmem>> -> memref<160x64xf32, #tpu.memory_space<vmem>>
    %dma_wait3A_676 = arith.constant 0 : i32
    %dma_wait3A_677 = tpu.memref_slice %arg6[%add3A_647, %dma_wait3A_676] : memref<409600x128xf32, #tpu.memory_space<hbm>> -> memref<160x128xf32, #tpu.memory_space<hbm>>
    %dma_wait3A_678 = arith.constant 0 : i32
    %dma_wait3A_679 = arith.constant 64 : i32
    %dma_wait3A_680 = tpu.memref_slice %dma_wait3A_677[%dma_wait3A_678, %dma_wait3A_679] : memref<160x128xf32, #tpu.memory_space<hbm>> -> memref<160x64xf32, #tpu.memory_space<hbm>>
    %dma_wait3A_681 = tpu.memref_slice %arg17[%dma_wait3A_671] : memref<4x!tpu.dma_semaphore, #tpu.memory_space<semaphore_mem>> -> memref<1x!tpu.dma_semaphore, #tpu.memory_space<semaphore_mem>>
    %dma_wait3A_682 = tpu.memref_squeeze %dma_wait3A_681 : memref<1x!tpu.dma_semaphore, #tpu.memory_space<semaphore_mem>> -> memref<!tpu.dma_semaphore, #tpu.memory_space<semaphore_mem>>
    %dma_wait3A_683 = arith.constant 0 : i32
    %dma_wait3A_684 = tpu.memref_slice %arg6[%add3A_647, %dma_wait3A_683] : memref<409600x128xf32, #tpu.memory_space<hbm>> -> memref<160x128xf32, #tpu.memory_space<hbm>>
    %dma_wait3A_685 = arith.constant 0 : i32
    %dma_wait3A_686 = arith.constant 64 : i32
    %dma_wait3A_687 = tpu.memref_slice %dma_wait3A_684[%dma_wait3A_685, %dma_wait3A_686] : memref<160x128xf32, #tpu.memory_space<hbm>> -> memref<160x64xf32, #tpu.memory_space<hbm>>
    %dma_wait3A_688 = arith.constant 0 : i32
    %dma_wait3A_689 = arith.constant 0 : i32
    %dma_wait3A_690 = tpu.memref_slice %arg13[%dma_wait3A_670, %dma_wait3A_688, %dma_wait3A_689] : memref<4x160x64xf32, #tpu.memory_space<vmem>> -> memref<1x160x64xf32, #tpu.memory_space<vmem>>
    %dma_wait3A_691 = tpu.memref_squeeze %dma_wait3A_690 : memref<1x160x64xf32, #tpu.memory_space<vmem>> -> memref<160x64xf32, #tpu.memory_space<vmem>>
    tpu.wait_dma2 semaphore(%dma_wait3A_682 : memref<!tpu.dma_semaphore, #tpu.memory_space<semaphore_mem>>) src(%dma_wait3A_691 : memref<160x64xf32, #tpu.memory_space<vmem>>) dst(%dma_wait3A_687 : memref<160x64xf32, #tpu.memory_space<hbm>>)
    return
  }
}

module attributes {stable_mosaic.version = 14 : i64} {
  func.func @body(%arg0: i32, %arg1: memref<6400x128xf32, #tpu.memory_space<vmem>>, %arg2: memref<50x64x256xf32, #tpu.memory_space<vmem>>) attributes {dimension_semantics = [#tpu.dimension_semantics<arbitrary>], iteration_bounds = array<i64: 64>, scalar_prefetch = 0 : i64, scratch_operands = 0 : i64, tpu.core_type = #tpu.core_type<tc>, window_params = [{transform_indices = @transform_0, window_bounds = array<i64: 6400, 128>}, {transform_indices = @transform_1, window_bounds = array<i64: 50, 64, 256>}]} {
    %get3A = arith.constant 0 : index
    %get3A_0 = arith.constant 0 : index
    %get3A_1 = vector.load %arg1[%get3A, %get3A_0] : memref<6400x128xf32, #tpu.memory_space<vmem>>, vector<6400x128xf32>
    %reshape3A = vector.shape_cast %get3A_1 : vector<6400x128xf32> to vector<256x25x128xf32>
    %slice3A = vector.extract_strided_slice %reshape3A {offsets = [0, 0, 0], sizes = [256, 1, 64], strides = [1, 1, 1]} : vector<256x25x128xf32> to vector<256x1x64xf32>
    %squeeze3A = vector.shape_cast %slice3A : vector<256x1x64xf32> to vector<256x64xf32>
    %transpose3A = tpu.transpose %squeeze3A, [1, 0] : vector<256x64xf32> -> vector<64x256xf32>
    %swap3A = arith.constant 0 : index
    %swap3A_2 = arith.constant 0 : index
    %swap3A_3 = arith.constant 0 : index
    %swap3A_4 = vector.load %arg2[%swap3A, %swap3A_2, %swap3A_3] : memref<50x64x256xf32, #tpu.memory_space<vmem>>, vector<1x64x256xf32>
    %swap3A_5 = vector.shape_cast %swap3A_4 : vector<1x64x256xf32> to vector<64x256xf32>
    %swap3A_6 = vector.shape_cast %transpose3A : vector<64x256xf32> to vector<1x64x256xf32>
    tpu.vector_store %arg2[%swap3A, %swap3A_2, %swap3A_3], %swap3A_6 {strides = array<i32>} : memref<50x64x256xf32, #tpu.memory_space<vmem>>, vector<1x64x256xf32>,
    %slice3A_7 = vector.extract_strided_slice %reshape3A {offsets = [0, 1, 0], sizes = [256, 1, 64], strides = [1, 1, 1]} : vector<256x25x128xf32> to vector<256x1x64xf32>
    %squeeze3A_8 = vector.shape_cast %slice3A_7 : vector<256x1x64xf32> to vector<256x64xf32>
    %transpose3A_9 = tpu.transpose %squeeze3A_8, [1, 0] : vector<256x64xf32> -> vector<64x256xf32>
    %swap3A_10 = arith.constant 1 : index
    %swap3A_11 = arith.constant 0 : index
    %swap3A_12 = arith.constant 0 : index
    %swap3A_13 = vector.load %arg2[%swap3A_10, %swap3A_11, %swap3A_12] : memref<50x64x256xf32, #tpu.memory_space<vmem>>, vector<1x64x256xf32>
    %swap3A_14 = vector.shape_cast %swap3A_13 : vector<1x64x256xf32> to vector<64x256xf32>
    %swap3A_15 = vector.shape_cast %transpose3A_9 : vector<64x256xf32> to vector<1x64x256xf32>
    tpu.vector_store %arg2[%swap3A_10, %swap3A_11, %swap3A_12], %swap3A_15 {strides = array<i32>} : memref<50x64x256xf32, #tpu.memory_space<vmem>>, vector<1x64x256xf32>,
    %slice3A_16 = vector.extract_strided_slice %reshape3A {offsets = [0, 2, 0], sizes = [256, 1, 64], strides = [1, 1, 1]} : vector<256x25x128xf32> to vector<256x1x64xf32>
    %squeeze3A_17 = vector.shape_cast %slice3A_16 : vector<256x1x64xf32> to vector<256x64xf32>
    %transpose3A_18 = tpu.transpose %squeeze3A_17, [1, 0] : vector<256x64xf32> -> vector<64x256xf32>
    %swap3A_19 = arith.constant 2 : index
    %swap3A_20 = arith.constant 0 : index
    %swap3A_21 = arith.constant 0 : index
    %swap3A_22 = vector.load %arg2[%swap3A_19, %swap3A_20, %swap3A_21] : memref<50x64x256xf32, #tpu.memory_space<vmem>>, vector<1x64x256xf32>
    %swap3A_23 = vector.shape_cast %swap3A_22 : vector<1x64x256xf32> to vector<64x256xf32>
    %swap3A_24 = vector.shape_cast %transpose3A_18 : vector<64x256xf32> to vector<1x64x256xf32>
    tpu.vector_store %arg2[%swap3A_19, %swap3A_20, %swap3A_21], %swap3A_24 {strides = array<i32>} : memref<50x64x256xf32, #tpu.memory_space<vmem>>, vector<1x64x256xf32>,
    %slice3A_25 = vector.extract_strided_slice %reshape3A {offsets = [0, 3, 0], sizes = [256, 1, 64], strides = [1, 1, 1]} : vector<256x25x128xf32> to vector<256x1x64xf32>
    %squeeze3A_26 = vector.shape_cast %slice3A_25 : vector<256x1x64xf32> to vector<256x64xf32>
    %transpose3A_27 = tpu.transpose %squeeze3A_26, [1, 0] : vector<256x64xf32> -> vector<64x256xf32>
    %swap3A_28 = arith.constant 3 : index
    %swap3A_29 = arith.constant 0 : index
    %swap3A_30 = arith.constant 0 : index
    %swap3A_31 = vector.load %arg2[%swap3A_28, %swap3A_29, %swap3A_30] : memref<50x64x256xf32, #tpu.memory_space<vmem>>, vector<1x64x256xf32>
    %swap3A_32 = vector.shape_cast %swap3A_31 : vector<1x64x256xf32> to vector<64x256xf32>
    %swap3A_33 = vector.shape_cast %transpose3A_27 : vector<64x256xf32> to vector<1x64x256xf32>
    tpu.vector_store %arg2[%swap3A_28, %swap3A_29, %swap3A_30], %swap3A_33 {strides = array<i32>} : memref<50x64x256xf32, #tpu.memory_space<vmem>>, vector<1x64x256xf32>,
    %slice3A_34 = vector.extract_strided_slice %reshape3A {offsets = [0, 4, 0], sizes = [256, 1, 64], strides = [1, 1, 1]} : vector<256x25x128xf32> to vector<256x1x64xf32>
    %squeeze3A_35 = vector.shape_cast %slice3A_34 : vector<256x1x64xf32> to vector<256x64xf32>
    %transpose3A_36 = tpu.transpose %squeeze3A_35, [1, 0] : vector<256x64xf32> -> vector<64x256xf32>
    %swap3A_37 = arith.constant 4 : index
    %swap3A_38 = arith.constant 0 : index
    %swap3A_39 = arith.constant 0 : index
    %swap3A_40 = vector.load %arg2[%swap3A_37, %swap3A_38, %swap3A_39] : memref<50x64x256xf32, #tpu.memory_space<vmem>>, vector<1x64x256xf32>
    %swap3A_41 = vector.shape_cast %swap3A_40 : vector<1x64x256xf32> to vector<64x256xf32>
    %swap3A_42 = vector.shape_cast %transpose3A_36 : vector<64x256xf32> to vector<1x64x256xf32>
    tpu.vector_store %arg2[%swap3A_37, %swap3A_38, %swap3A_39], %swap3A_42 {strides = array<i32>} : memref<50x64x256xf32, #tpu.memory_space<vmem>>, vector<1x64x256xf32>,
    %slice3A_43 = vector.extract_strided_slice %reshape3A {offsets = [0, 5, 0], sizes = [256, 1, 64], strides = [1, 1, 1]} : vector<256x25x128xf32> to vector<256x1x64xf32>
    %squeeze3A_44 = vector.shape_cast %slice3A_43 : vector<256x1x64xf32> to vector<256x64xf32>
    %transpose3A_45 = tpu.transpose %squeeze3A_44, [1, 0] : vector<256x64xf32> -> vector<64x256xf32>
    %swap3A_46 = arith.constant 5 : index
    %swap3A_47 = arith.constant 0 : index
    %swap3A_48 = arith.constant 0 : index
    %swap3A_49 = vector.load %arg2[%swap3A_46, %swap3A_47, %swap3A_48] : memref<50x64x256xf32, #tpu.memory_space<vmem>>, vector<1x64x256xf32>
    %swap3A_50 = vector.shape_cast %swap3A_49 : vector<1x64x256xf32> to vector<64x256xf32>
    %swap3A_51 = vector.shape_cast %transpose3A_45 : vector<64x256xf32> to vector<1x64x256xf32>
    tpu.vector_store %arg2[%swap3A_46, %swap3A_47, %swap3A_48], %swap3A_51 {strides = array<i32>} : memref<50x64x256xf32, #tpu.memory_space<vmem>>, vector<1x64x256xf32>,
    %slice3A_52 = vector.extract_strided_slice %reshape3A {offsets = [0, 6, 0], sizes = [256, 1, 64], strides = [1, 1, 1]} : vector<256x25x128xf32> to vector<256x1x64xf32>
    %squeeze3A_53 = vector.shape_cast %slice3A_52 : vector<256x1x64xf32> to vector<256x64xf32>
    %transpose3A_54 = tpu.transpose %squeeze3A_53, [1, 0] : vector<256x64xf32> -> vector<64x256xf32>
    %swap3A_55 = arith.constant 6 : index
    %swap3A_56 = arith.constant 0 : index
    %swap3A_57 = arith.constant 0 : index
    %swap3A_58 = vector.load %arg2[%swap3A_55, %swap3A_56, %swap3A_57] : memref<50x64x256xf32, #tpu.memory_space<vmem>>, vector<1x64x256xf32>
    %swap3A_59 = vector.shape_cast %swap3A_58 : vector<1x64x256xf32> to vector<64x256xf32>
    %swap3A_60 = vector.shape_cast %transpose3A_54 : vector<64x256xf32> to vector<1x64x256xf32>
    tpu.vector_store %arg2[%swap3A_55, %swap3A_56, %swap3A_57], %swap3A_60 {strides = array<i32>} : memref<50x64x256xf32, #tpu.memory_space<vmem>>, vector<1x64x256xf32>,
    %slice3A_61 = vector.extract_strided_slice %reshape3A {offsets = [0, 7, 0], sizes = [256, 1, 64], strides = [1, 1, 1]} : vector<256x25x128xf32> to vector<256x1x64xf32>
    %squeeze3A_62 = vector.shape_cast %slice3A_61 : vector<256x1x64xf32> to vector<256x64xf32>
    %transpose3A_63 = tpu.transpose %squeeze3A_62, [1, 0] : vector<256x64xf32> -> vector<64x256xf32>
    %swap3A_64 = arith.constant 7 : index
    %swap3A_65 = arith.constant 0 : index
    %swap3A_66 = arith.constant 0 : index
    %swap3A_67 = vector.load %arg2[%swap3A_64, %swap3A_65, %swap3A_66] : memref<50x64x256xf32, #tpu.memory_space<vmem>>, vector<1x64x256xf32>
    %swap3A_68 = vector.shape_cast %swap3A_67 : vector<1x64x256xf32> to vector<64x256xf32>
    %swap3A_69 = vector.shape_cast %transpose3A_63 : vector<64x256xf32> to vector<1x64x256xf32>
    tpu.vector_store %arg2[%swap3A_64, %swap3A_65, %swap3A_66], %swap3A_69 {strides = array<i32>} : memref<50x64x256xf32, #tpu.memory_space<vmem>>, vector<1x64x256xf32>,
    %slice3A_70 = vector.extract_strided_slice %reshape3A {offsets = [0, 8, 0], sizes = [256, 1, 64], strides = [1, 1, 1]} : vector<256x25x128xf32> to vector<256x1x64xf32>
    %squeeze3A_71 = vector.shape_cast %slice3A_70 : vector<256x1x64xf32> to vector<256x64xf32>
    %transpose3A_72 = tpu.transpose %squeeze3A_71, [1, 0] : vector<256x64xf32> -> vector<64x256xf32>
    %swap3A_73 = arith.constant 8 : index
    %swap3A_74 = arith.constant 0 : index
    %swap3A_75 = arith.constant 0 : index
    %swap3A_76 = vector.load %arg2[%swap3A_73, %swap3A_74, %swap3A_75] : memref<50x64x256xf32, #tpu.memory_space<vmem>>, vector<1x64x256xf32>
    %swap3A_77 = vector.shape_cast %swap3A_76 : vector<1x64x256xf32> to vector<64x256xf32>
    %swap3A_78 = vector.shape_cast %transpose3A_72 : vector<64x256xf32> to vector<1x64x256xf32>
    tpu.vector_store %arg2[%swap3A_73, %swap3A_74, %swap3A_75], %swap3A_78 {strides = array<i32>} : memref<50x64x256xf32, #tpu.memory_space<vmem>>, vector<1x64x256xf32>,
    %slice3A_79 = vector.extract_strided_slice %reshape3A {offsets = [0, 9, 0], sizes = [256, 1, 64], strides = [1, 1, 1]} : vector<256x25x128xf32> to vector<256x1x64xf32>
    %squeeze3A_80 = vector.shape_cast %slice3A_79 : vector<256x1x64xf32> to vector<256x64xf32>
    %transpose3A_81 = tpu.transpose %squeeze3A_80, [1, 0] : vector<256x64xf32> -> vector<64x256xf32>
    %swap3A_82 = arith.constant 9 : index
    %swap3A_83 = arith.constant 0 : index
    %swap3A_84 = arith.constant 0 : index
    %swap3A_85 = vector.load %arg2[%swap3A_82, %swap3A_83, %swap3A_84] : memref<50x64x256xf32, #tpu.memory_space<vmem>>, vector<1x64x256xf32>
    %swap3A_86 = vector.shape_cast %swap3A_85 : vector<1x64x256xf32> to vector<64x256xf32>
    %swap3A_87 = vector.shape_cast %transpose3A_81 : vector<64x256xf32> to vector<1x64x256xf32>
    tpu.vector_store %arg2[%swap3A_82, %swap3A_83, %swap3A_84], %swap3A_87 {strides = array<i32>} : memref<50x64x256xf32, #tpu.memory_space<vmem>>, vector<1x64x256xf32>,
    %slice3A_88 = vector.extract_strided_slice %reshape3A {offsets = [0, 10, 0], sizes = [256, 1, 64], strides = [1, 1, 1]} : vector<256x25x128xf32> to vector<256x1x64xf32>
    %squeeze3A_89 = vector.shape_cast %slice3A_88 : vector<256x1x64xf32> to vector<256x64xf32>
    %transpose3A_90 = tpu.transpose %squeeze3A_89, [1, 0] : vector<256x64xf32> -> vector<64x256xf32>
    %swap3A_91 = arith.constant 10 : index
    %swap3A_92 = arith.constant 0 : index
    %swap3A_93 = arith.constant 0 : index
    %swap3A_94 = vector.load %arg2[%swap3A_91, %swap3A_92, %swap3A_93] : memref<50x64x256xf32, #tpu.memory_space<vmem>>, vector<1x64x256xf32>
    %swap3A_95 = vector.shape_cast %swap3A_94 : vector<1x64x256xf32> to vector<64x256xf32>
    %swap3A_96 = vector.shape_cast %transpose3A_90 : vector<64x256xf32> to vector<1x64x256xf32>
    tpu.vector_store %arg2[%swap3A_91, %swap3A_92, %swap3A_93], %swap3A_96 {strides = array<i32>} : memref<50x64x256xf32, #tpu.memory_space<vmem>>, vector<1x64x256xf32>,
    %slice3A_97 = vector.extract_strided_slice %reshape3A {offsets = [0, 11, 0], sizes = [256, 1, 64], strides = [1, 1, 1]} : vector<256x25x128xf32> to vector<256x1x64xf32>
    %squeeze3A_98 = vector.shape_cast %slice3A_97 : vector<256x1x64xf32> to vector<256x64xf32>
    %transpose3A_99 = tpu.transpose %squeeze3A_98, [1, 0] : vector<256x64xf32> -> vector<64x256xf32>
    %swap3A_100 = arith.constant 11 : index
    %swap3A_101 = arith.constant 0 : index
    %swap3A_102 = arith.constant 0 : index
    %swap3A_103 = vector.load %arg2[%swap3A_100, %swap3A_101, %swap3A_102] : memref<50x64x256xf32, #tpu.memory_space<vmem>>, vector<1x64x256xf32>
    %swap3A_104 = vector.shape_cast %swap3A_103 : vector<1x64x256xf32> to vector<64x256xf32>
    %swap3A_105 = vector.shape_cast %transpose3A_99 : vector<64x256xf32> to vector<1x64x256xf32>
    tpu.vector_store %arg2[%swap3A_100, %swap3A_101, %swap3A_102], %swap3A_105 {strides = array<i32>} : memref<50x64x256xf32, #tpu.memory_space<vmem>>, vector<1x64x256xf32>,
    %slice3A_106 = vector.extract_strided_slice %reshape3A {offsets = [0, 12, 0], sizes = [256, 1, 64], strides = [1, 1, 1]} : vector<256x25x128xf32> to vector<256x1x64xf32>
    %squeeze3A_107 = vector.shape_cast %slice3A_106 : vector<256x1x64xf32> to vector<256x64xf32>
    %transpose3A_108 = tpu.transpose %squeeze3A_107, [1, 0] : vector<256x64xf32> -> vector<64x256xf32>
    %swap3A_109 = arith.constant 12 : index
    %swap3A_110 = arith.constant 0 : index
    %swap3A_111 = arith.constant 0 : index
    %swap3A_112 = vector.load %arg2[%swap3A_109, %swap3A_110, %swap3A_111] : memref<50x64x256xf32, #tpu.memory_space<vmem>>, vector<1x64x256xf32>
    %swap3A_113 = vector.shape_cast %swap3A_112 : vector<1x64x256xf32> to vector<64x256xf32>
    %swap3A_114 = vector.shape_cast %transpose3A_108 : vector<64x256xf32> to vector<1x64x256xf32>
    tpu.vector_store %arg2[%swap3A_109, %swap3A_110, %swap3A_111], %swap3A_114 {strides = array<i32>} : memref<50x64x256xf32, #tpu.memory_space<vmem>>, vector<1x64x256xf32>,
    %slice3A_115 = vector.extract_strided_slice %reshape3A {offsets = [0, 13, 0], sizes = [256, 1, 64], strides = [1, 1, 1]} : vector<256x25x128xf32> to vector<256x1x64xf32>
    %squeeze3A_116 = vector.shape_cast %slice3A_115 : vector<256x1x64xf32> to vector<256x64xf32>
    %transpose3A_117 = tpu.transpose %squeeze3A_116, [1, 0] : vector<256x64xf32> -> vector<64x256xf32>
    %swap3A_118 = arith.constant 13 : index
    %swap3A_119 = arith.constant 0 : index
    %swap3A_120 = arith.constant 0 : index
    %swap3A_121 = vector.load %arg2[%swap3A_118, %swap3A_119, %swap3A_120] : memref<50x64x256xf32, #tpu.memory_space<vmem>>, vector<1x64x256xf32>
    %swap3A_122 = vector.shape_cast %swap3A_121 : vector<1x64x256xf32> to vector<64x256xf32>
    %swap3A_123 = vector.shape_cast %transpose3A_117 : vector<64x256xf32> to vector<1x64x256xf32>
    tpu.vector_store %arg2[%swap3A_118, %swap3A_119, %swap3A_120], %swap3A_123 {strides = array<i32>} : memref<50x64x256xf32, #tpu.memory_space<vmem>>, vector<1x64x256xf32>,
    %slice3A_124 = vector.extract_strided_slice %reshape3A {offsets = [0, 14, 0], sizes = [256, 1, 64], strides = [1, 1, 1]} : vector<256x25x128xf32> to vector<256x1x64xf32>
    %squeeze3A_125 = vector.shape_cast %slice3A_124 : vector<256x1x64xf32> to vector<256x64xf32>
    %transpose3A_126 = tpu.transpose %squeeze3A_125, [1, 0] : vector<256x64xf32> -> vector<64x256xf32>
    %swap3A_127 = arith.constant 14 : index
    %swap3A_128 = arith.constant 0 : index
    %swap3A_129 = arith.constant 0 : index
    %swap3A_130 = vector.load %arg2[%swap3A_127, %swap3A_128, %swap3A_129] : memref<50x64x256xf32, #tpu.memory_space<vmem>>, vector<1x64x256xf32>
    %swap3A_131 = vector.shape_cast %swap3A_130 : vector<1x64x256xf32> to vector<64x256xf32>
    %swap3A_132 = vector.shape_cast %transpose3A_126 : vector<64x256xf32> to vector<1x64x256xf32>
    tpu.vector_store %arg2[%swap3A_127, %swap3A_128, %swap3A_129], %swap3A_132 {strides = array<i32>} : memref<50x64x256xf32, #tpu.memory_space<vmem>>, vector<1x64x256xf32>,
    %slice3A_133 = vector.extract_strided_slice %reshape3A {offsets = [0, 15, 0], sizes = [256, 1, 64], strides = [1, 1, 1]} : vector<256x25x128xf32> to vector<256x1x64xf32>
    %squeeze3A_134 = vector.shape_cast %slice3A_133 : vector<256x1x64xf32> to vector<256x64xf32>
    %transpose3A_135 = tpu.transpose %squeeze3A_134, [1, 0] : vector<256x64xf32> -> vector<64x256xf32>
    %swap3A_136 = arith.constant 15 : index
    %swap3A_137 = arith.constant 0 : index
    %swap3A_138 = arith.constant 0 : index
    %swap3A_139 = vector.load %arg2[%swap3A_136, %swap3A_137, %swap3A_138] : memref<50x64x256xf32, #tpu.memory_space<vmem>>, vector<1x64x256xf32>
    %swap3A_140 = vector.shape_cast %swap3A_139 : vector<1x64x256xf32> to vector<64x256xf32>
    %swap3A_141 = vector.shape_cast %transpose3A_135 : vector<64x256xf32> to vector<1x64x256xf32>
    tpu.vector_store %arg2[%swap3A_136, %swap3A_137, %swap3A_138], %swap3A_141 {strides = array<i32>} : memref<50x64x256xf32, #tpu.memory_space<vmem>>, vector<1x64x256xf32>,
    %slice3A_142 = vector.extract_strided_slice %reshape3A {offsets = [0, 16, 0], sizes = [256, 1, 64], strides = [1, 1, 1]} : vector<256x25x128xf32> to vector<256x1x64xf32>
    %squeeze3A_143 = vector.shape_cast %slice3A_142 : vector<256x1x64xf32> to vector<256x64xf32>
    %transpose3A_144 = tpu.transpose %squeeze3A_143, [1, 0] : vector<256x64xf32> -> vector<64x256xf32>
    %swap3A_145 = arith.constant 16 : index
    %swap3A_146 = arith.constant 0 : index
    %swap3A_147 = arith.constant 0 : index
    %swap3A_148 = vector.load %arg2[%swap3A_145, %swap3A_146, %swap3A_147] : memref<50x64x256xf32, #tpu.memory_space<vmem>>, vector<1x64x256xf32>
    %swap3A_149 = vector.shape_cast %swap3A_148 : vector<1x64x256xf32> to vector<64x256xf32>
    %swap3A_150 = vector.shape_cast %transpose3A_144 : vector<64x256xf32> to vector<1x64x256xf32>
    tpu.vector_store %arg2[%swap3A_145, %swap3A_146, %swap3A_147], %swap3A_150 {strides = array<i32>} : memref<50x64x256xf32, #tpu.memory_space<vmem>>, vector<1x64x256xf32>,
    %slice3A_151 = vector.extract_strided_slice %reshape3A {offsets = [0, 17, 0], sizes = [256, 1, 64], strides = [1, 1, 1]} : vector<256x25x128xf32> to vector<256x1x64xf32>
    %squeeze3A_152 = vector.shape_cast %slice3A_151 : vector<256x1x64xf32> to vector<256x64xf32>
    %transpose3A_153 = tpu.transpose %squeeze3A_152, [1, 0] : vector<256x64xf32> -> vector<64x256xf32>
    %swap3A_154 = arith.constant 17 : index
    %swap3A_155 = arith.constant 0 : index
    %swap3A_156 = arith.constant 0 : index
    %swap3A_157 = vector.load %arg2[%swap3A_154, %swap3A_155, %swap3A_156] : memref<50x64x256xf32, #tpu.memory_space<vmem>>, vector<1x64x256xf32>
    %swap3A_158 = vector.shape_cast %swap3A_157 : vector<1x64x256xf32> to vector<64x256xf32>
    %swap3A_159 = vector.shape_cast %transpose3A_153 : vector<64x256xf32> to vector<1x64x256xf32>
    tpu.vector_store %arg2[%swap3A_154, %swap3A_155, %swap3A_156], %swap3A_159 {strides = array<i32>} : memref<50x64x256xf32, #tpu.memory_space<vmem>>, vector<1x64x256xf32>,
    %slice3A_160 = vector.extract_strided_slice %reshape3A {offsets = [0, 18, 0], sizes = [256, 1, 64], strides = [1, 1, 1]} : vector<256x25x128xf32> to vector<256x1x64xf32>
    %squeeze3A_161 = vector.shape_cast %slice3A_160 : vector<256x1x64xf32> to vector<256x64xf32>
    %transpose3A_162 = tpu.transpose %squeeze3A_161, [1, 0] : vector<256x64xf32> -> vector<64x256xf32>
    %swap3A_163 = arith.constant 18 : index
    %swap3A_164 = arith.constant 0 : index
    %swap3A_165 = arith.constant 0 : index
    %swap3A_166 = vector.load %arg2[%swap3A_163, %swap3A_164, %swap3A_165] : memref<50x64x256xf32, #tpu.memory_space<vmem>>, vector<1x64x256xf32>
    %swap3A_167 = vector.shape_cast %swap3A_166 : vector<1x64x256xf32> to vector<64x256xf32>
    %swap3A_168 = vector.shape_cast %transpose3A_162 : vector<64x256xf32> to vector<1x64x256xf32>
    tpu.vector_store %arg2[%swap3A_163, %swap3A_164, %swap3A_165], %swap3A_168 {strides = array<i32>} : memref<50x64x256xf32, #tpu.memory_space<vmem>>, vector<1x64x256xf32>,
    %slice3A_169 = vector.extract_strided_slice %reshape3A {offsets = [0, 19, 0], sizes = [256, 1, 64], strides = [1, 1, 1]} : vector<256x25x128xf32> to vector<256x1x64xf32>
    %squeeze3A_170 = vector.shape_cast %slice3A_169 : vector<256x1x64xf32> to vector<256x64xf32>
    %transpose3A_171 = tpu.transpose %squeeze3A_170, [1, 0] : vector<256x64xf32> -> vector<64x256xf32>
    %swap3A_172 = arith.constant 19 : index
    %swap3A_173 = arith.constant 0 : index
    %swap3A_174 = arith.constant 0 : index
    %swap3A_175 = vector.load %arg2[%swap3A_172, %swap3A_173, %swap3A_174] : memref<50x64x256xf32, #tpu.memory_space<vmem>>, vector<1x64x256xf32>
    %swap3A_176 = vector.shape_cast %swap3A_175 : vector<1x64x256xf32> to vector<64x256xf32>
    %swap3A_177 = vector.shape_cast %transpose3A_171 : vector<64x256xf32> to vector<1x64x256xf32>
    tpu.vector_store %arg2[%swap3A_172, %swap3A_173, %swap3A_174], %swap3A_177 {strides = array<i32>} : memref<50x64x256xf32, #tpu.memory_space<vmem>>, vector<1x64x256xf32>,
    %slice3A_178 = vector.extract_strided_slice %reshape3A {offsets = [0, 20, 0], sizes = [256, 1, 64], strides = [1, 1, 1]} : vector<256x25x128xf32> to vector<256x1x64xf32>
    %squeeze3A_179 = vector.shape_cast %slice3A_178 : vector<256x1x64xf32> to vector<256x64xf32>
    %transpose3A_180 = tpu.transpose %squeeze3A_179, [1, 0] : vector<256x64xf32> -> vector<64x256xf32>
    %swap3A_181 = arith.constant 20 : index
    %swap3A_182 = arith.constant 0 : index
    %swap3A_183 = arith.constant 0 : index
    %swap3A_184 = vector.load %arg2[%swap3A_181, %swap3A_182, %swap3A_183] : memref<50x64x256xf32, #tpu.memory_space<vmem>>, vector<1x64x256xf32>
    %swap3A_185 = vector.shape_cast %swap3A_184 : vector<1x64x256xf32> to vector<64x256xf32>
    %swap3A_186 = vector.shape_cast %transpose3A_180 : vector<64x256xf32> to vector<1x64x256xf32>
    tpu.vector_store %arg2[%swap3A_181, %swap3A_182, %swap3A_183], %swap3A_186 {strides = array<i32>} : memref<50x64x256xf32, #tpu.memory_space<vmem>>, vector<1x64x256xf32>,
    %slice3A_187 = vector.extract_strided_slice %reshape3A {offsets = [0, 21, 0], sizes = [256, 1, 64], strides = [1, 1, 1]} : vector<256x25x128xf32> to vector<256x1x64xf32>
    %squeeze3A_188 = vector.shape_cast %slice3A_187 : vector<256x1x64xf32> to vector<256x64xf32>
    %transpose3A_189 = tpu.transpose %squeeze3A_188, [1, 0] : vector<256x64xf32> -> vector<64x256xf32>
    %swap3A_190 = arith.constant 21 : index
    %swap3A_191 = arith.constant 0 : index
    %swap3A_192 = arith.constant 0 : index
    %swap3A_193 = vector.load %arg2[%swap3A_190, %swap3A_191, %swap3A_192] : memref<50x64x256xf32, #tpu.memory_space<vmem>>, vector<1x64x256xf32>
    %swap3A_194 = vector.shape_cast %swap3A_193 : vector<1x64x256xf32> to vector<64x256xf32>
    %swap3A_195 = vector.shape_cast %transpose3A_189 : vector<64x256xf32> to vector<1x64x256xf32>
    tpu.vector_store %arg2[%swap3A_190, %swap3A_191, %swap3A_192], %swap3A_195 {strides = array<i32>} : memref<50x64x256xf32, #tpu.memory_space<vmem>>, vector<1x64x256xf32>,
    %slice3A_196 = vector.extract_strided_slice %reshape3A {offsets = [0, 22, 0], sizes = [256, 1, 64], strides = [1, 1, 1]} : vector<256x25x128xf32> to vector<256x1x64xf32>
    %squeeze3A_197 = vector.shape_cast %slice3A_196 : vector<256x1x64xf32> to vector<256x64xf32>
    %transpose3A_198 = tpu.transpose %squeeze3A_197, [1, 0] : vector<256x64xf32> -> vector<64x256xf32>
    %swap3A_199 = arith.constant 22 : index
    %swap3A_200 = arith.constant 0 : index
    %swap3A_201 = arith.constant 0 : index
    %swap3A_202 = vector.load %arg2[%swap3A_199, %swap3A_200, %swap3A_201] : memref<50x64x256xf32, #tpu.memory_space<vmem>>, vector<1x64x256xf32>
    %swap3A_203 = vector.shape_cast %swap3A_202 : vector<1x64x256xf32> to vector<64x256xf32>
    %swap3A_204 = vector.shape_cast %transpose3A_198 : vector<64x256xf32> to vector<1x64x256xf32>
    tpu.vector_store %arg2[%swap3A_199, %swap3A_200, %swap3A_201], %swap3A_204 {strides = array<i32>} : memref<50x64x256xf32, #tpu.memory_space<vmem>>, vector<1x64x256xf32>,
    %slice3A_205 = vector.extract_strided_slice %reshape3A {offsets = [0, 23, 0], sizes = [256, 1, 64], strides = [1, 1, 1]} : vector<256x25x128xf32> to vector<256x1x64xf32>
    %squeeze3A_206 = vector.shape_cast %slice3A_205 : vector<256x1x64xf32> to vector<256x64xf32>
    %transpose3A_207 = tpu.transpose %squeeze3A_206, [1, 0] : vector<256x64xf32> -> vector<64x256xf32>
    %swap3A_208 = arith.constant 23 : index
    %swap3A_209 = arith.constant 0 : index
    %swap3A_210 = arith.constant 0 : index
    %swap3A_211 = vector.load %arg2[%swap3A_208, %swap3A_209, %swap3A_210] : memref<50x64x256xf32, #tpu.memory_space<vmem>>, vector<1x64x256xf32>
    %swap3A_212 = vector.shape_cast %swap3A_211 : vector<1x64x256xf32> to vector<64x256xf32>
    %swap3A_213 = vector.shape_cast %transpose3A_207 : vector<64x256xf32> to vector<1x64x256xf32>
    tpu.vector_store %arg2[%swap3A_208, %swap3A_209, %swap3A_210], %swap3A_213 {strides = array<i32>} : memref<50x64x256xf32, #tpu.memory_space<vmem>>, vector<1x64x256xf32>,
    %slice3A_214 = vector.extract_strided_slice %reshape3A {offsets = [0, 24, 0], sizes = [256, 1, 64], strides = [1, 1, 1]} : vector<256x25x128xf32> to vector<256x1x64xf32>
    %squeeze3A_215 = vector.shape_cast %slice3A_214 : vector<256x1x64xf32> to vector<256x64xf32>
    %transpose3A_216 = tpu.transpose %squeeze3A_215, [1, 0] : vector<256x64xf32> -> vector<64x256xf32>
    %swap3A_217 = arith.constant 24 : index
    %swap3A_218 = arith.constant 0 : index
    %swap3A_219 = arith.constant 0 : index
    %swap3A_220 = vector.load %arg2[%swap3A_217, %swap3A_218, %swap3A_219] : memref<50x64x256xf32, #tpu.memory_space<vmem>>, vector<1x64x256xf32>
    %swap3A_221 = vector.shape_cast %swap3A_220 : vector<1x64x256xf32> to vector<64x256xf32>
    %swap3A_222 = vector.shape_cast %transpose3A_216 : vector<64x256xf32> to vector<1x64x256xf32>
    tpu.vector_store %arg2[%swap3A_217, %swap3A_218, %swap3A_219], %swap3A_222 {strides = array<i32>} : memref<50x64x256xf32, #tpu.memory_space<vmem>>, vector<1x64x256xf32>,
    %slice3A_223 = vector.extract_strided_slice %reshape3A {offsets = [0, 0, 64], sizes = [256, 1, 64], strides = [1, 1, 1]} : vector<256x25x128xf32> to vector<256x1x64xf32>
    %squeeze3A_224 = vector.shape_cast %slice3A_223 : vector<256x1x64xf32> to vector<256x64xf32>
    %transpose3A_225 = tpu.transpose %squeeze3A_224, [1, 0] : vector<256x64xf32> -> vector<64x256xf32>
    %swap3A_226 = arith.constant 25 : index
    %swap3A_227 = arith.constant 0 : index
    %swap3A_228 = arith.constant 0 : index
    %swap3A_229 = vector.load %arg2[%swap3A_226, %swap3A_227, %swap3A_228] : memref<50x64x256xf32, #tpu.memory_space<vmem>>, vector<1x64x256xf32>
    %swap3A_230 = vector.shape_cast %swap3A_229 : vector<1x64x256xf32> to vector<64x256xf32>
    %swap3A_231 = vector.shape_cast %transpose3A_225 : vector<64x256xf32> to vector<1x64x256xf32>
    tpu.vector_store %arg2[%swap3A_226, %swap3A_227, %swap3A_228], %swap3A_231 {strides = array<i32>} : memref<50x64x256xf32, #tpu.memory_space<vmem>>, vector<1x64x256xf32>,
    %slice3A_232 = vector.extract_strided_slice %reshape3A {offsets = [0, 1, 64], sizes = [256, 1, 64], strides = [1, 1, 1]} : vector<256x25x128xf32> to vector<256x1x64xf32>
    %squeeze3A_233 = vector.shape_cast %slice3A_232 : vector<256x1x64xf32> to vector<256x64xf32>
    %transpose3A_234 = tpu.transpose %squeeze3A_233, [1, 0] : vector<256x64xf32> -> vector<64x256xf32>
    %swap3A_235 = arith.constant 26 : index
    %swap3A_236 = arith.constant 0 : index
    %swap3A_237 = arith.constant 0 : index
    %swap3A_238 = vector.load %arg2[%swap3A_235, %swap3A_236, %swap3A_237] : memref<50x64x256xf32, #tpu.memory_space<vmem>>, vector<1x64x256xf32>
    %swap3A_239 = vector.shape_cast %swap3A_238 : vector<1x64x256xf32> to vector<64x256xf32>
    %swap3A_240 = vector.shape_cast %transpose3A_234 : vector<64x256xf32> to vector<1x64x256xf32>
    tpu.vector_store %arg2[%swap3A_235, %swap3A_236, %swap3A_237], %swap3A_240 {strides = array<i32>} : memref<50x64x256xf32, #tpu.memory_space<vmem>>, vector<1x64x256xf32>,
    %slice3A_241 = vector.extract_strided_slice %reshape3A {offsets = [0, 2, 64], sizes = [256, 1, 64], strides = [1, 1, 1]} : vector<256x25x128xf32> to vector<256x1x64xf32>
    %squeeze3A_242 = vector.shape_cast %slice3A_241 : vector<256x1x64xf32> to vector<256x64xf32>
    %transpose3A_243 = tpu.transpose %squeeze3A_242, [1, 0] : vector<256x64xf32> -> vector<64x256xf32>
    %swap3A_244 = arith.constant 27 : index
    %swap3A_245 = arith.constant 0 : index
    %swap3A_246 = arith.constant 0 : index
    %swap3A_247 = vector.load %arg2[%swap3A_244, %swap3A_245, %swap3A_246] : memref<50x64x256xf32, #tpu.memory_space<vmem>>, vector<1x64x256xf32>
    %swap3A_248 = vector.shape_cast %swap3A_247 : vector<1x64x256xf32> to vector<64x256xf32>
    %swap3A_249 = vector.shape_cast %transpose3A_243 : vector<64x256xf32> to vector<1x64x256xf32>
    tpu.vector_store %arg2[%swap3A_244, %swap3A_245, %swap3A_246], %swap3A_249 {strides = array<i32>} : memref<50x64x256xf32, #tpu.memory_space<vmem>>, vector<1x64x256xf32>,
    %slice3A_250 = vector.extract_strided_slice %reshape3A {offsets = [0, 3, 64], sizes = [256, 1, 64], strides = [1, 1, 1]} : vector<256x25x128xf32> to vector<256x1x64xf32>
    %squeeze3A_251 = vector.shape_cast %slice3A_250 : vector<256x1x64xf32> to vector<256x64xf32>
    %transpose3A_252 = tpu.transpose %squeeze3A_251, [1, 0] : vector<256x64xf32> -> vector<64x256xf32>
    %swap3A_253 = arith.constant 28 : index
    %swap3A_254 = arith.constant 0 : index
    %swap3A_255 = arith.constant 0 : index
    %swap3A_256 = vector.load %arg2[%swap3A_253, %swap3A_254, %swap3A_255] : memref<50x64x256xf32, #tpu.memory_space<vmem>>, vector<1x64x256xf32>
    %swap3A_257 = vector.shape_cast %swap3A_256 : vector<1x64x256xf32> to vector<64x256xf32>
    %swap3A_258 = vector.shape_cast %transpose3A_252 : vector<64x256xf32> to vector<1x64x256xf32>
    tpu.vector_store %arg2[%swap3A_253, %swap3A_254, %swap3A_255], %swap3A_258 {strides = array<i32>} : memref<50x64x256xf32, #tpu.memory_space<vmem>>, vector<1x64x256xf32>,
    %slice3A_259 = vector.extract_strided_slice %reshape3A {offsets = [0, 4, 64], sizes = [256, 1, 64], strides = [1, 1, 1]} : vector<256x25x128xf32> to vector<256x1x64xf32>
    %squeeze3A_260 = vector.shape_cast %slice3A_259 : vector<256x1x64xf32> to vector<256x64xf32>
    %transpose3A_261 = tpu.transpose %squeeze3A_260, [1, 0] : vector<256x64xf32> -> vector<64x256xf32>
    %swap3A_262 = arith.constant 29 : index
    %swap3A_263 = arith.constant 0 : index
    %swap3A_264 = arith.constant 0 : index
    %swap3A_265 = vector.load %arg2[%swap3A_262, %swap3A_263, %swap3A_264] : memref<50x64x256xf32, #tpu.memory_space<vmem>>, vector<1x64x256xf32>
    %swap3A_266 = vector.shape_cast %swap3A_265 : vector<1x64x256xf32> to vector<64x256xf32>
    %swap3A_267 = vector.shape_cast %transpose3A_261 : vector<64x256xf32> to vector<1x64x256xf32>
    tpu.vector_store %arg2[%swap3A_262, %swap3A_263, %swap3A_264], %swap3A_267 {strides = array<i32>} : memref<50x64x256xf32, #tpu.memory_space<vmem>>, vector<1x64x256xf32>,
    %slice3A_268 = vector.extract_strided_slice %reshape3A {offsets = [0, 5, 64], sizes = [256, 1, 64], strides = [1, 1, 1]} : vector<256x25x128xf32> to vector<256x1x64xf32>
    %squeeze3A_269 = vector.shape_cast %slice3A_268 : vector<256x1x64xf32> to vector<256x64xf32>
    %transpose3A_270 = tpu.transpose %squeeze3A_269, [1, 0] : vector<256x64xf32> -> vector<64x256xf32>
    %swap3A_271 = arith.constant 30 : index
    %swap3A_272 = arith.constant 0 : index
    %swap3A_273 = arith.constant 0 : index
    %swap3A_274 = vector.load %arg2[%swap3A_271, %swap3A_272, %swap3A_273] : memref<50x64x256xf32, #tpu.memory_space<vmem>>, vector<1x64x256xf32>
    %swap3A_275 = vector.shape_cast %swap3A_274 : vector<1x64x256xf32> to vector<64x256xf32>
    %swap3A_276 = vector.shape_cast %transpose3A_270 : vector<64x256xf32> to vector<1x64x256xf32>
    tpu.vector_store %arg2[%swap3A_271, %swap3A_272, %swap3A_273], %swap3A_276 {strides = array<i32>} : memref<50x64x256xf32, #tpu.memory_space<vmem>>, vector<1x64x256xf32>,
    %slice3A_277 = vector.extract_strided_slice %reshape3A {offsets = [0, 6, 64], sizes = [256, 1, 64], strides = [1, 1, 1]} : vector<256x25x128xf32> to vector<256x1x64xf32>
    %squeeze3A_278 = vector.shape_cast %slice3A_277 : vector<256x1x64xf32> to vector<256x64xf32>
    %transpose3A_279 = tpu.transpose %squeeze3A_278, [1, 0] : vector<256x64xf32> -> vector<64x256xf32>
    %swap3A_280 = arith.constant 31 : index
    %swap3A_281 = arith.constant 0 : index
    %swap3A_282 = arith.constant 0 : index
    %swap3A_283 = vector.load %arg2[%swap3A_280, %swap3A_281, %swap3A_282] : memref<50x64x256xf32, #tpu.memory_space<vmem>>, vector<1x64x256xf32>
    %swap3A_284 = vector.shape_cast %swap3A_283 : vector<1x64x256xf32> to vector<64x256xf32>
    %swap3A_285 = vector.shape_cast %transpose3A_279 : vector<64x256xf32> to vector<1x64x256xf32>
    tpu.vector_store %arg2[%swap3A_280, %swap3A_281, %swap3A_282], %swap3A_285 {strides = array<i32>} : memref<50x64x256xf32, #tpu.memory_space<vmem>>, vector<1x64x256xf32>,
    %slice3A_286 = vector.extract_strided_slice %reshape3A {offsets = [0, 7, 64], sizes = [256, 1, 64], strides = [1, 1, 1]} : vector<256x25x128xf32> to vector<256x1x64xf32>
    %squeeze3A_287 = vector.shape_cast %slice3A_286 : vector<256x1x64xf32> to vector<256x64xf32>
    %transpose3A_288 = tpu.transpose %squeeze3A_287, [1, 0] : vector<256x64xf32> -> vector<64x256xf32>
    %swap3A_289 = arith.constant 32 : index
    %swap3A_290 = arith.constant 0 : index
    %swap3A_291 = arith.constant 0 : index
    %swap3A_292 = vector.load %arg2[%swap3A_289, %swap3A_290, %swap3A_291] : memref<50x64x256xf32, #tpu.memory_space<vmem>>, vector<1x64x256xf32>
    %swap3A_293 = vector.shape_cast %swap3A_292 : vector<1x64x256xf32> to vector<64x256xf32>
    %swap3A_294 = vector.shape_cast %transpose3A_288 : vector<64x256xf32> to vector<1x64x256xf32>
    tpu.vector_store %arg2[%swap3A_289, %swap3A_290, %swap3A_291], %swap3A_294 {strides = array<i32>} : memref<50x64x256xf32, #tpu.memory_space<vmem>>, vector<1x64x256xf32>,
    %slice3A_295 = vector.extract_strided_slice %reshape3A {offsets = [0, 8, 64], sizes = [256, 1, 64], strides = [1, 1, 1]} : vector<256x25x128xf32> to vector<256x1x64xf32>
    %squeeze3A_296 = vector.shape_cast %slice3A_295 : vector<256x1x64xf32> to vector<256x64xf32>
    %transpose3A_297 = tpu.transpose %squeeze3A_296, [1, 0] : vector<256x64xf32> -> vector<64x256xf32>
    %swap3A_298 = arith.constant 33 : index
    %swap3A_299 = arith.constant 0 : index
    %swap3A_300 = arith.constant 0 : index
    %swap3A_301 = vector.load %arg2[%swap3A_298, %swap3A_299, %swap3A_300] : memref<50x64x256xf32, #tpu.memory_space<vmem>>, vector<1x64x256xf32>
    %swap3A_302 = vector.shape_cast %swap3A_301 : vector<1x64x256xf32> to vector<64x256xf32>
    %swap3A_303 = vector.shape_cast %transpose3A_297 : vector<64x256xf32> to vector<1x64x256xf32>
    tpu.vector_store %arg2[%swap3A_298, %swap3A_299, %swap3A_300], %swap3A_303 {strides = array<i32>} : memref<50x64x256xf32, #tpu.memory_space<vmem>>, vector<1x64x256xf32>,
    %slice3A_304 = vector.extract_strided_slice %reshape3A {offsets = [0, 9, 64], sizes = [256, 1, 64], strides = [1, 1, 1]} : vector<256x25x128xf32> to vector<256x1x64xf32>
    %squeeze3A_305 = vector.shape_cast %slice3A_304 : vector<256x1x64xf32> to vector<256x64xf32>
    %transpose3A_306 = tpu.transpose %squeeze3A_305, [1, 0] : vector<256x64xf32> -> vector<64x256xf32>
    %swap3A_307 = arith.constant 34 : index
    %swap3A_308 = arith.constant 0 : index
    %swap3A_309 = arith.constant 0 : index
    %swap3A_310 = vector.load %arg2[%swap3A_307, %swap3A_308, %swap3A_309] : memref<50x64x256xf32, #tpu.memory_space<vmem>>, vector<1x64x256xf32>
    %swap3A_311 = vector.shape_cast %swap3A_310 : vector<1x64x256xf32> to vector<64x256xf32>
    %swap3A_312 = vector.shape_cast %transpose3A_306 : vector<64x256xf32> to vector<1x64x256xf32>
    tpu.vector_store %arg2[%swap3A_307, %swap3A_308, %swap3A_309], %swap3A_312 {strides = array<i32>} : memref<50x64x256xf32, #tpu.memory_space<vmem>>, vector<1x64x256xf32>,
    %slice3A_313 = vector.extract_strided_slice %reshape3A {offsets = [0, 10, 64], sizes = [256, 1, 64], strides = [1, 1, 1]} : vector<256x25x128xf32> to vector<256x1x64xf32>
    %squeeze3A_314 = vector.shape_cast %slice3A_313 : vector<256x1x64xf32> to vector<256x64xf32>
    %transpose3A_315 = tpu.transpose %squeeze3A_314, [1, 0] : vector<256x64xf32> -> vector<64x256xf32>
    %swap3A_316 = arith.constant 35 : index
    %swap3A_317 = arith.constant 0 : index
    %swap3A_318 = arith.constant 0 : index
    %swap3A_319 = vector.load %arg2[%swap3A_316, %swap3A_317, %swap3A_318] : memref<50x64x256xf32, #tpu.memory_space<vmem>>, vector<1x64x256xf32>
    %swap3A_320 = vector.shape_cast %swap3A_319 : vector<1x64x256xf32> to vector<64x256xf32>
    %swap3A_321 = vector.shape_cast %transpose3A_315 : vector<64x256xf32> to vector<1x64x256xf32>
    tpu.vector_store %arg2[%swap3A_316, %swap3A_317, %swap3A_318], %swap3A_321 {strides = array<i32>} : memref<50x64x256xf32, #tpu.memory_space<vmem>>, vector<1x64x256xf32>,
    %slice3A_322 = vector.extract_strided_slice %reshape3A {offsets = [0, 11, 64], sizes = [256, 1, 64], strides = [1, 1, 1]} : vector<256x25x128xf32> to vector<256x1x64xf32>
    %squeeze3A_323 = vector.shape_cast %slice3A_322 : vector<256x1x64xf32> to vector<256x64xf32>
    %transpose3A_324 = tpu.transpose %squeeze3A_323, [1, 0] : vector<256x64xf32> -> vector<64x256xf32>
    %swap3A_325 = arith.constant 36 : index
    %swap3A_326 = arith.constant 0 : index
    %swap3A_327 = arith.constant 0 : index
    %swap3A_328 = vector.load %arg2[%swap3A_325, %swap3A_326, %swap3A_327] : memref<50x64x256xf32, #tpu.memory_space<vmem>>, vector<1x64x256xf32>
    %swap3A_329 = vector.shape_cast %swap3A_328 : vector<1x64x256xf32> to vector<64x256xf32>
    %swap3A_330 = vector.shape_cast %transpose3A_324 : vector<64x256xf32> to vector<1x64x256xf32>
    tpu.vector_store %arg2[%swap3A_325, %swap3A_326, %swap3A_327], %swap3A_330 {strides = array<i32>} : memref<50x64x256xf32, #tpu.memory_space<vmem>>, vector<1x64x256xf32>,
    %slice3A_331 = vector.extract_strided_slice %reshape3A {offsets = [0, 12, 64], sizes = [256, 1, 64], strides = [1, 1, 1]} : vector<256x25x128xf32> to vector<256x1x64xf32>
    %squeeze3A_332 = vector.shape_cast %slice3A_331 : vector<256x1x64xf32> to vector<256x64xf32>
    %transpose3A_333 = tpu.transpose %squeeze3A_332, [1, 0] : vector<256x64xf32> -> vector<64x256xf32>
    %swap3A_334 = arith.constant 37 : index
    %swap3A_335 = arith.constant 0 : index
    %swap3A_336 = arith.constant 0 : index
    %swap3A_337 = vector.load %arg2[%swap3A_334, %swap3A_335, %swap3A_336] : memref<50x64x256xf32, #tpu.memory_space<vmem>>, vector<1x64x256xf32>
    %swap3A_338 = vector.shape_cast %swap3A_337 : vector<1x64x256xf32> to vector<64x256xf32>
    %swap3A_339 = vector.shape_cast %transpose3A_333 : vector<64x256xf32> to vector<1x64x256xf32>
    tpu.vector_store %arg2[%swap3A_334, %swap3A_335, %swap3A_336], %swap3A_339 {strides = array<i32>} : memref<50x64x256xf32, #tpu.memory_space<vmem>>, vector<1x64x256xf32>,
    %slice3A_340 = vector.extract_strided_slice %reshape3A {offsets = [0, 13, 64], sizes = [256, 1, 64], strides = [1, 1, 1]} : vector<256x25x128xf32> to vector<256x1x64xf32>
    %squeeze3A_341 = vector.shape_cast %slice3A_340 : vector<256x1x64xf32> to vector<256x64xf32>
    %transpose3A_342 = tpu.transpose %squeeze3A_341, [1, 0] : vector<256x64xf32> -> vector<64x256xf32>
    %swap3A_343 = arith.constant 38 : index
    %swap3A_344 = arith.constant 0 : index
    %swap3A_345 = arith.constant 0 : index
    %swap3A_346 = vector.load %arg2[%swap3A_343, %swap3A_344, %swap3A_345] : memref<50x64x256xf32, #tpu.memory_space<vmem>>, vector<1x64x256xf32>
    %swap3A_347 = vector.shape_cast %swap3A_346 : vector<1x64x256xf32> to vector<64x256xf32>
    %swap3A_348 = vector.shape_cast %transpose3A_342 : vector<64x256xf32> to vector<1x64x256xf32>
    tpu.vector_store %arg2[%swap3A_343, %swap3A_344, %swap3A_345], %swap3A_348 {strides = array<i32>} : memref<50x64x256xf32, #tpu.memory_space<vmem>>, vector<1x64x256xf32>,
    %slice3A_349 = vector.extract_strided_slice %reshape3A {offsets = [0, 14, 64], sizes = [256, 1, 64], strides = [1, 1, 1]} : vector<256x25x128xf32> to vector<256x1x64xf32>
    %squeeze3A_350 = vector.shape_cast %slice3A_349 : vector<256x1x64xf32> to vector<256x64xf32>
    %transpose3A_351 = tpu.transpose %squeeze3A_350, [1, 0] : vector<256x64xf32> -> vector<64x256xf32>
    %swap3A_352 = arith.constant 39 : index
    %swap3A_353 = arith.constant 0 : index
    %swap3A_354 = arith.constant 0 : index
    %swap3A_355 = vector.load %arg2[%swap3A_352, %swap3A_353, %swap3A_354] : memref<50x64x256xf32, #tpu.memory_space<vmem>>, vector<1x64x256xf32>
    %swap3A_356 = vector.shape_cast %swap3A_355 : vector<1x64x256xf32> to vector<64x256xf32>
    %swap3A_357 = vector.shape_cast %transpose3A_351 : vector<64x256xf32> to vector<1x64x256xf32>
    tpu.vector_store %arg2[%swap3A_352, %swap3A_353, %swap3A_354], %swap3A_357 {strides = array<i32>} : memref<50x64x256xf32, #tpu.memory_space<vmem>>, vector<1x64x256xf32>,
    %slice3A_358 = vector.extract_strided_slice %reshape3A {offsets = [0, 15, 64], sizes = [256, 1, 64], strides = [1, 1, 1]} : vector<256x25x128xf32> to vector<256x1x64xf32>
    %squeeze3A_359 = vector.shape_cast %slice3A_358 : vector<256x1x64xf32> to vector<256x64xf32>
    %transpose3A_360 = tpu.transpose %squeeze3A_359, [1, 0] : vector<256x64xf32> -> vector<64x256xf32>
    %swap3A_361 = arith.constant 40 : index
    %swap3A_362 = arith.constant 0 : index
    %swap3A_363 = arith.constant 0 : index
    %swap3A_364 = vector.load %arg2[%swap3A_361, %swap3A_362, %swap3A_363] : memref<50x64x256xf32, #tpu.memory_space<vmem>>, vector<1x64x256xf32>
    %swap3A_365 = vector.shape_cast %swap3A_364 : vector<1x64x256xf32> to vector<64x256xf32>
    %swap3A_366 = vector.shape_cast %transpose3A_360 : vector<64x256xf32> to vector<1x64x256xf32>
    tpu.vector_store %arg2[%swap3A_361, %swap3A_362, %swap3A_363], %swap3A_366 {strides = array<i32>} : memref<50x64x256xf32, #tpu.memory_space<vmem>>, vector<1x64x256xf32>,
    %slice3A_367 = vector.extract_strided_slice %reshape3A {offsets = [0, 16, 64], sizes = [256, 1, 64], strides = [1, 1, 1]} : vector<256x25x128xf32> to vector<256x1x64xf32>
    %squeeze3A_368 = vector.shape_cast %slice3A_367 : vector<256x1x64xf32> to vector<256x64xf32>
    %transpose3A_369 = tpu.transpose %squeeze3A_368, [1, 0] : vector<256x64xf32> -> vector<64x256xf32>
    %swap3A_370 = arith.constant 41 : index
    %swap3A_371 = arith.constant 0 : index
    %swap3A_372 = arith.constant 0 : index
    %swap3A_373 = vector.load %arg2[%swap3A_370, %swap3A_371, %swap3A_372] : memref<50x64x256xf32, #tpu.memory_space<vmem>>, vector<1x64x256xf32>
    %swap3A_374 = vector.shape_cast %swap3A_373 : vector<1x64x256xf32> to vector<64x256xf32>
    %swap3A_375 = vector.shape_cast %transpose3A_369 : vector<64x256xf32> to vector<1x64x256xf32>
    tpu.vector_store %arg2[%swap3A_370, %swap3A_371, %swap3A_372], %swap3A_375 {strides = array<i32>} : memref<50x64x256xf32, #tpu.memory_space<vmem>>, vector<1x64x256xf32>,
    %slice3A_376 = vector.extract_strided_slice %reshape3A {offsets = [0, 17, 64], sizes = [256, 1, 64], strides = [1, 1, 1]} : vector<256x25x128xf32> to vector<256x1x64xf32>
    %squeeze3A_377 = vector.shape_cast %slice3A_376 : vector<256x1x64xf32> to vector<256x64xf32>
    %transpose3A_378 = tpu.transpose %squeeze3A_377, [1, 0] : vector<256x64xf32> -> vector<64x256xf32>
    %swap3A_379 = arith.constant 42 : index
    %swap3A_380 = arith.constant 0 : index
    %swap3A_381 = arith.constant 0 : index
    %swap3A_382 = vector.load %arg2[%swap3A_379, %swap3A_380, %swap3A_381] : memref<50x64x256xf32, #tpu.memory_space<vmem>>, vector<1x64x256xf32>
    %swap3A_383 = vector.shape_cast %swap3A_382 : vector<1x64x256xf32> to vector<64x256xf32>
    %swap3A_384 = vector.shape_cast %transpose3A_378 : vector<64x256xf32> to vector<1x64x256xf32>
    tpu.vector_store %arg2[%swap3A_379, %swap3A_380, %swap3A_381], %swap3A_384 {strides = array<i32>} : memref<50x64x256xf32, #tpu.memory_space<vmem>>, vector<1x64x256xf32>,
    %slice3A_385 = vector.extract_strided_slice %reshape3A {offsets = [0, 18, 64], sizes = [256, 1, 64], strides = [1, 1, 1]} : vector<256x25x128xf32> to vector<256x1x64xf32>
    %squeeze3A_386 = vector.shape_cast %slice3A_385 : vector<256x1x64xf32> to vector<256x64xf32>
    %transpose3A_387 = tpu.transpose %squeeze3A_386, [1, 0] : vector<256x64xf32> -> vector<64x256xf32>
    %swap3A_388 = arith.constant 43 : index
    %swap3A_389 = arith.constant 0 : index
    %swap3A_390 = arith.constant 0 : index
    %swap3A_391 = vector.load %arg2[%swap3A_388, %swap3A_389, %swap3A_390] : memref<50x64x256xf32, #tpu.memory_space<vmem>>, vector<1x64x256xf32>
    %swap3A_392 = vector.shape_cast %swap3A_391 : vector<1x64x256xf32> to vector<64x256xf32>
    %swap3A_393 = vector.shape_cast %transpose3A_387 : vector<64x256xf32> to vector<1x64x256xf32>
    tpu.vector_store %arg2[%swap3A_388, %swap3A_389, %swap3A_390], %swap3A_393 {strides = array<i32>} : memref<50x64x256xf32, #tpu.memory_space<vmem>>, vector<1x64x256xf32>,
    %slice3A_394 = vector.extract_strided_slice %reshape3A {offsets = [0, 19, 64], sizes = [256, 1, 64], strides = [1, 1, 1]} : vector<256x25x128xf32> to vector<256x1x64xf32>
    %squeeze3A_395 = vector.shape_cast %slice3A_394 : vector<256x1x64xf32> to vector<256x64xf32>
    %transpose3A_396 = tpu.transpose %squeeze3A_395, [1, 0] : vector<256x64xf32> -> vector<64x256xf32>
    %swap3A_397 = arith.constant 44 : index
    %swap3A_398 = arith.constant 0 : index
    %swap3A_399 = arith.constant 0 : index
    %swap3A_400 = vector.load %arg2[%swap3A_397, %swap3A_398, %swap3A_399] : memref<50x64x256xf32, #tpu.memory_space<vmem>>, vector<1x64x256xf32>
    %swap3A_401 = vector.shape_cast %swap3A_400 : vector<1x64x256xf32> to vector<64x256xf32>
    %swap3A_402 = vector.shape_cast %transpose3A_396 : vector<64x256xf32> to vector<1x64x256xf32>
    tpu.vector_store %arg2[%swap3A_397, %swap3A_398, %swap3A_399], %swap3A_402 {strides = array<i32>} : memref<50x64x256xf32, #tpu.memory_space<vmem>>, vector<1x64x256xf32>,
    %slice3A_403 = vector.extract_strided_slice %reshape3A {offsets = [0, 20, 64], sizes = [256, 1, 64], strides = [1, 1, 1]} : vector<256x25x128xf32> to vector<256x1x64xf32>
    %squeeze3A_404 = vector.shape_cast %slice3A_403 : vector<256x1x64xf32> to vector<256x64xf32>
    %transpose3A_405 = tpu.transpose %squeeze3A_404, [1, 0] : vector<256x64xf32> -> vector<64x256xf32>
    %swap3A_406 = arith.constant 45 : index
    %swap3A_407 = arith.constant 0 : index
    %swap3A_408 = arith.constant 0 : index
    %swap3A_409 = vector.load %arg2[%swap3A_406, %swap3A_407, %swap3A_408] : memref<50x64x256xf32, #tpu.memory_space<vmem>>, vector<1x64x256xf32>
    %swap3A_410 = vector.shape_cast %swap3A_409 : vector<1x64x256xf32> to vector<64x256xf32>
    %swap3A_411 = vector.shape_cast %transpose3A_405 : vector<64x256xf32> to vector<1x64x256xf32>
    tpu.vector_store %arg2[%swap3A_406, %swap3A_407, %swap3A_408], %swap3A_411 {strides = array<i32>} : memref<50x64x256xf32, #tpu.memory_space<vmem>>, vector<1x64x256xf32>,
    %slice3A_412 = vector.extract_strided_slice %reshape3A {offsets = [0, 21, 64], sizes = [256, 1, 64], strides = [1, 1, 1]} : vector<256x25x128xf32> to vector<256x1x64xf32>
    %squeeze3A_413 = vector.shape_cast %slice3A_412 : vector<256x1x64xf32> to vector<256x64xf32>
    %transpose3A_414 = tpu.transpose %squeeze3A_413, [1, 0] : vector<256x64xf32> -> vector<64x256xf32>
    %swap3A_415 = arith.constant 46 : index
    %swap3A_416 = arith.constant 0 : index
    %swap3A_417 = arith.constant 0 : index
    %swap3A_418 = vector.load %arg2[%swap3A_415, %swap3A_416, %swap3A_417] : memref<50x64x256xf32, #tpu.memory_space<vmem>>, vector<1x64x256xf32>
    %swap3A_419 = vector.shape_cast %swap3A_418 : vector<1x64x256xf32> to vector<64x256xf32>
    %swap3A_420 = vector.shape_cast %transpose3A_414 : vector<64x256xf32> to vector<1x64x256xf32>
    tpu.vector_store %arg2[%swap3A_415, %swap3A_416, %swap3A_417], %swap3A_420 {strides = array<i32>} : memref<50x64x256xf32, #tpu.memory_space<vmem>>, vector<1x64x256xf32>,
    %slice3A_421 = vector.extract_strided_slice %reshape3A {offsets = [0, 22, 64], sizes = [256, 1, 64], strides = [1, 1, 1]} : vector<256x25x128xf32> to vector<256x1x64xf32>
    %squeeze3A_422 = vector.shape_cast %slice3A_421 : vector<256x1x64xf32> to vector<256x64xf32>
    %transpose3A_423 = tpu.transpose %squeeze3A_422, [1, 0] : vector<256x64xf32> -> vector<64x256xf32>
    %swap3A_424 = arith.constant 47 : index
    %swap3A_425 = arith.constant 0 : index
    %swap3A_426 = arith.constant 0 : index
    %swap3A_427 = vector.load %arg2[%swap3A_424, %swap3A_425, %swap3A_426] : memref<50x64x256xf32, #tpu.memory_space<vmem>>, vector<1x64x256xf32>
    %swap3A_428 = vector.shape_cast %swap3A_427 : vector<1x64x256xf32> to vector<64x256xf32>
    %swap3A_429 = vector.shape_cast %transpose3A_423 : vector<64x256xf32> to vector<1x64x256xf32>
    tpu.vector_store %arg2[%swap3A_424, %swap3A_425, %swap3A_426], %swap3A_429 {strides = array<i32>} : memref<50x64x256xf32, #tpu.memory_space<vmem>>, vector<1x64x256xf32>,
    %slice3A_430 = vector.extract_strided_slice %reshape3A {offsets = [0, 23, 64], sizes = [256, 1, 64], strides = [1, 1, 1]} : vector<256x25x128xf32> to vector<256x1x64xf32>
    %squeeze3A_431 = vector.shape_cast %slice3A_430 : vector<256x1x64xf32> to vector<256x64xf32>
    %transpose3A_432 = tpu.transpose %squeeze3A_431, [1, 0] : vector<256x64xf32> -> vector<64x256xf32>
    %swap3A_433 = arith.constant 48 : index
    %swap3A_434 = arith.constant 0 : index
    %swap3A_435 = arith.constant 0 : index
    %swap3A_436 = vector.load %arg2[%swap3A_433, %swap3A_434, %swap3A_435] : memref<50x64x256xf32, #tpu.memory_space<vmem>>, vector<1x64x256xf32>
    %swap3A_437 = vector.shape_cast %swap3A_436 : vector<1x64x256xf32> to vector<64x256xf32>
    %swap3A_438 = vector.shape_cast %transpose3A_432 : vector<64x256xf32> to vector<1x64x256xf32>
    tpu.vector_store %arg2[%swap3A_433, %swap3A_434, %swap3A_435], %swap3A_438 {strides = array<i32>} : memref<50x64x256xf32, #tpu.memory_space<vmem>>, vector<1x64x256xf32>,
    %slice3A_439 = vector.extract_strided_slice %reshape3A {offsets = [0, 24, 64], sizes = [256, 1, 64], strides = [1, 1, 1]} : vector<256x25x128xf32> to vector<256x1x64xf32>
    %squeeze3A_440 = vector.shape_cast %slice3A_439 : vector<256x1x64xf32> to vector<256x64xf32>
    %transpose3A_441 = tpu.transpose %squeeze3A_440, [1, 0] : vector<256x64xf32> -> vector<64x256xf32>
    %swap3A_442 = arith.constant 49 : index
    %swap3A_443 = arith.constant 0 : index
    %swap3A_444 = arith.constant 0 : index
    %swap3A_445 = vector.load %arg2[%swap3A_442, %swap3A_443, %swap3A_444] : memref<50x64x256xf32, #tpu.memory_space<vmem>>, vector<1x64x256xf32>
    %swap3A_446 = vector.shape_cast %swap3A_445 : vector<1x64x256xf32> to vector<64x256xf32>
    %swap3A_447 = vector.shape_cast %transpose3A_441 : vector<64x256xf32> to vector<1x64x256xf32>
    tpu.vector_store %arg2[%swap3A_442, %swap3A_443, %swap3A_444], %swap3A_447 {strides = array<i32>} : memref<50x64x256xf32, #tpu.memory_space<vmem>>, vector<1x64x256xf32>,
    return
  }
  func.func @transform_0(%arg0: i32) -> (i32, i32) {
    %c0_i32 = arith.constant 0 : i32
    %c0_i32_0 = arith.constant 0 : i32
    return %arg0, %c0_i32 : i32, i32
  }
  func.func @transform_1(%arg0: i32) -> (i32, i32, i32) {
    %c0_i32 = arith.constant 0 : i32
    %c0_i32_0 = arith.constant 0 : i32
    %c0_i32_1 = arith.constant 0 : i32
    return %c0_i32, %c0_i32_0, %arg0 : i32, i32, i32
  }
}

</mosaic_0001>

<sc_bundles>
// kernel: kernel.4.cloned.1.call-start
scs
__scs_entry_jumppad:
0x0: {  	(pc) =	sbr.rel $0x88, $3  }
0x1: {  	(tag) =	ssettag $0x0;
	lr =	simm.s32 $0x1  }
0x2: {  	[smem:$0x3F9E] =	sst lr;
	_ =	strace $0xD0000000  }
0x3: {  	_ = 	snop  }
0x4: {  	_ = 	snop  }
0x5: {  	_ = 	snop  }
0x6: {  	_ = 	snop  }
0x7: {  	_ = 	snop  }
__scs_overlays_trampoline_lowered:
0x8: {  	[smem:$0x3FAD] =	sst s0  }
0x9: {  	[smem:$0x3FAE] =	sst s1  }
0xa: {  	[smem:$0x3FAF] =	sst s2  }
0xb: {  	[smem:$0x3FB0] =	sst s3  }
0xc: {  	[smem:$0x3FB1] =	sst s4  }
0xd: {  	[smem:$0x3FB2] =	sst s5  }
0xe: {  	[smem:$0x3FB3] =	sst s6  }
0xf: {  	[smem:$0x3FB4] =	sst s7  }
0x10: {  	[smem:$0x3FB5] =	sst s8  }
0x11: {  	[smem:$0x3FB6] =	sst s9;
	s0 =	simm.s32 @!p0 $0x0  }
0x12: {  	s1 =	sld [smem:$0x3F9C];
	s0 =	simm.s32 @p0 $0x1  }
0x13: {  	[smem:$0x3FB7] =	sst s0;
	s0 =	simm.s32 @!p1 $0x0  }
0x14: {  	s2 =	sld [smem:$0x3F9B];
	s0 =	simm.s32 @p1 $0x1  }
0x15: {  	[smem:$0x3FB8] =	sst s0;
	s0 =	simm.s32 @!p2 $0x0  }
0x16: {  	s3 =	sld [smem:$0x3FDB];
	s0 =	simm.s32 @p2 $0x1  }
0x17: {  	s4 =	simm.s32 $0x1BF5;
	[smem:$0x3FBA] =	sst s0  }
0x18: {  	s0 =	sld [smem:$0x3F9D];
	_ =	swait.ge [sflag:s4], $0x0  }
0x19: {  	s7 =	sld [smem:$0x3F9E]  }
0x1a: {  	s8 =	sadd.s32 $0xFFFFE003, lr  }
0x1b: {  	s9 =	sadd.s32 $0xFFFFFEF7, lr;
	s5 =	simm.s32 $0xFFFFFFFF;
	p2 =	slt.u32 s8, $0xFFFFF086  }
0x1c: {  	p1 =	slt.u32 s9, $0xF7A;
	s5 =	simm.s32 @!p2 $0x0  }
0x1d: {  	s5 =	simm.s32 @p1 $0x1;
	p0 =	seq.s32 s7, s2  }
0x1e: {  	s7 =	smul.u32 @!p0 $0xF7A, s2;
	p2 =	seq.s32 @!p0 s5, $0x0  }
0x1f: {  	s9 =	smul.u32 $0xF7A, s1;
	s8 =	simm.s32 @!p0 $0x1BF5;
	p2 =	por !p2, p0  }
0x20: {  	[sflag:s8] =	ssyncset.s32 @!p0 $0xFFFFF086;
	s6 =	sadd.s32 @!p0 s3, s7;
	s7 =	simm.s32 @!p0 $0x108  }
0x21: {  	s3 =	sadd.s32 s3, s9;
	s6 =	sadd.s32 @!p0 $0x88, s6;
	s7 =	simm.s32 @p2 $0x1082  }
0x22: {  	[simem:s7], [sflag:s8] =	dma.local @!p0 [hbm:s6], $0xF7A  }
0x23: {  	s9 =	sor.u32 $0xD0000000, s2;
	s6 =	simm.s32 $0x108;
	_ =	swait.ge @!p0 [sflag:s8], $0x0  }
0x24: {  	s3 =	sadd.s32 $0x88, s3;
	s6 =	simm.s32 @!p1 $0x1082;
	[sflag:s4] =	ssyncset.s32 $0xFFFFF086  }
0x25: {  	[simem:s6], [sflag:s4] =	dma.local [hbm:s3], $0xF7A  }
0x26: {  	[smem:$0x3F9E] =	sst s1;
	(tag) =	ssettag s2;
	_ =	strace s9  }
0x27: {  	s1 =	sld [smem:$0x3FAE]  }
0x28: {  	s2 =	sld [smem:$0x3FAF]  }
0x29: {  	s4 =	sld [smem:$0x3FB1]  }
0x2a: {  	p0 =	seq.s32 s5, $0x0;
	s5 =	sld [smem:$0x3FB2]  }
0x2b: {  	s6 =	sld [smem:$0x3FB3]  }
0x2c: {  	s7 =	sld [smem:$0x3FB4]  }
0x2d: {  	s3 =	simm.s32 $0x108;
	s8 =	sld [smem:$0x3FB5]  }
0x2e: {  	s3 =	simm.s32 @!p0 $0x1082;
	s9 =	sld [smem:$0x3FB6]  }
0x2f: {  	lr =	sadd.s32 s0, s3;
	s0 =	sld [smem:$0x3FAD]  }
0x30: {  	s3 =	sld [smem:$0x3FB0]  }
0x31: {  	[smem:$0x3FB9] =	sst s10  }
0x32: {  	s10 =	sld [smem:$0x3FB7];
	_ =	sdelay $0x3  }
0x33: {  	p0 =	seq.s32 s10, $0x1;
	s10 =	sld [smem:$0x3FB9];
	_ =	sdelay $0x3  }
0x34: {  	[smem:$0x3FB9] =	sst s10  }
0x35: {  	s10 =	sld [smem:$0x3FB8];
	_ =	sdelay $0x3  }
0x36: {  	p1 =	seq.s32 s10, $0x1;
	s10 =	sld [smem:$0x3FB9];
	_ =	sdelay $0x3  }
0x37: {  	[smem:$0x3FB9] =	sst s10  }
0x38: {  	s10 =	sld [smem:$0x3FBA]  }
0x39: {  	_ = 	snop;
	(pc) =	sbr.ind lr, $3  }
0x3a: {  	_ = 	snop  }
0x3b: {  	_ = 	snop  }
0x3c: {  	p2 =	seq.s32 s10, $0x1;
	s10 =	sld [smem:$0x3FB9]  }
0x3d: {  	_ =	shalt  }
0x3e: {  	_ =	shalt  }
0x3f: {  	_ =	shalt  }
0x40: {  	_ =	shalt  }
0x41: {  	_ =	shalt  }
0x42: {  	_ =	shalt  }
0x43: {  	_ =	shalt  }
0x44: {  	_ =	shalt  }
0x45: {  	_ =	shalt  }
0x46: {  	_ =	shalt  }
0x47: {  	_ =	shalt  }
0x48: {  	_ =	shalt  }
0x49: {  	_ =	shalt  }
0x4a: {  	_ =	shalt  }
0x4b: {  	_ =	shalt  }
0x4c: {  	_ =	shalt  }
0x4d: {  	_ =	shalt  }
0x4e: {  	_ =	shalt  }
0x4f: {  	_ =	shalt  }
0x50: {  	_ =	shalt  }
0x51: {  	_ =	shalt  }
0x52: {  	_ =	shalt  }
0x53: {  	_ =	shalt  }
0x54: {  	_ =	shalt  }
0x55: {  	_ =	shalt  }
0x56: {  	_ =	shalt  }
0x57: {  	_ =	shalt  }
0x58: {  	_ =	shalt  }
0x59: {  	_ =	shalt  }
0x5a: {  	_ =	shalt  }
0x5b: {  	_ =	shalt  }
0x5c: {  	_ =	shalt  }
0x5d: {  	_ =	shalt  }
0x5e: {  	_ =	shalt  }
0x5f: {  	_ =	shalt  }
0x60: {  	_ =	shalt  }
0x61: {  	_ =	shalt  }
0x62: {  	_ =	shalt  }
0x63: {  	_ =	shalt  }
0x64: {  	_ =	shalt  }
0x65: {  	_ =	shalt  }
0x66: {  	_ =	shalt  }
0x67: {  	_ =	shalt  }
0x68: {  	_ =	shalt  }
0x69: {  	_ =	shalt  }
0x6a: {  	_ =	shalt  }
0x6b: {  	_ =	shalt  }
0x6c: {  	_ =	shalt  }
0x6d: {  	_ =	shalt  }
0x6e: {  	_ =	shalt  }
0x6f: {  	_ =	shalt  }
0x70: {  	_ =	shalt  }
0x71: {  	_ =	shalt  }
0x72: {  	_ =	shalt  }
0x73: {  	_ =	shalt  }
0x74: {  	_ =	shalt  }
0x75: {  	_ =	shalt  }
0x76: {  	_ =	shalt  }
0x77: {  	_ =	shalt  }
0x78: {  	_ =	shalt  }
0x79: {  	_ =	shalt  }
0x7a: {  	_ =	shalt  }
0x7b: {  	_ =	shalt  }
0x7c: {  	_ =	shalt  }
0x7d: {  	_ =	shalt  }
0x7e: {  	_ =	shalt  }
0x7f: {  	_ =	shalt  }
0x80: {  	_ =	shalt  }
0x81: {  	_ =	shalt  }
0x82: {  	_ =	shalt  }
0x83: {  	_ =	shalt  }
0x84: {  	_ =	shalt  }
0x85: {  	_ =	shalt  }
0x86: {  	_ =	shalt  }
0x87: {  	_ =	shalt  }
.Lfunc_end0:
.L_simem_size_0:
called_computation_lowered:
.L_overlay_start_0:
0x88: {  	s2 =	sld [smem:$0x3FD9]  }
0x89: {  	s3 =	sld [smem:$0x3FFE];
	_ =	sdelay $0x1  }
0x8a: {  	s1 =	srdreg.scid  }
0x8b: {  	s0 =	sand.u32 $0x1, s1  }
0x8c: {  	s17 =	sshll.u32 s0, $0xA;
	s2 =	sadd.s32 s3, s2  }
0x8d: {  	s2 =	sadd.s32 s2, s17  }
0x8e: {  	[smem:$0x3FC5] =	sst s2  }
0x8f: {  	_ = 	snop  }
0x90: {  	s2 =	sld [smem:$0x3FD0];
	(tm) =	ssettm $0x1  }
0x91: {  	s18 =	sld [smem:$0x3FFB];
	_ =	sdelay $0x3  }
0x92: {  	_ =	strace s18  }
0x93: {  	s3 =	sld [smem:$0x3FFC];
	_ =	sdelay $0x3  }
0x94: {  	_ =	strace s3  }
0x95: {  	s3 =	sld [smem:$0x3FFD];
	_ =	sdelay $0x3  }
0x96: {  	_ =	strace s3  }
0x97: {  	_ =	strace $0x8FFFFFFF  }
0x98: {  	s19 =	sld [smem:$0x3FDB];
	_ =	sdelay $0x1  }
0x99: {  	s4 =	simm.s32 $_scs_section_size  }
0x9a: {  	s5 =	simm.s32 $_size__tile_overlayer_lowered;
	s6 =	simm.s32 $_tile_overlayer_lowered  }
0x9b: {  	s22 =	simm.s32 $0x1BFF;
	s21 =	sshll.u32 s6, $0x1;
	s3 =	sadd.s32 s4, s19  }
0x9c: {  	s7 =	simm.s32 $0x0;
	s20 =	sshll.u32 s5, $0x1;
	s5 =	sadd.s32 s21, s3  }
0x9d: {  	[timem:s7], [sflag:s22] =	dma.local [hbm:s5], s20  }
0x9e: {  	_ =	swait.ge [sflag:s22], s20  }
0x9f: {  	s4 =	ssub.s32 $0x0, s20;
	[sflag:s22] =	ssyncset.done $0x0  }
0xa0: {  	[sflag:s22] =	ssyncadd.s32 s4;
	_ =	sdelay $0x1  }
0xa1: {  	s23 =	simm.s32 $0x1B8B  }
0xa2: {  	_ =	swait.ge [sflag:s23], $0x1  }
0xa3: {  	[sflag:s23] =	ssyncset.done $0x0  }
0xa4: {  	s25 =	simm.s32 $0x1B8E;
	s24 =	sld [smem:$0x3FFE];
	[sflag:s23] =	ssyncadd.s32 $0xFFFFFFFF  }
0xa5: {  	s26 =	simm.s32 $execute0_lowered;
	[smem:$0x3FD2] =	sst s25  }
0xa6: {  	s5 =	sshll.u32 s26, $0x1;
	_ =	strace $0x80000046;
	[dreg:$0x1] =	wrdreg $0xFFFFFFFF  }
0xa7: {  	s28 =	simm.s32 $_size_execute0_lowered;
	s3 =	sadd.s32 s3, s5;
	[dreg:$0x0] =	wrdreg $0x0  }
0xa8: {  	s5 =	sshll.u32 s28, $0x1;
	[dreg:$0x2] =	wrdreg s3  }
0xa9: {  	[dreg:$0x3] =	wrdreg s5  }
0xaa: {  	[dreg:$0x4] =	wrdreg $0xC0  }
0xab: {  	_ =	task [dreg:s7], $0x5FFFF  }
0xac: {  	[dreg:$0x1] =	wrdreg $0xFFFFFFFF  }
0xad: {  	[dreg:$0x0] =	wrdreg $0x60  }
0xae: {  	[dreg:$0x2] =	wrdreg s24  }
0xaf: {  	[dreg:$0x3] =	wrdreg s2  }
0xb0: {  	[dreg:$0x4] =	wrdreg $0x9  }
0xb1: {  	_ =	task.clear_ibuf [dreg:s7], $0x5FFFF;
	_ =	strace $0x90000046  }
0xb2: {  	s29 =	simm.s32 $0x9;
	_ =	strace $0x80000048  }
0xb3: {  	_ =	swait.ge [sflag:s29], $0x1  }
0xb4: {  	[sflag:s29] =	ssyncadd.s32 $0xFFFFFFFF  }
0xb5: {  	_ =	strace $0x90000048  }
0xb6: {  	_ =	sfence  }
0xb7: {  	s30 =	sld [smem:$0x0];
	_ =	sdelay $0x2  }
0xb8: {  	s31 =	sshll.u32 s1, $0xD;
	s1 =	sshrl.u32 s1, $0x2  }
0xb9: {  	s3 =	sand.u32 $0x4000, s31;
	s1 =	sadd.s32 s1, s30  }
0xba: {  	s0 =	sor.u32 s3, s0;
	s1 =	sshll.u32 s1, $0x11  }
0xbb: {  	s0 =	sor.u32 s1, s0  }
0xbc: {  	s0 =	sadd.s32 $0x8F2B, s0  }
0xbd: {  	[sflag:s0] =	ssyncadd.remote.s32 $0x1  }
0xbe: {  	_ =	sfence.sel $0xFFFF  }
0xbf: {  	[dreg:$0x0] =	wrdreg $0xFFFFFFFF;
	(pc) =	sbr.abs _section_cstart, $3  }
0xc0: {  	[dreg:$0x1] =	wrdreg $0xFFFFFFFF  }
0xc1: {  	_ =	task.clear_ibuf [dreg:s7], $0x2FFFF;
	_ =	strace $0x9FFFFFFF  }
0xc2: {  	(tm) =	ssettm $0x7FFFFFFF  }
0xc3: {  	_ =	shalt  }
tec
execute0_lowered:
.L_overlay_start_1:
0x0: {  	(tag) =	ssettag $0x1  }
0x1: {  	s0 =	srdreg.scid;
	s3 =	rddreg [dreg:$0x0]  }
0x2: {  	s9 =	stileid.u32;
	s2 =	rddreg [dreg:$0x1]  }
0x3: {  	s5 =	simm.s32 $0x0;
	s11 =	simm.s32 $0x4100;
	s12 =	simm.s32 $0x7300  }
0x4: {  	s13 =	simm.s32 $0xA;
	s28 =	simm.s32 $0xA500;
	s29 =	simm.s32 $0x14500  }
0x5: {  	s31 =	simm.s32 $0xCD00;
	s30 =	simm.s32 $0x80;
	s14 =	simm.s32 $0x8  }
0x6: {  	s15 =	simm.s32 $0x9;
	s0 =	sand.u32 $0x1, s0;
	s1 =	sshll.u32 s9, $0x1  }
0x7: {  	[smem:$0x7FF] =	sst s5;
	s16 =	sshll.u32 s9, $0x6;
	s10 =	sadd.s32 $0x19E00, s3  }
0x8: {  	s9 =	smul.u32 $0x6400, s9;
	s1 =	sor.u32 s0, s1;
	_ =	strace $0x80000047  }
0x9: {  	s5 =	smin.u32 s16, $0x3A8;
	s7 =	ssub.s32 $0x2, s0;
	s0 =	smul.u32 $0x3200, s0  }
0xa: {  	s16 =	simm.s32 $0x0;
	[dreg:$0x3] =	wrdreg s10;
	s4 =	smul.u32 $0x3200, s1  }
0xb: {  	s6 =	sadd.s32 s5, s3;
	s8 =	sshrl.u32 s7, $0x1;
	s1 =	smul.u32 $0x32000, s1  }
0xc: {  	s20 =	sshll.u32 s5, $0x3;
	s7 =	ssub.s32 s7, s8;
	s18 =	sadd.s32 $0xA00, s6  }
0xd: {  	s19 =	sadd.s32 $0xA20, s6;
	s4 =	sshrl.u32 s4, $0x3;
	[dreg:$0x6] =	wrdreg s18  }
0xe: {  	[dreg:$0x7] =	wrdreg s19;
	s23 =	smax.u32 s7, $0x1;
	s4 =	sadd.s32 s4, s3  }
0xf: {  	s5 =	simm.s32 $0x19500;
	[dreg:$0xd] =	wrdreg s23;
	s17 =	sadd.s32 $0xD600, s4  }
0x10: {  	s3 =	sadd.s32 $0xDD400, s3;
	s4 =	sadd.s32 $0xE00, s4;
	[dreg:$0x4] =	wrdreg s17  }
0x11: {  	s0 =	sadd.s32 s0, s9;
	s1 =	sadd.s32 s3, s1;
	[dreg:$0x5] =	wrdreg s4  }
0x12: {  	s6 =	simm.s32 $0x3;
	s4 =	sadd.s32 s2, s20;
	[dreg:$0x9] =	wrdreg s1  }
0x13: {  	s8 =	simm.s32 $0x1BD00;
	s21 =	sadd.s32 $0xA00, s1;
	[dreg:$0x8] =	wrdreg s4  }
0x14: {  	s0 =	sshll.u32 s0, $0x4;
	s22 =	sadd.s32 $0x1400, s1;
	[dreg:$0xa] =	wrdreg s21  }
0x15: {  	s0 =	sadd.s32 s3, s0;
	s1 =	sadd.s32 $0x1E00, s1;
	[dreg:$0xb] =	wrdreg s22  }
0x16: {  	s9 =	simm.s32 $0x4;
	s24 =	sadd.s32 $0x4600, s0;
	[dreg:$0xc] =	wrdreg s1  }
0x17: {  	s7 =	simm.s32 $0x11D00;
	s25 =	sadd.s32 $0x3C00, s0;
	[dreg:$0xe] =	wrdreg s24  }
.Ltmp0:
0x18: {  	s26 =	sadd.s32 $0x3200, s0;
	[dreg:$0xf] =	wrdreg s25;
	(pc) =	sbr.rel .LBB2_1-.Ltmp0, $4  }
0x19: {  	s19 =	simm.s32 $0x6;
	s0 =	sadd.s32 $0x2800, s0;
	[dreg:$0x10] =	wrdreg s26  }
0x1a: {  	s23 =	simm.s32 $0x2;
	s20 =	simm.s32 $0x5;
	[dreg:$0x11] =	wrdreg s0  }
0x1b: {  	s21 =	simm.s32 $0x100;
	s26 =	simm.s32 $0xA0;
	s0 =	simm.s32 $0x16D00  }
0x1c: {  	s24 =	simm.s32 $0x40;
	s1 =	simm.s32 $0xF500;
	s22 =	simm.s32 $0x7  }
.LBB2_8:
0x1d: {  	_ =	swait.ge [sflag:s14], $0x2800  }
0x1e: {  	[sflag:s14] =	ssyncset.done $0x0  }
0x1f: {  	[sflag:s14] =	ssyncadd.s32 $0xFFFFD800  }
0x20: {  	_ =	swait.ge [sflag:s14], $0x2800  }
0x21: {  	[sflag:s14] =	ssyncset.done $0x0  }
0x22: {  	[sflag:s14] =	ssyncadd.s32 $0xFFFFD800  }
0x23: {  	_ =	swait.ge [sflag:s15], $0x2800  }
0x24: {  	[sflag:s15] =	ssyncset.done $0x0  }
0x25: {  	[sflag:s15] =	ssyncadd.s32 $0xFFFFD800  }
0x26: {  	_ =	swait.ge [sflag:s15], $0x2800  }
0x27: {  	s16 =	sadd.s32 $0x1, s16;
	s3 =	rddreg [dreg:$0xd]  }
0x28: {  	p0 =	sne.s32 s16, s3  }
.Ltmp1:
0x29: {  	_ = 	snop;
	(pc) =	sbr.rel @!p0 .LBB2_9-.Ltmp1, $4  }
0x2a: {  	_ = 	snop  }
0x2b: {  	s11 =	simm.s32 $0x4100  }
0x2c: {  	s12 =	simm.s32 $0x7300;
	s13 =	simm.s32 $0xA;
	[sflag:s15] =	ssyncset.done $0x0  }
0x2d: {  	s21 =	simm.s32 $0x100;
	s10 =	rddreg [dreg:$0x3];
	[sflag:s15] =	ssyncadd.s32 $0xFFFFD800  }
.LBB2_1:
0x2e: {  	s3 =	simm.s32 $0x0;
	s4 =	rddreg [dreg:$0x4]  }
0x2f: {  	[tilespmem:s11], [sflag:$0x1] =	stream.linear.gather [hbm4b:s4+s3], $0x3200, $0x38;
	[tilespmem:$0x1F500] =	vst v63  }
0x30: {  	s18 =	rddreg [dreg:$0x5]  }
0x31: {  	[tilespmem:s12], [sflag:$0x1] =	stream.linear.gather [hbm4b:s18+s3], $0x3200, $0x38;
	[tilespmem:$0x1F500] =	vst v63  }
0x32: {  	s25 =	rddreg [dreg:$0x6]  }
0x33: {  	[tilespmem:s3], [sflag:$0xA] =	stream.linear.gather [hbm4b:s25+s3], $0x100, $0x38;
	[tilespmem:$0x1F500] =	vst v63  }
0x34: {  	_ =	swait.ge [sflag:s13], $0x100  }
0x35: {  	[sflag:s13] =	ssyncset.done $0x0  }
0x36: {  	[sflag:s13] =	ssyncadd.s32 $0xFFFFFF00  }
0x37: {  	[tilespmem:s21], [sflag:$0x2] =	stream.indirect.gather [hbm4b:s10+s21], $0x40, s3, s21, $0xb8;
	[tilespmem:$0x1F500] =	vst v63  }
0x38: {  	_ =	swait.ge [sflag:s23], $0x4000  }
0x39: {  	[sflag:s23] =	ssyncset.done $0x0  }
0x3a: {  	s17 =	simm.s32 $0x200;
	[sflag:s23] =	ssyncadd.s32 $0xFFFFC000  }
0x3b: {  	v0 =	vld [tilespmem:s17+$0xFFFFFF40]  }
0x3c: {  	v1 =	vld [tilespmem:s17+$0xFFFFFF00];
	_ =	sdelay $0x1  }
0x3d: {  	v2 =	vld [tilespmem:s17+$0xFFFFFF80];
	_ =	sdelay $0x1  }
0x3e: {  	v3 =	vld [tilespmem:s17+$0xFFFFFFC0]  }
0x3f: {  	v0 =	vadd.f32 v0, v1  }
0x40: {  	v1 =	vld [tilespmem:s17+$0x0]  }
0x41: {  	v0 =	vadd.f32 v2, v0  }
0x42: {  	v2 =	vld [tilespmem:s17+$0x40]  }
0x43: {  	v0 =	vadd.f32 v3, v0  }
0x44: {  	v3 =	vld [tilespmem:s17+$0x80]  }
0x45: {  	v0 =	vadd.f32 v1, v0  }
0x46: {  	v1 =	vld [tilespmem:s17+$0xC0]  }
0x47: {  	v0 =	vadd.f32 v2, v0;
	_ =	sdelay $0x1  }
0x48: {  	v0 =	vadd.f32 v3, v0;
	_ =	sdelay $0x1  }
0x49: {  	v0 =	vadd.f32 v1, v0  }
0x4a: {  	s18 =	simm.s32 $0x0  }
0x4b: {  	[tilespmem:s18+$0x1E500] =	vst v0  }
0x4c: {  	v0 =	vld [tilespmem:s17+$0xFFFFFF10]  }
0x4d: {  	v1 =	vld [tilespmem:s17+$0xFFFFFF50];
	_ =	sdelay $0x1  }
0x4e: {  	v2 =	vld [tilespmem:s17+$0xFFFFFF90];
	_ =	sdelay $0x1  }
0x4f: {  	v3 =	vld [tilespmem:s17+$0xFFFFFFD0]  }
0x50: {  	v0 =	vadd.f32 v1, v0  }
0x51: {  	v1 =	vld [tilespmem:s17+$0x10]  }
0x52: {  	v0 =	vadd.f32 v2, v0  }
0x53: {  	v2 =	vld [tilespmem:s17+$0x50]  }
0x54: {  	v0 =	vadd.f32 v3, v0  }
0x55: {  	v3 =	vld [tilespmem:s17+$0x90]  }
0x56: {  	v0 =	vadd.f32 v1, v0  }
0x57: {  	v1 =	vld [tilespmem:s17+$0xD0]  }
0x58: {  	v0 =	vadd.f32 v2, v0;
	_ =	sdelay $0x1  }
0x59: {  	v0 =	vadd.f32 v3, v0;
	_ =	sdelay $0x1  }
0x5a: {  	v0 =	vadd.f32 v1, v0;
	_ =	sdelay $0x1  }
0x5b: {  	[tilespmem:s18+$0x1E510] =	vst v0  }
0x5c: {  	v0 =	vld [tilespmem:s17+$0xFFFFFF20]  }
0x5d: {  	v1 =	vld [tilespmem:s17+$0xFFFFFF60];
	_ =	sdelay $0x1  }
0x5e: {  	v2 =	vld [tilespmem:s17+$0xFFFFFFA0];
	_ =	sdelay $0x1  }
0x5f: {  	v3 =	vld [tilespmem:s17+$0xFFFFFFE0]  }
0x60: {  	v0 =	vadd.f32 v1, v0  }
0x61: {  	v1 =	vld [tilespmem:s17+$0x20]  }
0x62: {  	v0 =	vadd.f32 v2, v0  }
0x63: {  	v2 =	vld [tilespmem:s17+$0x60]  }
0x64: {  	v0 =	vadd.f32 v3, v0  }
0x65: {  	v3 =	vld [tilespmem:s17+$0xA0]  }
0x66: {  	v0 =	vadd.f32 v1, v0  }
0x67: {  	v1 =	vld [tilespmem:s17+$0xE0]  }
0x68: {  	v0 =	vadd.f32 v2, v0;
	_ =	sdelay $0x1  }
0x69: {  	v0 =	vadd.f32 v3, v0;
	_ =	sdelay $0x1  }
0x6a: {  	v0 =	vadd.f32 v1, v0;
	_ =	sdelay $0x1  }
0x6b: {  	[tilespmem:s18+$0x1E520] =	vst v0  }
0x6c: {  	v0 =	vld [tilespmem:s17+$0xFFFFFF30]  }
0x6d: {  	v1 =	vld [tilespmem:s17+$0xFFFFFF70];
	_ =	sdelay $0x1  }
0x6e: {  	v2 =	vld [tilespmem:s17+$0xFFFFFFB0];
	_ =	sdelay $0x1  }
0x6f: {  	v3 =	vld [tilespmem:s17+$0xFFFFFFF0]  }
0x70: {  	v0 =	vadd.f32 v1, v0  }
0x71: {  	v1 =	vld [tilespmem:s17+$0x30]  }
0x72: {  	v0 =	vadd.f32 v2, v0;
	_ =	sdelay $0x1  }
0x73: {  	v2 =	vld [tilespmem:s17+$0x70];
	v0 =	vadd.f32 v3, v0;
	_ =	sdelay $0x1  }
0x74: {  	v3 =	vadd.f32 v1, v0;
	v1 =	vld [tilespmem:s17+$0xB0];
	_ =	sdelay $0x1  }
0x75: {  	v0 =	vld [tilespmem:s17+$0xF0]  }
0x76: {  	s3 =	simm.s32 $0x100;
	v2 =	vadd.f32 v2, v3  }
.LBB2_2:
0x77: {  	p0 =	sne.s32 s3, $0x1F00  }
0x78: {  	s17 =	sadd.s32 $0x200, s17;
	s4 =	smov.u32 s3;
	s3 =	sadd.s32 $0x100, s3;
	v1 =	vadd.f32 v1, v2  }
0x79: {  	_ = 	snop  }
0x7a: {  	v0 =	vadd.f32 v0, v1;
	_ =	sdelay $0x1  }
0x7b: {  	[tilespmem:s18+$0x1E530] =	vst v0  }
0x7c: {  	v0 =	vld [tilespmem:s17+$0xFFFFFF40]  }
0x7d: {  	v1 =	vld [tilespmem:s17+$0xFFFFFF00];
	_ =	sdelay $0x1  }
0x7e: {  	v2 =	vld [tilespmem:s17+$0xFFFFFF80];
	_ =	sdelay $0x1  }
0x7f: {  	v3 =	vld [tilespmem:s17+$0xFFFFFFC0]  }
0x80: {  	v0 =	vadd.f32 v0, v1  }
0x81: {  	v1 =	vld [tilespmem:s17+$0x0]  }
0x82: {  	v0 =	vadd.f32 v2, v0  }
0x83: {  	v2 =	vld [tilespmem:s17+$0x40]  }
0x84: {  	v0 =	vadd.f32 v3, v0  }
0x85: {  	v3 =	vld [tilespmem:s17+$0x80]  }
0x86: {  	v0 =	vadd.f32 v1, v0  }
0x87: {  	v1 =	vld [tilespmem:s17+$0xC0]  }
0x88: {  	v0 =	vadd.f32 v2, v0;
	_ =	sdelay $0x1  }
0x89: {  	v0 =	vadd.f32 v3, v0;
	_ =	sdelay $0x1  }
0x8a: {  	v0 =	vadd.f32 v1, v0  }
0x8b: {  	s18 =	sshra.s32 s4, $0x2  }
0x8c: {  	[tilespmem:s18+$0x1E500] =	vst v0  }
0x8d: {  	v0 =	vld [tilespmem:s17+$0xFFFFFF10]  }
0x8e: {  	v1 =	vld [tilespmem:s17+$0xFFFFFF50];
	_ =	sdelay $0x1  }
0x8f: {  	v2 =	vld [tilespmem:s17+$0xFFFFFF90];
	_ =	sdelay $0x1  }
0x90: {  	v3 =	vld [tilespmem:s17+$0xFFFFFFD0]  }
0x91: {  	v0 =	vadd.f32 v1, v0  }
0x92: {  	v1 =	vld [tilespmem:s17+$0x10]  }
0x93: {  	v0 =	vadd.f32 v2, v0  }
0x94: {  	v2 =	vld [tilespmem:s17+$0x50]  }
0x95: {  	v0 =	vadd.f32 v3, v0  }
0x96: {  	v3 =	vld [tilespmem:s17+$0x90]  }
0x97: {  	v0 =	vadd.f32 v1, v0  }
0x98: {  	v1 =	vld [tilespmem:s17+$0xD0]  }
0x99: {  	v0 =	vadd.f32 v2, v0;
	_ =	sdelay $0x1  }
0x9a: {  	v0 =	vadd.f32 v3, v0;
	_ =	sdelay $0x1  }
0x9b: {  	v0 =	vadd.f32 v1, v0;
	_ =	sdelay $0x1  }
0x9c: {  	[tilespmem:s18+$0x1E510] =	vst v0  }
0x9d: {  	v0 =	vld [tilespmem:s17+$0xFFFFFF20]  }
0x9e: {  	v1 =	vld [tilespmem:s17+$0xFFFFFF60];
	_ =	sdelay $0x1  }
0x9f: {  	v2 =	vld [tilespmem:s17+$0xFFFFFFA0];
	_ =	sdelay $0x1  }
0xa0: {  	v3 =	vld [tilespmem:s17+$0xFFFFFFE0]  }
0xa1: {  	v0 =	vadd.f32 v1, v0  }
0xa2: {  	v1 =	vld [tilespmem:s17+$0x20]  }
0xa3: {  	v0 =	vadd.f32 v2, v0  }
0xa4: {  	v2 =	vld [tilespmem:s17+$0x60]  }
0xa5: {  	v0 =	vadd.f32 v3, v0  }
0xa6: {  	v3 =	vld [tilespmem:s17+$0xA0]  }
0xa7: {  	v0 =	vadd.f32 v1, v0  }
0xa8: {  	v1 =	vld [tilespmem:s17+$0xE0]  }
0xa9: {  	v0 =	vadd.f32 v2, v0;
	_ =	sdelay $0x1  }
0xaa: {  	v0 =	vadd.f32 v3, v0;
	_ =	sdelay $0x1  }
0xab: {  	v0 =	vadd.f32 v1, v0;
	_ =	sdelay $0x1  }
0xac: {  	[tilespmem:s18+$0x1E520] =	vst v0  }
0xad: {  	v0 =	vld [tilespmem:s17+$0xFFFFFF30]  }
0xae: {  	v1 =	vld [tilespmem:s17+$0xFFFFFF70]  }
0xaf: {  	v2 =	vld [tilespmem:s17+$0xFFFFFFB0]  }
0xb0: {  	v3 =	vld [tilespmem:s17+$0xFFFFFFF0]  }
0xb1: {  	v4 =	vld [tilespmem:s17+$0x30]  }
0xb2: {  	v5 =	vld [tilespmem:s17+$0x70]  }
0xb3: {  	v6 =	vadd.f32 v1, v0;
	v1 =	vld [tilespmem:s17+$0xB0]  }
0xb4: {  	v0 =	vld [tilespmem:s17+$0xF0]  }
0xb5: {  	v2 =	vadd.f32 v2, v6;
	_ =	sdelay $0x1  }
.Ltmp2:
0xb6: {  	v2 =	vadd.f32 v3, v2;
	(pc) =	sbr.rel @p0 .LBB2_2-.Ltmp2, $3  }
0xb7: {  	_ = 	snop  }
0xb8: {  	v2 =	vadd.f32 v4, v2;
	_ =	sdelay $0x1  }
0xb9: {  	v2 =	vadd.f32 v5, v2  }
0xba: {  	_ = 	snop  }
0xbb: {  	v1 =	vadd.f32 v1, v2;
	_ =	sdelay $0x1  }
0xbc: {  	v0 =	vadd.f32 v0, v1;
	_ =	sdelay $0x1  }
0xbd: {  	s3 =	simm.s32 $0x0;
	s4 =	rddreg [dreg:$0x7];
	[tilespmem:s18+$0x1E530] =	vst v0  }
0xbe: {  	[tilespmem:s3], [sflag:$0xA] =	stream.linear.gather [hbm4b:s4+s3], $0x100, $0x38;
	[tilespmem:$0x1F500] =	vst v63  }
0xbf: {  	_ =	swait.ge [sflag:s13], $0x100  }
0xc0: {  	[sflag:s13] =	ssyncset.done $0x0  }
0xc1: {  	[sflag:s13] =	ssyncadd.s32 $0xFFFFFF00  }
0xc2: {  	[tilespmem:s21], [sflag:$0x2] =	stream.indirect.gather [hbm4b:s10+s21], $0x40, s3, s21, $0xb8;
	[tilespmem:$0x1F500] =	vst v63  }
0xc3: {  	_ =	swait.ge [sflag:s23], $0x4000  }
0xc4: {  	[sflag:s23] =	ssyncset.done $0x0  }
0xc5: {  	s17 =	simm.s32 $0x200;
	[sflag:s23] =	ssyncadd.s32 $0xFFFFC000  }
0xc6: {  	v0 =	vld [tilespmem:s17+$0xFFFFFF40]  }
0xc7: {  	v1 =	vld [tilespmem:s17+$0xFFFFFF00];
	_ =	sdelay $0x1  }
0xc8: {  	v2 =	vld [tilespmem:s17+$0xFFFFFF80];
	_ =	sdelay $0x1  }
0xc9: {  	v3 =	vld [tilespmem:s17+$0xFFFFFFC0]  }
0xca: {  	v0 =	vadd.f32 v0, v1  }
0xcb: {  	v1 =	vld [tilespmem:s17+$0x0]  }
0xcc: {  	v0 =	vadd.f32 v2, v0  }
0xcd: {  	v2 =	vld [tilespmem:s17+$0x40]  }
0xce: {  	v0 =	vadd.f32 v3, v0  }
0xcf: {  	v3 =	vld [tilespmem:s17+$0x80]  }
0xd0: {  	v0 =	vadd.f32 v1, v0  }
0xd1: {  	v1 =	vld [tilespmem:s17+$0xC0]  }
0xd2: {  	v0 =	vadd.f32 v2, v0;
	_ =	sdelay $0x1  }
0xd3: {  	v0 =	vadd.f32 v3, v0;
	_ =	sdelay $0x1  }
0xd4: {  	v0 =	vadd.f32 v1, v0  }
0xd5: {  	s18 =	simm.s32 $0x0  }
0xd6: {  	[tilespmem:s18+$0x1ED00] =	vst v0  }
0xd7: {  	v0 =	vld [tilespmem:s17+$0xFFFFFF10]  }
0xd8: {  	v1 =	vld [tilespmem:s17+$0xFFFFFF50];
	_ =	sdelay $0x1  }
0xd9: {  	v2 =	vld [tilespmem:s17+$0xFFFFFF90];
	_ =	sdelay $0x1  }
0xda: {  	v3 =	vld [tilespmem:s17+$0xFFFFFFD0]  }
0xdb: {  	v0 =	vadd.f32 v1, v0  }
0xdc: {  	v1 =	vld [tilespmem:s17+$0x10]  }
0xdd: {  	v0 =	vadd.f32 v2, v0  }
0xde: {  	v2 =	vld [tilespmem:s17+$0x50]  }
0xdf: {  	v0 =	vadd.f32 v3, v0  }
0xe0: {  	v3 =	vld [tilespmem:s17+$0x90]  }
0xe1: {  	v0 =	vadd.f32 v1, v0  }
0xe2: {  	v1 =	vld [tilespmem:s17+$0xD0]  }
0xe3: {  	v0 =	vadd.f32 v2, v0;
	_ =	sdelay $0x1  }
0xe4: {  	v0 =	vadd.f32 v3, v0;
	_ =	sdelay $0x1  }
0xe5: {  	v0 =	vadd.f32 v1, v0;
	_ =	sdelay $0x1  }
0xe6: {  	[tilespmem:s18+$0x1ED10] =	vst v0  }
0xe7: {  	v0 =	vld [tilespmem:s17+$0xFFFFFF20]  }
0xe8: {  	v1 =	vld [tilespmem:s17+$0xFFFFFF60];
	_ =	sdelay $0x1  }
0xe9: {  	v2 =	vld [tilespmem:s17+$0xFFFFFFA0];
	_ =	sdelay $0x1  }
0xea: {  	v3 =	vld [tilespmem:s17+$0xFFFFFFE0]  }
0xeb: {  	v0 =	vadd.f32 v1, v0  }
0xec: {  	v1 =	vld [tilespmem:s17+$0x20]  }
0xed: {  	v0 =	vadd.f32 v2, v0  }
0xee: {  	v2 =	vld [tilespmem:s17+$0x60]  }
0xef: {  	v0 =	vadd.f32 v3, v0  }
0xf0: {  	v3 =	vld [tilespmem:s17+$0xA0]  }
0xf1: {  	v0 =	vadd.f32 v1, v0  }
0xf2: {  	v1 =	vld [tilespmem:s17+$0xE0]  }
0xf3: {  	v0 =	vadd.f32 v2, v0;
	_ =	sdelay $0x1  }
0xf4: {  	v0 =	vadd.f32 v3, v0;
	_ =	sdelay $0x1  }
0xf5: {  	v0 =	vadd.f32 v1, v0;
	_ =	sdelay $0x1  }
0xf6: {  	[tilespmem:s18+$0x1ED20] =	vst v0  }
0xf7: {  	v0 =	vld [tilespmem:s17+$0xFFFFFF30]  }
0xf8: {  	v1 =	vld [tilespmem:s17+$0xFFFFFF70];
	_ =	sdelay $0x1  }
0xf9: {  	v2 =	vld [tilespmem:s17+$0xFFFFFFB0];
	_ =	sdelay $0x1  }
0xfa: {  	v3 =	vld [tilespmem:s17+$0xFFFFFFF0]  }
0xfb: {  	v0 =	vadd.f32 v1, v0  }
0xfc: {  	v1 =	vld [tilespmem:s17+$0x30]  }
0xfd: {  	v0 =	vadd.f32 v2, v0;
	_ =	sdelay $0x1  }
0xfe: {  	v2 =	vld [tilespmem:s17+$0x70];
	v0 =	vadd.f32 v3, v0;
	_ =	sdelay $0x1  }
0xff: {  	v3 =	vadd.f32 v1, v0;
	v1 =	vld [tilespmem:s17+$0xB0];
	_ =	sdelay $0x1  }
0x100: {  	v0 =	vld [tilespmem:s17+$0xF0]  }
0x101: {  	s3 =	simm.s32 $0x100;
	v2 =	vadd.f32 v2, v3  }
.LBB2_4:
0x102: {  	p0 =	sne.s32 s3, $0x1F00  }
0x103: {  	s17 =	sadd.s32 $0x200, s17;
	s4 =	smov.u32 s3;
	s3 =	sadd.s32 $0x100, s3;
	v1 =	vadd.f32 v1, v2  }
0x104: {  	_ = 	snop  }
0x105: {  	v0 =	vadd.f32 v0, v1;
	_ =	sdelay $0x1  }
0x106: {  	[tilespmem:s18+$0x1ED30] =	vst v0  }
0x107: {  	v0 =	vld [tilespmem:s17+$0xFFFFFF40]  }
0x108: {  	v1 =	vld [tilespmem:s17+$0xFFFFFF00];
	_ =	sdelay $0x1  }
0x109: {  	v2 =	vld [tilespmem:s17+$0xFFFFFF80];
	_ =	sdelay $0x1  }
0x10a: {  	v3 =	vld [tilespmem:s17+$0xFFFFFFC0]  }
0x10b: {  	v0 =	vadd.f32 v0, v1  }
0x10c: {  	v1 =	vld [tilespmem:s17+$0x0]  }
0x10d: {  	v0 =	vadd.f32 v2, v0  }
0x10e: {  	v2 =	vld [tilespmem:s17+$0x40]  }
0x10f: {  	v0 =	vadd.f32 v3, v0  }
0x110: {  	v3 =	vld [tilespmem:s17+$0x80]  }
0x111: {  	v0 =	vadd.f32 v1, v0  }
0x112: {  	v1 =	vld [tilespmem:s17+$0xC0]  }
0x113: {  	v0 =	vadd.f32 v2, v0;
	_ =	sdelay $0x1  }
0x114: {  	v0 =	vadd.f32 v3, v0;
	_ =	sdelay $0x1  }
0x115: {  	v0 =	vadd.f32 v1, v0  }
0x116: {  	s18 =	sshra.s32 s4, $0x2  }
0x117: {  	[tilespmem:s18+$0x1ED00] =	vst v0  }
0x118: {  	v0 =	vld [tilespmem:s17+$0xFFFFFF10]  }
0x119: {  	v1 =	vld [tilespmem:s17+$0xFFFFFF50];
	_ =	sdelay $0x1  }
0x11a: {  	v2 =	vld [tilespmem:s17+$0xFFFFFF90];
	_ =	sdelay $0x1  }
0x11b: {  	v3 =	vld [tilespmem:s17+$0xFFFFFFD0]  }
0x11c: {  	v0 =	vadd.f32 v1, v0  }
0x11d: {  	v1 =	vld [tilespmem:s17+$0x10]  }
0x11e: {  	v0 =	vadd.f32 v2, v0  }
0x11f: {  	v2 =	vld [tilespmem:s17+$0x50]  }
0x120: {  	v0 =	vadd.f32 v3, v0  }
0x121: {  	v3 =	vld [tilespmem:s17+$0x90]  }
0x122: {  	v0 =	vadd.f32 v1, v0  }
0x123: {  	v1 =	vld [tilespmem:s17+$0xD0]  }
0x124: {  	v0 =	vadd.f32 v2, v0;
	_ =	sdelay $0x1  }
0x125: {  	v0 =	vadd.f32 v3, v0;
	_ =	sdelay $0x1  }
0x126: {  	v0 =	vadd.f32 v1, v0;
	_ =	sdelay $0x1  }
0x127: {  	[tilespmem:s18+$0x1ED10] =	vst v0  }
0x128: {  	v0 =	vld [tilespmem:s17+$0xFFFFFF20]  }
0x129: {  	v1 =	vld [tilespmem:s17+$0xFFFFFF60];
	_ =	sdelay $0x1  }
0x12a: {  	v2 =	vld [tilespmem:s17+$0xFFFFFFA0];
	_ =	sdelay $0x1  }
0x12b: {  	v3 =	vld [tilespmem:s17+$0xFFFFFFE0]  }
0x12c: {  	v0 =	vadd.f32 v1, v0  }
0x12d: {  	v1 =	vld [tilespmem:s17+$0x20]  }
0x12e: {  	v0 =	vadd.f32 v2, v0  }
0x12f: {  	v2 =	vld [tilespmem:s17+$0x60]  }
0x130: {  	v0 =	vadd.f32 v3, v0  }
0x131: {  	v3 =	vld [tilespmem:s17+$0xA0]  }
0x132: {  	v0 =	vadd.f32 v1, v0  }
0x133: {  	v1 =	vld [tilespmem:s17+$0xE0]  }
0x134: {  	v0 =	vadd.f32 v2, v0;
	_ =	sdelay $0x1  }
0x135: {  	v0 =	vadd.f32 v3, v0;
	_ =	sdelay $0x1  }
0x136: {  	v0 =	vadd.f32 v1, v0;
	_ =	sdelay $0x1  }
0x137: {  	[tilespmem:s18+$0x1ED20] =	vst v0  }
0x138: {  	v0 =	vld [tilespmem:s17+$0xFFFFFF30]  }
0x139: {  	v1 =	vld [tilespmem:s17+$0xFFFFFF70]  }
0x13a: {  	v2 =	vld [tilespmem:s17+$0xFFFFFFB0]  }
0x13b: {  	v3 =	vld [tilespmem:s17+$0xFFFFFFF0]  }
0x13c: {  	v4 =	vld [tilespmem:s17+$0x30]  }
0x13d: {  	v5 =	vld [tilespmem:s17+$0x70]  }
0x13e: {  	v6 =	vadd.f32 v1, v0;
	v1 =	vld [tilespmem:s17+$0xB0]  }
0x13f: {  	v0 =	vld [tilespmem:s17+$0xF0]  }
0x140: {  	v2 =	vadd.f32 v2, v6;
	_ =	sdelay $0x1  }
.Ltmp3:
0x141: {  	v2 =	vadd.f32 v3, v2;
	(pc) =	sbr.rel @p0 .LBB2_4-.Ltmp3, $3  }
0x142: {  	_ = 	snop  }
0x143: {  	v2 =	vadd.f32 v4, v2;
	_ =	sdelay $0x1  }
0x144: {  	v2 =	vadd.f32 v5, v2  }
0x145: {  	_ = 	snop  }
0x146: {  	v1 =	vadd.f32 v1, v2;
	_ =	sdelay $0x1  }
0x147: {  	v0 =	vadd.f32 v0, v1;
	_ =	sdelay $0x1  }
0x148: {  	s17 =	simm.s32 $0x0;
	s3 =	rddreg [dreg:$0x8];
	s4 =	simm.s32 $0x1E500;
	[tilespmem:s18+$0x1ED30] =	vst v0  }
0x149: {  	[hbm4b:s3+s17] =	stream.linear.scatter [tilespmem:s4], [sflag:$0xA], $0x1000, $0x38;
	[tilespmem:$0x1F500] =	vst v63  }
0x14a: {  	_ =	swait.ge [sflag:s13], $0x1000  }
0x14b: {  	[sflag:s13] =	ssyncset.done $0x0  }
0x14c: {  	[sflag:s13] =	ssyncadd.s32 $0xFFFFF000  }
0x14d: {  	s10 =	simm.s32 $0x1;
	[bflag:$0x0] =	sbarrier.arrive $0xFFFF  }
0x14e: {  	_ =	swait.ge [sflag:s10], $0x3200  }
0x14f: {  	[sflag:s10] =	ssyncset.done $0x0  }
0x150: {  	[sflag:s10] =	ssyncadd.s32 $0xFFFFCE00  }
0x151: {  	_ =	swait.ge [sflag:s10], $0x3200  }
0x152: {  	[sflag:s10] =	ssyncset.done $0x0  }
0x153: {  	[sflag:s10] =	ssyncadd.s32 $0xFFFFCE00  }
0x154: {  	[tilespmem:s28], [sflag:$0x2] =	stream.indirect.gather [hbm4b:s2+s26], $0x40, s11, s26, $0xb8;
	[tilespmem:$0x1F500] =	vst v63  }
0x155: {  	_ = 	snop  }
0x156: {  	[tilespmem:s29], [sflag:$0x2] =	stream.indirect.gather [hbm4b:s2+s26], $0x40, s12, s26, $0xb8;
	[tilespmem:$0x1F500] =	vst v63  }
0x157: {  	s11 =	simm.s32 $0x41A0  }
0x158: {  	[tilespmem:s31], [sflag:$0x3] =	stream.indirect.gather [hbm4b:s2+s26], $0x40, s11, s26, $0xb8;
	[tilespmem:$0x1F500] =	vst v63  }
0x159: {  	s12 =	simm.s32 $0x73A0  }
0x15a: {  	[tilespmem:s0], [sflag:$0x3] =	stream.indirect.gather [hbm4b:s2+s26], $0x40, s12, s26, $0xb8;
	[tilespmem:$0x1F500] =	vst v63  }
0x15b: {  	_ =	swait.ge [sflag:s23], $0x2800  }
0x15c: {  	[sflag:s23] =	ssyncset.done $0x0  }
0x15d: {  	[sflag:s23] =	ssyncadd.s32 $0xFFFFD800  }
0x15e: {  	_ =	swait.ge [sflag:s23], $0x2800  }
0x15f: {  	[sflag:s23] =	ssyncset.done $0x0  }
0x160: {  	s13 =	rddreg [dreg:$0x9];
	[sflag:s23] =	ssyncadd.s32 $0xFFFFD800  }
0x161: {  	[hbm4b:s13+s24] =	stream.strided.scatter [tilespmem:s28], [sflag:$0x6], $0x2800, s30, s24, $0x38;
	[tilespmem:$0x1F500] =	vst v63  }
0x162: {  	s3 =	sadd.s32 $0x8, s13  }
0x163: {  	[hbm4b:s3+s24] =	stream.strided.scatter [tilespmem:s29], [sflag:$0x6], $0x2800, s30, s24, $0x38;
	[tilespmem:$0x1F500] =	vst v63  }
0x164: {  	s18 =	simm.s32 $0x4240  }
0x165: {  	[tilespmem:s1], [sflag:$0x4] =	stream.indirect.gather [hbm4b:s2+s26], $0x40, s18, s26, $0xb8;
	[tilespmem:$0x1F500] =	vst v63  }
0x166: {  	s21 =	simm.s32 $0x7440  }
0x167: {  	[tilespmem:s5], [sflag:$0x4] =	stream.indirect.gather [hbm4b:s2+s26], $0x40, s21, s26, $0xb8;
	[tilespmem:$0x1F500] =	vst v63  }
0x168: {  	_ =	swait.ge [sflag:s6], $0x2800  }
0x169: {  	[sflag:s6] =	ssyncset.done $0x0  }
0x16a: {  	[sflag:s6] =	ssyncadd.s32 $0xFFFFD800  }
0x16b: {  	_ =	swait.ge [sflag:s6], $0x2800  }
0x16c: {  	[sflag:s6] =	ssyncset.done $0x0  }
0x16d: {  	s25 =	rddreg [dreg:$0xa];
	[sflag:s6] =	ssyncadd.s32 $0xFFFFD800  }
0x16e: {  	[hbm4b:s25+s24] =	stream.strided.scatter [tilespmem:s31], [sflag:$0x7], $0x2800, s30, s24, $0x38;
	[tilespmem:$0x1F500] =	vst v63  }
0x16f: {  	s3 =	sadd.s32 $0x8, s25  }
0x170: {  	[hbm4b:s3+s24] =	stream.strided.scatter [tilespmem:s0], [sflag:$0x7], $0x2800, s30, s24, $0x38;
	[tilespmem:$0x1F500] =	vst v63  }
0x171: {  	s4 =	simm.s32 $0x42E0  }
0x172: {  	[tilespmem:s7], [sflag:$0x5] =	stream.indirect.gather [hbm4b:s2+s26], $0x40, s4, s26, $0xb8;
	[tilespmem:$0x1F500] =	vst v63  }
0x173: {  	s10 =	simm.s32 $0x74E0  }
0x174: {  	[tilespmem:s8], [sflag:$0x5] =	stream.indirect.gather [hbm4b:s2+s26], $0x40, s10, s26, $0xb8;
	[tilespmem:$0x1F500] =	vst v63  }
0x175: {  	_ =	swait.ge [sflag:s9], $0x2800  }
0x176: {  	[sflag:s9] =	ssyncset.done $0x0  }
0x177: {  	[sflag:s9] =	ssyncadd.s32 $0xFFFFD800  }
0x178: {  	_ =	swait.ge [sflag:s9], $0x2800  }
0x179: {  	[sflag:s9] =	ssyncset.done $0x0  }
0x17a: {  	s11 =	rddreg [dreg:$0xb];
	[sflag:s9] =	ssyncadd.s32 $0xFFFFD800  }
0x17b: {  	[hbm4b:s11+s24] =	stream.strided.scatter [tilespmem:s1], [sflag:$0x8], $0x2800, s30, s24, $0x38;
	[tilespmem:$0x1F500] =	vst v63  }
0x17c: {  	s3 =	sadd.s32 $0x8, s11  }
0x17d: {  	[hbm4b:s3+s24] =	stream.strided.scatter [tilespmem:s5], [sflag:$0x8], $0x2800, s30, s24, $0x38;
	[tilespmem:$0x1F500] =	vst v63  }
0x17e: {  	_ =	swait.ge [sflag:s19], $0x2800  }
0x17f: {  	[sflag:s19] =	ssyncset.done $0x0  }
0x180: {  	[sflag:s19] =	ssyncadd.s32 $0xFFFFD800  }
0x181: {  	_ =	swait.ge [sflag:s19], $0x2800  }
0x182: {  	[sflag:s19] =	ssyncset.done $0x0  }
0x183: {  	s12 =	simm.s32 $0x4380;
	[sflag:s19] =	ssyncadd.s32 $0xFFFFD800  }
0x184: {  	[tilespmem:s28], [sflag:$0x2] =	stream.indirect.gather [hbm4b:s2+s26], $0x40, s12, s26, $0xb8;
	[tilespmem:$0x1F500] =	vst v63  }
0x185: {  	s13 =	simm.s32 $0x7580  }
0x186: {  	[tilespmem:s29], [sflag:$0x2] =	stream.indirect.gather [hbm4b:s2+s26], $0x40, s13, s26, $0xb8;
	[tilespmem:$0x1F500] =	vst v63  }
0x187: {  	_ =	swait.ge [sflag:s20], $0x2800  }
0x188: {  	[sflag:s20] =	ssyncset.done $0x0  }
0x189: {  	[sflag:s20] =	ssyncadd.s32 $0xFFFFD800  }
0x18a: {  	_ =	swait.ge [sflag:s20], $0x2800  }
0x18b: {  	[sflag:s20] =	ssyncset.done $0x0  }
0x18c: {  	s18 =	rddreg [dreg:$0xc];
	[sflag:s20] =	ssyncadd.s32 $0xFFFFD800  }
0x18d: {  	[hbm4b:s18+s24] =	stream.strided.scatter [tilespmem:s7], [sflag:$0x9], $0x2800, s30, s24, $0x38;
	[tilespmem:$0x1F500] =	vst v63  }
0x18e: {  	s3 =	sadd.s32 $0x8, s18  }
0x18f: {  	[hbm4b:s3+s24] =	stream.strided.scatter [tilespmem:s8], [sflag:$0x9], $0x2800, s30, s24, $0x38;
	[tilespmem:$0x1F500] =	vst v63  }
0x190: {  	_ =	swait.ge [sflag:s22], $0x2800  }
0x191: {  	[sflag:s22] =	ssyncset.done $0x0  }
0x192: {  	[sflag:s22] =	ssyncadd.s32 $0xFFFFD800  }
0x193: {  	_ =	swait.ge [sflag:s22], $0x2800  }
0x194: {  	s3 =	rddreg [dreg:$0x11]  }
0x195: {  	[sflag:s22] =	ssyncset.done $0x0;
	s18 =	rddreg [dreg:$0x10]  }
0x196: {  	s21 =	simm.s32 $0x4420;
	s4 =	rddreg [dreg:$0xf];
	[sflag:s22] =	ssyncadd.s32 $0xFFFFD800  }
0x197: {  	[tilespmem:s31], [sflag:$0x3] =	stream.indirect.gather [hbm4b:s2+s26], $0x40, s21, s26, $0xb8;
	[tilespmem:$0x1F500] =	vst v63  }
0x198: {  	s25 =	simm.s32 $0x7620;
	s11 =	rddreg [dreg:$0xe]  }
0x199: {  	[tilespmem:s0], [sflag:$0x3] =	stream.indirect.gather [hbm4b:s2+s26], $0x40, s25, s26, $0xb8;
	[tilespmem:$0x1F500] =	vst v63  }
.LBB2_6:
0x19a: {  	_ =	swait.ge [sflag:s23], $0x2800  }
0x19b: {  	[sflag:s23] =	ssyncset.done $0x0  }
0x19c: {  	[sflag:s23] =	ssyncadd.s32 $0xFFFFD800  }
0x19d: {  	_ =	swait.ge [sflag:s23], $0x2800  }
0x19e: {  	[sflag:s23] =	ssyncset.done $0x0  }
0x19f: {  	[sflag:s23] =	ssyncadd.s32 $0xFFFFD800  }
0x1a0: {  	[hbm4b:s3+s24] =	stream.strided.scatter [tilespmem:s28], [sflag:$0x6], $0x2800, s30, s24, $0x38;
	[tilespmem:$0x1F500] =	vst v63  }
0x1a1: {  	s12 =	sadd.s32 $0x8, s3  }
0x1a2: {  	[hbm4b:s12+s24] =	stream.strided.scatter [tilespmem:s29], [sflag:$0x6], $0x2800, s30, s24, $0x38;
	[tilespmem:$0x1F500] =	vst v63  }
0x1a3: {  	_ =	swait.ge [sflag:s14], $0x2800  }
0x1a4: {  	[sflag:s14] =	ssyncset.done $0x0  }
0x1a5: {  	[sflag:s14] =	ssyncadd.s32 $0xFFFFD800  }
0x1a6: {  	_ =	swait.ge [sflag:s14], $0x2800  }
0x1a7: {  	s12 =	sshra.s32 s17, $0x2;
	[sflag:s14] =	ssyncset.done $0x0  }
0x1a8: {  	s13 =	sadd.s32 $0x44C0, s12;
	[sflag:s14] =	ssyncadd.s32 $0xFFFFD800  }
0x1a9: {  	[tilespmem:s1], [sflag:$0x4] =	stream.indirect.gather [hbm4b:s2+s26], $0x40, s13, s26, $0xb8;
	[tilespmem:$0x1F500] =	vst v63  }
0x1aa: {  	s10 =	sadd.s32 $0x76C0, s12  }
0x1ab: {  	[tilespmem:s5], [sflag:$0x4] =	stream.indirect.gather [hbm4b:s2+s26], $0x40, s10, s26, $0xb8;
	[tilespmem:$0x1F500] =	vst v63  }
0x1ac: {  	_ =	swait.ge [sflag:s6], $0x2800  }
0x1ad: {  	[sflag:s6] =	ssyncset.done $0x0  }
0x1ae: {  	[sflag:s6] =	ssyncadd.s32 $0xFFFFD800  }
0x1af: {  	_ =	swait.ge [sflag:s6], $0x2800  }
0x1b0: {  	[sflag:s6] =	ssyncset.done $0x0  }
0x1b1: {  	[sflag:s6] =	ssyncadd.s32 $0xFFFFD800  }
0x1b2: {  	[hbm4b:s18+s24] =	stream.strided.scatter [tilespmem:s31], [sflag:$0x7], $0x2800, s30, s24, $0x38;
	[tilespmem:$0x1F500] =	vst v63  }
0x1b3: {  	s21 =	sadd.s32 $0x8, s18  }
0x1b4: {  	[hbm4b:s21+s24] =	stream.strided.scatter [tilespmem:s0], [sflag:$0x7], $0x2800, s30, s24, $0x38;
	[tilespmem:$0x1F500] =	vst v63  }
0x1b5: {  	_ =	swait.ge [sflag:s15], $0x2800  }
0x1b6: {  	[sflag:s15] =	ssyncset.done $0x0  }
0x1b7: {  	[sflag:s15] =	ssyncadd.s32 $0xFFFFD800  }
0x1b8: {  	_ =	swait.ge [sflag:s15], $0x2800  }
0x1b9: {  	[sflag:s15] =	ssyncset.done $0x0  }
0x1ba: {  	s25 =	sadd.s32 $0x4560, s12;
	[sflag:s15] =	ssyncadd.s32 $0xFFFFD800  }
0x1bb: {  	[tilespmem:s7], [sflag:$0x5] =	stream.indirect.gather [hbm4b:s2+s26], $0x40, s25, s26, $0xb8;
	[tilespmem:$0x1F500] =	vst v63  }
0x1bc: {  	s10 =	sadd.s32 $0x7760, s12  }
0x1bd: {  	[tilespmem:s8], [sflag:$0x5] =	stream.indirect.gather [hbm4b:s2+s26], $0x40, s10, s26, $0xb8;
	[tilespmem:$0x1F500] =	vst v63  }
0x1be: {  	_ =	swait.ge [sflag:s9], $0x2800  }
0x1bf: {  	[sflag:s9] =	ssyncset.done $0x0  }
0x1c0: {  	[sflag:s9] =	ssyncadd.s32 $0xFFFFD800  }
0x1c1: {  	_ =	swait.ge [sflag:s9], $0x2800  }
0x1c2: {  	[sflag:s9] =	ssyncset.done $0x0  }
0x1c3: {  	[sflag:s9] =	ssyncadd.s32 $0xFFFFD800  }
0x1c4: {  	[hbm4b:s4+s24] =	stream.strided.scatter [tilespmem:s1], [sflag:$0x8], $0x2800, s30, s24, $0x38;
	[tilespmem:$0x1F500] =	vst v63  }
0x1c5: {  	s21 =	sadd.s32 $0x8, s4  }
0x1c6: {  	[hbm4b:s21+s24] =	stream.strided.scatter [tilespmem:s5], [sflag:$0x8], $0x2800, s30, s24, $0x38;
	[tilespmem:$0x1F500] =	vst v63  }
0x1c7: {  	_ =	swait.ge [sflag:s19], $0x2800  }
0x1c8: {  	[sflag:s19] =	ssyncset.done $0x0  }
0x1c9: {  	[sflag:s19] =	ssyncadd.s32 $0xFFFFD800  }
0x1ca: {  	p0 =	seq.s32 s17, $0xB400;
	_ =	swait.ge [sflag:s19], $0x2800  }
0x1cb: {  	s13 =	sshra.s32 @!p0 s17, $0x2;
	s25 =	simm.s32 @!p0 $0xA0;
	[sflag:s19] =	ssyncset.done $0x0  }
0x1cc: {  	s10 =	sadd.s32 @!p0 $0x4600, s13;
	s21 =	simm.s32 @!p0 $0xA500;
	[sflag:s19] =	ssyncadd.s32 $0xFFFFD800  }
0x1cd: {  	[tilespmem:s21], [sflag:$0x2] =	stream.indirect.gather @!p0 [hbm4b:s2+s25], $0x40, s10, s25, $0xb8;
	[tilespmem:$0x1F500] =	vst v63  }
0x1ce: {  	s10 =	sadd.s32 @!p0 $0x7800, s13;
	s13 =	simm.s32 @!p0 $0x14500  }
0x1cf: {  	[tilespmem:s13], [sflag:$0x2] =	stream.indirect.gather @!p0 [hbm4b:s2+s25], $0x40, s10, s25, $0xb8;
	[tilespmem:$0x1F500] =	vst v63  }
0x1d0: {  	_ =	swait.ge [sflag:s20], $0x2800  }
0x1d1: {  	[sflag:s20] =	ssyncset.done $0x0  }
0x1d2: {  	[sflag:s20] =	ssyncadd.s32 $0xFFFFD800  }
0x1d3: {  	_ =	swait.ge [sflag:s20], $0x2800  }
0x1d4: {  	[sflag:s20] =	ssyncset.done $0x0  }
0x1d5: {  	[sflag:s20] =	ssyncadd.s32 $0xFFFFD800  }
0x1d6: {  	[hbm4b:s11+s24] =	stream.strided.scatter [tilespmem:s7], [sflag:$0x9], $0x2800, s30, s24, $0x38;
	[tilespmem:$0x1F500] =	vst v63  }
0x1d7: {  	s25 =	sadd.s32 $0x8, s11  }
0x1d8: {  	[hbm4b:s25+s24] =	stream.strided.scatter [tilespmem:s8], [sflag:$0x9], $0x2800, s30, s24, $0x38;
	[tilespmem:$0x1F500] =	vst v63  }
0x1d9: {  	_ =	swait.ge [sflag:s22], $0x2800  }
.Ltmp4:
0x1da: {  	[sflag:s22] =	ssyncset.done $0x0;
	(pc) =	sbr.rel @p0 .LBB2_8-.Ltmp4, $4  }
0x1db: {  	[sflag:s22] =	ssyncadd.s32 $0xFFFFD800  }
0x1dc: {  	_ =	swait.ge [sflag:s22], $0x2800  }
0x1dd: {  	[sflag:s22] =	ssyncset.done $0x0  }
0x1de: {  	[sflag:s22] =	ssyncadd.s32 $0xFFFFD800  }
.Ltmp5:
0x1df: {  	s10 =	sadd.s32 $0x46A0, s12;
	(pc) =	sbr.rel .LBB2_6-.Ltmp5, $4  }
0x1e0: {  	s25 =	sadd.s32 $0x78A0, s12;
	s17 =	sadd.s32 $0xA00, s17;
	s11 =	sadd.s32 $0x2800, s11  }
0x1e1: {  	[tilespmem:s31], [sflag:$0x3] =	stream.indirect.gather [hbm4b:s2+s26], $0x40, s10, s26, $0xb8;
	[tilespmem:$0x1F500] =	vst v63  }
0x1e2: {  	s4 =	sadd.s32 $0x2800, s4;
	s18 =	sadd.s32 $0x2800, s18;
	s3 =	sadd.s32 $0x2800, s3  }
0x1e3: {  	[tilespmem:s0], [sflag:$0x3] =	stream.indirect.gather [hbm4b:s2+s26], $0x40, s25, s26, $0xb8;
	[tilespmem:$0x1F500] =	vst v63  }
.LBB2_9:
0x1e4: {  	_ =	sfence.sel $0x180000  }
0x1e5: {  	[bflag:$0x0] =	sbarrier.arrive $0xFFFF  }
0x1e6: {  	_ =	strace $0x90000047  }
0x1e7: {  	s0 =	stileid.u32;
	[bflag:$0x2] =	sbarrier.arrive $0xFFFF  }
0x1e8: {  	p0 =	sne.s32 s0, $0x0;
	s0 =	rddreg [dreg:$0x2]  }
0x1e9: {  	s0 =	sadd.s32 @!p0 $0x100000, s0  }
0x1ea: {  	[sflag:s0] =	ssyncadd.tile.s32 @!p0 $0x1;
	_ =	shalt  }
.Lfunc_end2:
_tile_overlayer_lowered:
.L_overlay_start_2:
0x1eb: {  	(tag) =	ssettag $0x2  }
0x1ec: {  	s0 =	rddreg [dreg:$0x0];
	s2 =	stileid.u32  }
0x1ed: {  	s1 =	rddreg [dreg:$0x1];
	p0 =	sne.s32 s2, $0x0  }
0x1ee: {  	s3 =	rddreg [dreg:$0x2];
	[bflag:$0x3] =	sbarrier.arrive $0xFFFF;
	s2 =	simm.s32 @!p0 $0x1C0A  }
0x1ef: {  	[timem:s3], [sflag:s2] =	dma.local @!p0 [hbm:s0], s1  }
0x1f0: {  	s0 =	simm.s32 @!p0 $0xA  }
0x1f1: {  	_ =	swait.ge @!p0 [sflag:s0], s1  }
0x1f2: {  	s1 =	ssub.s32 @!p0 $0x0, s1;
	[sflag:s0] =	ssyncset.done @!p0 $0x0  }
0x1f3: {  	[sflag:s0] =	ssyncadd.s32 @!p0 s1  }
0x1f4: {  	[bflag:$0x3] =	sbarrier.arrive $0xFFFF  }
0x1f5: {  	_ =	shalt  }

</sc_bundles>
